<compile_context>
chip_gen: v7x
topology: tpu7x:2x2x1
jax: 0.10.2.dev20260603
libtpu: 0.0.44.dev20260713+nightly
codegen_flags: <defaults>
</compile_context>

<pallas_src>
import functools

import jax
import jax.numpy as jnp
from jax import lax
from jax.experimental import pallas as pl
from jax.experimental.pallas import tpu as pltpu
from jax.experimental.pallas import tpu_sc as plsc

N, E, D, H = 10000, 320000, 128, 128
DG = 16
K = 128
NCORES = 2
NSUB = 16
NTILES = NCORES * NSUB
EPT = 10240
EPAD = NTILES * EPT - E
CH = EPT // K
NPH = 4
CPP = CH // NPH
NP = 10016
RPS = NP // NSUB
BM = 2000
NB = N // BM
EPS = 1e-5


def _lin_bn_relu_body(x_ref, w_ref, b_ref, g_ref, be_ref, f_ref, fb_ref,
                      h_ref, acc_ref):
    i = pl.program_id(0)

    @pl.when(i == 0)
    def _():
        acc_ref[...] = jnp.zeros_like(acc_ref)

    @pl.when(i < NB)
    def _():
        h = jnp.dot(x_ref[...], w_ref[...],
                    preferred_element_type=jnp.float32)
        h = h + b_ref[...]
        h_ref[pl.ds((i % NB) * BM, BM), :] = h
        acc_ref[0:1, :] += jnp.sum(h, axis=0, keepdims=True)
        acc_ref[1:2, :] += jnp.sum(h * h, axis=0, keepdims=True)

    @pl.when(i >= NB)
    def _():
        m = acc_ref[0:1, :] / N
        v = acc_ref[1:2, :] / N - m * m
        inv = g_ref[...] * lax.rsqrt(v + EPS)
        h = h_ref[pl.ds((i % NB) * BM, BM), :]
        f = jnp.maximum((h - m) * inv + be_ref[...], 0.0)
        f_ref[...] = f
        fb_ref[...] = f.astype(jnp.bfloat16)


def _fr_body(f_ref, wr_ref, bl_ref, o_ref):
    o = jnp.dot(f_ref[...], wr_ref[...], preferred_element_type=jnp.float32)
    o_ref[...] = o + bl_ref[...]


def _sc_agg_body(feat_hbm, edge_hbm, ones_hbm, zagg_hbm, zdeg_hbm,
                 agg_hbm, deg_hbm,
                 src_v, dst_v, ones_v, rows0_v, rows1_v, agg_sh, deg_sh,
                 sem0, sem1, semd, semz):
    c = lax.axis_index("c")
    s = lax.axis_index("s")
    wid = c * NSUB + s
    zagg_cp = pltpu.async_copy(zagg_hbm, agg_sh.at[pl.ds(s * RPS, RPS)], semz)
    zdeg_cp = pltpu.async_copy(zdeg_hbm, deg_sh.at[pl.ds(s * RPS, RPS)], semz)
    pltpu.sync_copy(ones_hbm, ones_v)

    for p in range(NPH):
        pltpu.sync_copy(edge_hbm.at[0, wid, pl.ds(p * CPP, CPP)], src_v)
        pltpu.sync_copy(edge_hbm.at[1, wid, pl.ds(p * CPP, CPP)], dst_v)
        pltpu.async_copy(feat_hbm.at[src_v.at[0]], rows0_v, sem0)
        if p == 0:
            zagg_cp.wait()
            zdeg_cp.wait()
            plsc.subcore_barrier()

        def body(t, carry):
            j0 = 2 * t
            pltpu.async_copy(feat_hbm.at[src_v.at[j0 + 1]], rows1_v, sem1)
            pltpu.make_async_copy(feat_hbm.at[src_v.at[j0]], rows0_v,
                                  sem0).wait()
            pltpu.sync_copy(rows0_v, agg_sh.at[dst_v.at[j0]], add=True)
            pltpu.async_copy(ones_v, deg_sh.at[dst_v.at[j0]], semd, add=True)

            @pl.when(j0 + 2 < CPP)
            def _():
                pltpu.async_copy(feat_hbm.at[src_v.at[j0 + 2]], rows0_v, sem0)

            pltpu.make_async_copy(feat_hbm.at[src_v.at[j0 + 1]], rows1_v,
                                  sem1).wait()
            pltpu.sync_copy(rows1_v, agg_sh.at[dst_v.at[j0 + 1]], add=True)
            pltpu.async_copy(ones_v, deg_sh.at[dst_v.at[j0 + 1]], semd,
                             add=True)
            return carry

        lax.fori_loop(0, CPP // 2, body, 0)

    def drain(j, carry):
        pltpu.make_async_copy(ones_hbm, ones_v, semd).wait()
        return carry

    lax.fori_loop(0, CH, drain, 0)
    plsc.subcore_barrier()
    pltpu.sync_copy(agg_sh.at[pl.ds(s * RPS, RPS)],
                    agg_hbm.at[c, pl.ds(s * RPS, RPS)])
    pltpu.sync_copy(deg_sh.at[pl.ds(s * RPS, RPS)],
                    deg_hbm.at[c, pl.ds(s * RPS, RPS)])


def _make_sc_agg():
    mesh = plsc.VectorSubcoreMesh(core_axis_name="c", subcore_axis_name="s")
    return pl.kernel(
        _sc_agg_body,
        out_type=(
            jax.ShapeDtypeStruct((NCORES, NP, D), jnp.bfloat16),
            jax.ShapeDtypeStruct((NCORES, NP, DG), jnp.float32),
        ),
        mesh=mesh,
        scratch_types=[
            pltpu.VMEM((CPP, K), jnp.int32),
            pltpu.VMEM((CPP, K), jnp.int32),
            pltpu.VMEM((K, DG), jnp.float32),
            pltpu.VMEM((K, D), jnp.bfloat16),
            pltpu.VMEM((K, D), jnp.bfloat16),
            pltpu.VMEM_SHARED((NP, D), jnp.bfloat16),
            pltpu.VMEM_SHARED((NP, DG), jnp.float32),
            pltpu.SemaphoreType.DMA,
            pltpu.SemaphoreType.DMA,
            pltpu.SemaphoreType.DMA,
            pltpu.SemaphoreType.DMA,
        ],
        compiler_params=pltpu.CompilerParams(use_tc_tiling_on_sc=False),
    )


def _conv_stats_body(a0_ref, a1_ref, d0_ref, d1_ref, fr_ref, wl_ref,
                     o_ref, st_ref, acc_ref):
    i = pl.program_id(0)

    @pl.when(i == 0)
    def _():
        acc_ref[...] = jnp.zeros_like(acc_ref)

    a = (a0_ref[0].astype(jnp.float32) + a1_ref[0].astype(jnp.float32))
    deg = jnp.sum(d0_ref[0] + d1_ref[0], axis=1, keepdims=True) * (1.0 / DG)
    mean = a / jnp.maximum(deg, 1.0)
    o = jnp.dot(mean, wl_ref[...], preferred_element_type=jnp.float32)
    o = o + fr_ref[...]
    o_ref[...] = o
    acc_ref[0:1, :] += jnp.sum(o, axis=0, keepdims=True)
    acc_ref[1:2, :] += jnp.sum(o * o, axis=0, keepdims=True)

    @pl.when(i == NB - 1)
    def _():
        st_ref[...] = acc_ref[...]


def _bn_body(o_ref, st_ref, g_ref, be_ref, out_ref):
    m = st_ref[0:1, :] / N
    v = st_ref[1:2, :] / N - m * m
    inv = g_ref[...] * lax.rsqrt(v + EPS)
    out_ref[...] = (o_ref[...] - m) * inv + be_ref[...]


def kernel(x, edge_index, W1, b1, g1, beta1, Wl, bl, Wr, g2, beta2):
    ar = jnp.arange(EPAD, dtype=jnp.int32)
    pad = jnp.stack([ar * 41 % N, N + (ar % (NP - N))])
    er = jnp.concatenate([edge_index, pad], axis=1)
    er = er.reshape(2, NTILES, CH, K)

    feat, feat_bf = pl.pallas_call(
        _lin_bn_relu_body,
        grid=(2 * NB,),
        in_specs=[
            pl.BlockSpec((BM, D), lambda i: (jnp.where(i < NB, i, 0), 0)),
            pl.BlockSpec((D, H), lambda i: (0, 0)),
            pl.BlockSpec((1, H), lambda i: (0, 0)),
            pl.BlockSpec((1, H), lambda i: (0, 0)),
            pl.BlockSpec((1, H), lambda i: (0, 0)),
        ],
        out_specs=[
            pl.BlockSpec((BM, H),
                         lambda i: (jnp.where(i < NB, 0, i - NB), 0)),
            pl.BlockSpec((BM, H),
                         lambda i: (jnp.where(i < NB, 0, i - NB), 0)),
        ],
        out_shape=[
            jax.ShapeDtypeStruct((N, H), jnp.float32),
            jax.ShapeDtypeStruct((N, H), jnp.bfloat16),
        ],
        scratch_shapes=[
            pltpu.VMEM((N, H), jnp.float32),
            pltpu.VMEM((8, H), jnp.float32),
        ],
    )(x, W1, b1.reshape(1, H), g1.reshape(1, H), beta1.reshape(1, H))

    ones = jnp.ones((K, DG), jnp.float32)
    zagg = jnp.zeros((RPS, D), jnp.bfloat16)
    zdeg = jnp.zeros((RPS, DG), jnp.float32)
    aggp, degp = _make_sc_agg()(feat_bf, er, ones, zagg, zdeg)

    fr = pl.pallas_call(
        _fr_body,
        grid=(NB,),
        in_specs=[
            pl.BlockSpec((BM, H), lambda i: (i, 0)),
            pl.BlockSpec((H, H), lambda i: (0, 0)),
            pl.BlockSpec((1, H), lambda i: (0, 0)),
        ],
        out_specs=pl.BlockSpec((BM, H), lambda i: (i, 0)),
        out_shape=jax.ShapeDtypeStruct((N, H), jnp.float32),
    )(feat, Wr, bl.reshape(1, H))

    out_raw, st2 = pl.pallas_call(
        _conv_stats_body,
        grid=(NB,),
        in_specs=[
            pl.BlockSpec((1, BM, D), lambda i: (0, i, 0)),
            pl.BlockSpec((1, BM, D), lambda i: (1, i, 0)),
            pl.BlockSpec((1, BM, DG), lambda i: (0, i, 0)),
            pl.BlockSpec((1, BM, DG), lambda i: (1, i, 0)),
            pl.BlockSpec((BM, H), lambda i: (i, 0)),
            pl.BlockSpec((H, H), lambda i: (0, 0)),
        ],
        out_specs=[
            pl.BlockSpec((BM, H), lambda i: (i, 0)),
            pl.BlockSpec((8, H), lambda i: (0, 0)),
        ],
        out_shape=[
            jax.ShapeDtypeStruct((N, H), jnp.float32),
            jax.ShapeDtypeStruct((8, H), jnp.float32),
        ],
        scratch_shapes=[pltpu.VMEM((8, H), jnp.float32)],
    )(aggp, aggp, degp, degp, fr, Wl)

    out_feat = pl.pallas_call(
        _bn_body,
        grid=(NB,),
        in_specs=[
            pl.BlockSpec((BM, H), lambda i: (i, 0)),
            pl.BlockSpec((8, H), lambda i: (0, 0)),
            pl.BlockSpec((1, H), lambda i: (0, 0)),
            pl.BlockSpec((1, H), lambda i: (0, 0)),
        ],
        out_specs=pl.BlockSpec((BM, H), lambda i: (i, 0)),
        out_shape=jax.ShapeDtypeStruct((N, H), jnp.float32),
    )(out_raw, st2, g2.reshape(1, H), beta2.reshape(1, H))

    return (feat, out_feat)

# --- scband reference (transcript-rebuilt; emitter-appended) ---
"""Pipeline reference for scband-custom-stellar-encoder-1-51342039056841 (READ-ONLY COPY).

The authoritative reference and input builder live on the scoring server;
editing this copy changes nothing except your own understanding.
"""

import jax, jax.numpy as jnp
import numpy as np

N, E, D, H = 10000, 320000, 128, 128

def setup_inputs(seed: int = 0) -> dict:
    key = jax.random.key(seed)
    ks = jax.random.split(key, 12)
    x = jax.random.normal(ks[0], (N, D), dtype=jnp.float32)
    edge_index = jax.random.randint(ks[1], (2, E), 0, N, dtype=jnp.int32)
    s = 0.05
    W1 = jax.random.normal(ks[2], (D, H), dtype=jnp.float32) * s
    b1 = jnp.zeros((H,), jnp.float32)
    g1 = jnp.ones((H,), jnp.float32)
    beta1 = jnp.zeros((H,), jnp.float32)
    Wl = jax.random.normal(ks[3], (H, H), dtype=jnp.float32) * s
    bl = jnp.zeros((H,), jnp.float32)
    Wr = jax.random.normal(ks[4], (H, H), dtype=jnp.float32) * s
    g2 = jnp.ones((H,), jnp.float32)
    beta2 = jnp.zeros((H,), jnp.float32)
    return {"x": x, "edge_index": edge_index, "W1": W1, "b1": b1, "g1": g1, "beta1": beta1, "Wl": Wl, "bl": bl, "Wr": Wr, "g2": g2, "beta2": beta2}

def _bn(h, g, b, eps=1e-5):
    m = jnp.mean(h, axis=0)
    v = jnp.var(h, axis=0)
    return g * (h - m) / jnp.sqrt(v + eps) + b

def reference(x, edge_index, W1, b1, g1, beta1, Wl, bl, Wr, g2, beta2):
    n = x.shape[0]
    # input_linear: Linear -> BatchNorm1d, then ReLU
    feat = jax.nn.relu(_bn(x @ W1 + b1, g1, beta1))
    # SAGEConv (mean aggregation): out = mean_agg(feat[src] at dst) @ Wl + bl + feat @ Wr
    src = edge_index[0]
    dst = edge_index[1]
    msg = jnp.take(feat, src, axis=0)
    agg = jax.ops.segment_sum(msg, dst, num_segments=n)
    deg = jax.ops.segment_sum(jnp.ones((msg.shape[0],), jnp.float32), dst, num_segments=n)
    mean_agg = agg / jnp.clip(deg, 1.0)[:, None]
    out_feat = mean_agg @ Wl + bl + feat @ Wr
    out_feat = _bn(out_feat, g2, beta2)
    return (feat, out_feat)

if __name__ == "__main__":
    import jax
    _d = setup_inputs()
    print(jax.jit(kernel)(*tuple(_d.values())))

</pallas_src>

<mosaic_0001>
#map = affine_map<(d0, d1) -> (0, 0)>
#map1 = affine_map<(d0, d1) -> (0, 0, 0, 0)>
#map2 = affine_map<(d0, d1) -> (0, 0, 0)>
module attributes {stable_mosaic.version = 14 : i64} {
  func.func @_sc_agg_body(%arg0: i32, %arg1: i32, %arg2: memref<10000x128xbf16, #tpu.memory_space<hbm>>, %arg3: memref<2x32x80x128xi32, #tpu.memory_space<hbm>>, %arg4: memref<128x16xf32, #tpu.memory_space<hbm>>, %arg5: memref<626x128xbf16, #tpu.memory_space<hbm>>, %arg6: memref<626x16xf32, #tpu.memory_space<hbm>>, %arg7: memref<2x10016x128xbf16, #tpu.memory_space<hbm>>, %arg8: memref<2x10016x16xf32, #tpu.memory_space<hbm>>, %arg9: memref<20x128xi32, #tpu.memory_space<vmem>>, %arg10: memref<20x128xi32, #tpu.memory_space<vmem>>, %arg11: memref<128x16xf32, #tpu.memory_space<vmem>>, %arg12: memref<128x128xbf16, #tpu.memory_space<vmem>>, %arg13: memref<128x128xbf16, #tpu.memory_space<vmem>>, %arg14: memref<10016x128xbf16, #tpu.memory_space<vmem_shared>>, %arg15: memref<10016x16xf32, #tpu.memory_space<vmem_shared>>, %arg16: memref<!tpu.dma_semaphore, #tpu.memory_space<semaphore_mem>>, %arg17: memref<!tpu.dma_semaphore, #tpu.memory_space<semaphore_mem>>, %arg18: memref<!tpu.dma_semaphore, #tpu.memory_space<semaphore_mem>>, %arg19: memref<!tpu.dma_semaphore, #tpu.memory_space<semaphore_mem>>) attributes {dimension_semantics = [#tpu.dimension_semantics<core_parallel>, #tpu.dimension_semantics<subcore_parallel>], iteration_bounds = array<i64: 2, 16>, scalar_prefetch = 0 : i64, scratch_operands = 11 : i64, tpu.core_type = #tpu.core_type<sc_vector_subcore>, window_params = [{transform_indices = #map}, {transform_indices = #map1}, {transform_indices = #map}, {transform_indices = #map}, {transform_indices = #map}, {transform_indices = #map2}, {transform_indices = #map2}]} {
    %mul3A = arith.constant 16 : i32
    %mul3A_0 = arith.muli %arg0, %mul3A : i32
    %add3A = arith.addi %mul3A_0, %arg1 : i32
    %mul3A_1 = arith.constant 626 : i32
    %mul3A_2 = arith.muli %arg1, %mul3A_1 : i32
    %dma_start3A = arith.constant 0 : i32
    %dma_start3A_3 = tpu.memref_slice %arg14[%mul3A_2, %dma_start3A] : memref<10016x128xbf16, #tpu.memory_space<vmem_shared>> -> memref<626x128xbf16, #tpu.memory_space<vmem_shared>>
    tpu.enqueue_dma source(%arg5 : memref<626x128xbf16, #tpu.memory_space<hbm>>) target(%dma_start3A_3 : memref<626x128xbf16, #tpu.memory_space<vmem_shared>>) target_semaphore(%arg19 : memref<!tpu.dma_semaphore, #tpu.memory_space<semaphore_mem>>)
    %mul3A_4 = arith.constant 626 : i32
    %mul3A_5 = arith.muli %arg1, %mul3A_4 : i32
    %dma_start3A_6 = arith.constant 0 : i32
    %dma_start3A_7 = tpu.memref_slice %arg15[%mul3A_5, %dma_start3A_6] : memref<10016x16xf32, #tpu.memory_space<vmem_shared>> -> memref<626x16xf32, #tpu.memory_space<vmem_shared>>
    tpu.enqueue_dma source(%arg6 : memref<626x16xf32, #tpu.memory_space<hbm>>) target(%dma_start3A_7 : memref<626x16xf32, #tpu.memory_space<vmem_shared>>) target_semaphore(%arg19 : memref<!tpu.dma_semaphore, #tpu.memory_space<semaphore_mem>>)
    "tpu.region"() ({
      %run_scoped3A_84 = tpu.sem_alloc : memref<!tpu.dma_semaphore, #tpu.memory_space<semaphore_mem>>
      tpu.enqueue_dma source(%arg4 : memref<128x16xf32, #tpu.memory_space<hbm>>) target(%arg11 : memref<128x16xf32, #tpu.memory_space<vmem>>) target_semaphore(%run_scoped3A_84 : memref<!tpu.dma_semaphore, #tpu.memory_space<semaphore_mem>>)
      tpu.wait_dma2 semaphore(%run_scoped3A_84 : memref<!tpu.dma_semaphore, #tpu.memory_space<semaphore_mem>>) src(%arg4 : memref<128x16xf32, #tpu.memory_space<hbm>>) dst(%arg11 : memref<128x16xf32, #tpu.memory_space<vmem>>)
      tpu.yield
    }) : () -> ()
    %run_scoped3A = arith.constant 0 : i32
    "tpu.region"() ({
      %run_scoped3A_84 = tpu.sem_alloc : memref<!tpu.dma_semaphore, #tpu.memory_space<semaphore_mem>>
      %dma_start3A_85 = arith.constant 0 : i32
      %dma_start3A_86 = arith.constant 0 : i32
      %dma_start3A_87 = tpu.memref_slice %arg3[%run_scoped3A, %add3A, %dma_start3A_85, %dma_start3A_86] : memref<2x32x80x128xi32, #tpu.memory_space<hbm>> -> memref<1x1x20x128xi32, #tpu.memory_space<hbm>>
      %dma_start3A_88 = tpu.memref_squeeze %dma_start3A_87 : memref<1x1x20x128xi32, #tpu.memory_space<hbm>> -> memref<20x128xi32, #tpu.memory_space<hbm>>
      %dma_start3A_89 = arith.constant 0 : i32
      %dma_start3A_90 = arith.constant 0 : i32
      %dma_start3A_91 = tpu.memref_slice %arg3[%run_scoped3A, %add3A, %dma_start3A_89, %dma_start3A_90] : memref<2x32x80x128xi32, #tpu.memory_space<hbm>> -> memref<1x1x20x128xi32, #tpu.memory_space<hbm>>
      %dma_start3A_92 = tpu.memref_squeeze %dma_start3A_91 : memref<1x1x20x128xi32, #tpu.memory_space<hbm>> -> memref<20x128xi32, #tpu.memory_space<hbm>>
      tpu.enqueue_dma source(%dma_start3A_92 : memref<20x128xi32, #tpu.memory_space<hbm>>) target(%arg9 : memref<20x128xi32, #tpu.memory_space<vmem>>) target_semaphore(%run_scoped3A_84 : memref<!tpu.dma_semaphore, #tpu.memory_space<semaphore_mem>>)
      %dma_wait3A_93 = arith.constant 0 : i32
      %dma_wait3A_94 = arith.constant 0 : i32
      %dma_wait3A_95 = tpu.memref_slice %arg3[%run_scoped3A, %add3A, %dma_wait3A_93, %dma_wait3A_94] : memref<2x32x80x128xi32, #tpu.memory_space<hbm>> -> memref<1x1x20x128xi32, #tpu.memory_space<hbm>>
      %dma_wait3A_96 = tpu.memref_squeeze %dma_wait3A_95 : memref<1x1x20x128xi32, #tpu.memory_space<hbm>> -> memref<20x128xi32, #tpu.memory_space<hbm>>
      %dma_wait3A_97 = arith.constant 0 : i32
      %dma_wait3A_98 = arith.constant 0 : i32
      %dma_wait3A_99 = tpu.memref_slice %arg3[%run_scoped3A, %add3A, %dma_wait3A_97, %dma_wait3A_98] : memref<2x32x80x128xi32, #tpu.memory_space<hbm>> -> memref<1x1x20x128xi32, #tpu.memory_space<hbm>>
      %dma_wait3A_100 = tpu.memref_squeeze %dma_wait3A_99 : memref<1x1x20x128xi32, #tpu.memory_space<hbm>> -> memref<20x128xi32, #tpu.memory_space<hbm>>
      tpu.wait_dma2 semaphore(%run_scoped3A_84 : memref<!tpu.dma_semaphore, #tpu.memory_space<semaphore_mem>>) src(%dma_wait3A_100 : memref<20x128xi32, #tpu.memory_space<hbm>>) dst(%arg9 : memref<20x128xi32, #tpu.memory_space<vmem>>)
      tpu.yield
    }) : () -> ()
    %run_scoped3A_8 = arith.constant 1 : i32
    "tpu.region"() ({
      %run_scoped3A_84 = tpu.sem_alloc : memref<!tpu.dma_semaphore, #tpu.memory_space<semaphore_mem>>
      %dma_start3A_85 = arith.constant 0 : i32
      %dma_start3A_86 = arith.constant 0 : i32
      %dma_start3A_87 = tpu.memref_slice %arg3[%run_scoped3A_8, %add3A, %dma_start3A_85, %dma_start3A_86] : memref<2x32x80x128xi32, #tpu.memory_space<hbm>> -> memref<1x1x20x128xi32, #tpu.memory_space<hbm>>
      %dma_start3A_88 = tpu.memref_squeeze %dma_start3A_87 : memref<1x1x20x128xi32, #tpu.memory_space<hbm>> -> memref<20x128xi32, #tpu.memory_space<hbm>>
      %dma_start3A_89 = arith.constant 0 : i32
      %dma_start3A_90 = arith.constant 0 : i32
      %dma_start3A_91 = tpu.memref_slice %arg3[%run_scoped3A_8, %add3A, %dma_start3A_89, %dma_start3A_90] : memref<2x32x80x128xi32, #tpu.memory_space<hbm>> -> memref<1x1x20x128xi32, #tpu.memory_space<hbm>>
      %dma_start3A_92 = tpu.memref_squeeze %dma_start3A_91 : memref<1x1x20x128xi32, #tpu.memory_space<hbm>> -> memref<20x128xi32, #tpu.memory_space<hbm>>
      tpu.enqueue_dma source(%dma_start3A_92 : memref<20x128xi32, #tpu.memory_space<hbm>>) target(%arg10 : memref<20x128xi32, #tpu.memory_space<vmem>>) target_semaphore(%run_scoped3A_84 : memref<!tpu.dma_semaphore, #tpu.memory_space<semaphore_mem>>)
      %dma_wait3A_93 = arith.constant 0 : i32
      %dma_wait3A_94 = arith.constant 0 : i32
      %dma_wait3A_95 = tpu.memref_slice %arg3[%run_scoped3A_8, %add3A, %dma_wait3A_93, %dma_wait3A_94] : memref<2x32x80x128xi32, #tpu.memory_space<hbm>> -> memref<1x1x20x128xi32, #tpu.memory_space<hbm>>
      %dma_wait3A_96 = tpu.memref_squeeze %dma_wait3A_95 : memref<1x1x20x128xi32, #tpu.memory_space<hbm>> -> memref<20x128xi32, #tpu.memory_space<hbm>>
      %dma_wait3A_97 = arith.constant 0 : i32
      %dma_wait3A_98 = arith.constant 0 : i32
      %dma_wait3A_99 = tpu.memref_slice %arg3[%run_scoped3A_8, %add3A, %dma_wait3A_97, %dma_wait3A_98] : memref<2x32x80x128xi32, #tpu.memory_space<hbm>> -> memref<1x1x20x128xi32, #tpu.memory_space<hbm>>
      %dma_wait3A_100 = tpu.memref_squeeze %dma_wait3A_99 : memref<1x1x20x128xi32, #tpu.memory_space<hbm>> -> memref<20x128xi32, #tpu.memory_space<hbm>>
      tpu.wait_dma2 semaphore(%run_scoped3A_84 : memref<!tpu.dma_semaphore, #tpu.memory_space<semaphore_mem>>) src(%dma_wait3A_100 : memref<20x128xi32, #tpu.memory_space<hbm>>) dst(%arg10 : memref<20x128xi32, #tpu.memory_space<vmem>>)
      tpu.yield
    }) : () -> ()
    %dma_start3A_9 = arith.constant 0 : i32
    %dma_start3A_10 = arith.constant 0 : i32
    %dma_start3A_11 = tpu.memref_slice %arg9[%dma_start3A_9, %dma_start3A_10] : memref<20x128xi32, #tpu.memory_space<vmem>> -> memref<1x128xi32, #tpu.memory_space<vmem>>
    %dma_start3A_12 = tpu.memref_squeeze %dma_start3A_11 : memref<1x128xi32, #tpu.memory_space<vmem>> -> memref<128xi32, #tpu.memory_space<vmem>>
    %dma_start3A_13 = arith.constant 0 : i32
    %dma_start3A_14 = arith.constant 0 : i32
    %dma_start3A_15 = tpu.memref_slice %arg2[%dma_start3A_13, %dma_start3A_14] : memref<10000x128xbf16, #tpu.memory_space<hbm>> -> memref<10000x128xbf16, #tpu.memory_space<hbm>>
    tpu.enqueue_indirect_dma source(%dma_start3A_15 : memref<10000x128xbf16, #tpu.memory_space<hbm>>) target(%arg12 : memref<128x128xbf16, #tpu.memory_space<vmem>>) offsets(%dma_start3A_12 : memref<128xi32, #tpu.memory_space<vmem>>) semaphore(%arg16 : memref<!tpu.dma_semaphore, #tpu.memory_space<semaphore_mem>>)
    %dma_wait3A = arith.constant 0 : i32
    %dma_wait3A_16 = tpu.memref_slice %arg14[%mul3A_2, %dma_wait3A] : memref<10016x128xbf16, #tpu.memory_space<vmem_shared>> -> memref<626x128xbf16, #tpu.memory_space<vmem_shared>>
    tpu.wait_dma2 semaphore(%arg19 : memref<!tpu.dma_semaphore, #tpu.memory_space<semaphore_mem>>) src(%arg5 : memref<626x128xbf16, #tpu.memory_space<hbm>>) dst(%dma_wait3A_16 : memref<626x128xbf16, #tpu.memory_space<vmem_shared>>)
    %dma_wait3A_17 = arith.constant 0 : i32
    %dma_wait3A_18 = tpu.memref_slice %arg15[%mul3A_5, %dma_wait3A_17] : memref<10016x16xf32, #tpu.memory_space<vmem_shared>> -> memref<626x16xf32, #tpu.memory_space<vmem_shared>>
    tpu.wait_dma2 semaphore(%arg19 : memref<!tpu.dma_semaphore, #tpu.memory_space<semaphore_mem>>) src(%arg6 : memref<626x16xf32, #tpu.memory_space<hbm>>) dst(%dma_wait3A_18 : memref<626x16xf32, #tpu.memory_space<vmem_shared>>)
    %barrier3A = arith.constant 0 : index
    tpu.barrier barrier_id(%barrier3A)
    %scan3A = arith.constant 0 : i32
    %scan3A_19 = arith.constant 0 : i32
    %scan3A_20 = arith.constant 10 : i32
    %scan3A_21 = arith.addi %scan3A_19, %scan3A_20 : i32
    %scan3A_22 = arith.constant 1 : i32
    scf.for %scan3A_84 = %scan3A_19 to %scan3A_21 step %scan3A_22  : i32 {
      %mul3A_85 = arith.constant 2 : i32
      %mul3A_86 = arith.muli %mul3A_85, %scan3A_84 : i32
      %add3A_87 = arith.constant 1 : i32
      %add3A_88 = arith.addi %mul3A_86, %add3A_87 : i32
      %dma_start3A_89 = arith.constant 0 : i32
      %dma_start3A_90 = tpu.memref_slice %arg9[%add3A_88, %dma_start3A_89] : memref<20x128xi32, #tpu.memory_space<vmem>> -> memref<1x128xi32, #tpu.memory_space<vmem>>
      %dma_start3A_91 = tpu.memref_squeeze %dma_start3A_90 : memref<1x128xi32, #tpu.memory_space<vmem>> -> memref<128xi32, #tpu.memory_space<vmem>>
      %dma_start3A_92 = arith.constant 0 : i32
      %dma_start3A_93 = arith.constant 0 : i32
      %dma_start3A_94 = tpu.memref_slice %arg2[%dma_start3A_92, %dma_start3A_93] : memref<10000x128xbf16, #tpu.memory_space<hbm>> -> memref<10000x128xbf16, #tpu.memory_space<hbm>>
      tpu.enqueue_indirect_dma source(%dma_start3A_94 : memref<10000x128xbf16, #tpu.memory_space<hbm>>) target(%arg13 : memref<128x128xbf16, #tpu.memory_space<vmem>>) offsets(%dma_start3A_91 : memref<128xi32, #tpu.memory_space<vmem>>) semaphore(%arg17 : memref<!tpu.dma_semaphore, #tpu.memory_space<semaphore_mem>>)
      %dma_wait3A_95 = arith.constant 0 : i32
      %dma_wait3A_96 = tpu.memref_slice %arg9[%mul3A_86, %dma_wait3A_95] : memref<20x128xi32, #tpu.memory_space<vmem>> -> memref<1x128xi32, #tpu.memory_space<vmem>>
      %dma_wait3A_97 = tpu.memref_squeeze %dma_wait3A_96 : memref<1x128xi32, #tpu.memory_space<vmem>> -> memref<128xi32, #tpu.memory_space<vmem>>
      %dma_wait3A_98 = arith.constant 0 : i32
      %dma_wait3A_99 = arith.constant 0 : i32
      %dma_wait3A_100 = tpu.memref_slice %arg2[%dma_wait3A_98, %dma_wait3A_99] : memref<10000x128xbf16, #tpu.memory_space<hbm>> -> memref<10000x128xbf16, #tpu.memory_space<hbm>>
      tpu.wait_indirect_dma semaphore(%arg16 : memref<!tpu.dma_semaphore, #tpu.memory_space<semaphore_mem>>) src(%dma_wait3A_100 : memref<10000x128xbf16, #tpu.memory_space<hbm>>) dst(%arg12 : memref<128x128xbf16, #tpu.memory_space<vmem>>)
      "tpu.region"() ({
        %run_scoped3A_129 = tpu.sem_alloc : memref<!tpu.dma_semaphore, #tpu.memory_space<semaphore_mem>>
        %dma_start3A_130 = arith.constant 0 : i32
        %dma_start3A_131 = tpu.memref_slice %arg10[%mul3A_86, %dma_start3A_130] : memref<20x128xi32, #tpu.memory_space<vmem>> -> memref<1x128xi32, #tpu.memory_space<vmem>>
        %dma_start3A_132 = tpu.memref_squeeze %dma_start3A_131 : memref<1x128xi32, #tpu.memory_space<vmem>> -> memref<128xi32, #tpu.memory_space<vmem>>
        %dma_start3A_133 = arith.constant 0 : i32
        %dma_start3A_134 = arith.constant 0 : i32
        %dma_start3A_135 = tpu.memref_slice %arg14[%dma_start3A_133, %dma_start3A_134] : memref<10016x128xbf16, #tpu.memory_space<vmem_shared>> -> memref<10016x128xbf16, #tpu.memory_space<vmem_shared>>
        tpu.enqueue_indirect_dma source(%arg12 : memref<128x128xbf16, #tpu.memory_space<vmem>>) target(%dma_start3A_135 : memref<10016x128xbf16, #tpu.memory_space<vmem_shared>>) offsets(%dma_start3A_132 : memref<128xi32, #tpu.memory_space<vmem>>) semaphore(%run_scoped3A_129 : memref<!tpu.dma_semaphore, #tpu.memory_space<semaphore_mem>>) {add = true}
        %dma_wait3A_136 = arith.constant 0 : i32
        %dma_wait3A_137 = tpu.memref_slice %arg10[%mul3A_86, %dma_wait3A_136] : memref<20x128xi32, #tpu.memory_space<vmem>> -> memref<1x128xi32, #tpu.memory_space<vmem>>
        %dma_wait3A_138 = tpu.memref_squeeze %dma_wait3A_137 : memref<1x128xi32, #tpu.memory_space<vmem>> -> memref<128xi32, #tpu.memory_space<vmem>>
        %dma_wait3A_139 = arith.constant 0 : i32
        %dma_wait3A_140 = arith.constant 0 : i32
        %dma_wait3A_141 = tpu.memref_slice %arg14[%dma_wait3A_139, %dma_wait3A_140] : memref<10016x128xbf16, #tpu.memory_space<vmem_shared>> -> memref<10016x128xbf16, #tpu.memory_space<vmem_shared>>
        tpu.wait_indirect_dma semaphore(%run_scoped3A_129 : memref<!tpu.dma_semaphore, #tpu.memory_space<semaphore_mem>>) src(%arg12 : memref<128x128xbf16, #tpu.memory_space<vmem>>) dst(%dma_wait3A_141 : memref<10016x128xbf16, #tpu.memory_space<vmem_shared>>)
        tpu.yield
      }) : () -> ()
      %dma_start3A_101 = arith.constant 0 : i32
      %dma_start3A_102 = tpu.memref_slice %arg10[%mul3A_86, %dma_start3A_101] : memref<20x128xi32, #tpu.memory_space<vmem>> -> memref<1x128xi32, #tpu.memory_space<vmem>>
      %dma_start3A_103 = tpu.memref_squeeze %dma_start3A_102 : memref<1x128xi32, #tpu.memory_space<vmem>> -> memref<128xi32, #tpu.memory_space<vmem>>
      %dma_start3A_104 = arith.constant 0 : i32
      %dma_start3A_105 = arith.constant 0 : i32
      %dma_start3A_106 = tpu.memref_slice %arg15[%dma_start3A_104, %dma_start3A_105] : memref<10016x16xf32, #tpu.memory_space<vmem_shared>> -> memref<10016x16xf32, #tpu.memory_space<vmem_shared>>
      tpu.enqueue_indirect_dma source(%arg11 : memref<128x16xf32, #tpu.memory_space<vmem>>) target(%dma_start3A_106 : memref<10016x16xf32, #tpu.memory_space<vmem_shared>>) offsets(%dma_start3A_103 : memref<128xi32, #tpu.memory_space<vmem>>) semaphore(%arg18 : memref<!tpu.dma_semaphore, #tpu.memory_space<semaphore_mem>>) {add = true}
      %add3A_107 = arith.constant 2 : i32
      %add3A_108 = arith.addi %mul3A_86, %add3A_107 : i32
      %lt3A = arith.constant 20 : i32
      %lt3A_109 = arith.cmpi slt, %add3A_108, %lt3A : i32
      %convert_element_type3A = arith.extui %lt3A_109 : i1 to i32
      %cond3A = arith.constant 0 : i32
      %cond3A_110 = arith.cmpi ne, %convert_element_type3A, %cond3A : i32
      scf.if %cond3A_110 {
        %add3A_129 = arith.constant 2 : i32
        %add3A_130 = arith.addi %mul3A_86, %add3A_129 : i32
        %dma_start3A_131 = arith.constant 0 : i32
        %dma_start3A_132 = tpu.memref_slice %arg9[%add3A_130, %dma_start3A_131] : memref<20x128xi32, #tpu.memory_space<vmem>> -> memref<1x128xi32, #tpu.memory_space<vmem>>
        %dma_start3A_133 = tpu.memref_squeeze %dma_start3A_132 : memref<1x128xi32, #tpu.memory_space<vmem>> -> memref<128xi32, #tpu.memory_space<vmem>>
        %dma_start3A_134 = arith.constant 0 : i32
        %dma_start3A_135 = arith.constant 0 : i32
        %dma_start3A_136 = tpu.memref_slice %arg2[%dma_start3A_134, %dma_start3A_135] : memref<10000x128xbf16, #tpu.memory_space<hbm>> -> memref<10000x128xbf16, #tpu.memory_space<hbm>>
        tpu.enqueue_indirect_dma source(%dma_start3A_136 : memref<10000x128xbf16, #tpu.memory_space<hbm>>) target(%arg12 : memref<128x128xbf16, #tpu.memory_space<vmem>>) offsets(%dma_start3A_133 : memref<128xi32, #tpu.memory_space<vmem>>) semaphore(%arg16 : memref<!tpu.dma_semaphore, #tpu.memory_space<semaphore_mem>>)
      } else {
      }
      %add3A_111 = arith.constant 1 : i32
      %add3A_112 = arith.addi %mul3A_86, %add3A_111 : i32
      %dma_wait3A_113 = arith.constant 0 : i32
      %dma_wait3A_114 = tpu.memref_slice %arg9[%add3A_112, %dma_wait3A_113] : memref<20x128xi32, #tpu.memory_space<vmem>> -> memref<1x128xi32, #tpu.memory_space<vmem>>
      %dma_wait3A_115 = tpu.memref_squeeze %dma_wait3A_114 : memref<1x128xi32, #tpu.memory_space<vmem>> -> memref<128xi32, #tpu.memory_space<vmem>>
      %dma_wait3A_116 = arith.constant 0 : i32
      %dma_wait3A_117 = arith.constant 0 : i32
      %dma_wait3A_118 = tpu.memref_slice %arg2[%dma_wait3A_116, %dma_wait3A_117] : memref<10000x128xbf16, #tpu.memory_space<hbm>> -> memref<10000x128xbf16, #tpu.memory_space<hbm>>
      tpu.wait_indirect_dma semaphore(%arg17 : memref<!tpu.dma_semaphore, #tpu.memory_space<semaphore_mem>>) src(%dma_wait3A_118 : memref<10000x128xbf16, #tpu.memory_space<hbm>>) dst(%arg13 : memref<128x128xbf16, #tpu.memory_space<vmem>>)
      %add3A_119 = arith.constant 1 : i32
      %add3A_120 = arith.addi %mul3A_86, %add3A_119 : i32
      "tpu.region"() ({
        %run_scoped3A_129 = tpu.sem_alloc : memref<!tpu.dma_semaphore, #tpu.memory_space<semaphore_mem>>
        %dma_start3A_130 = arith.constant 0 : i32
        %dma_start3A_131 = tpu.memref_slice %arg10[%add3A_120, %dma_start3A_130] : memref<20x128xi32, #tpu.memory_space<vmem>> -> memref<1x128xi32, #tpu.memory_space<vmem>>
        %dma_start3A_132 = tpu.memref_squeeze %dma_start3A_131 : memref<1x128xi32, #tpu.memory_space<vmem>> -> memref<128xi32, #tpu.memory_space<vmem>>
        %dma_start3A_133 = arith.constant 0 : i32
        %dma_start3A_134 = arith.constant 0 : i32
        %dma_start3A_135 = tpu.memref_slice %arg14[%dma_start3A_133, %dma_start3A_134] : memref<10016x128xbf16, #tpu.memory_space<vmem_shared>> -> memref<10016x128xbf16, #tpu.memory_space<vmem_shared>>
        tpu.enqueue_indirect_dma source(%arg13 : memref<128x128xbf16, #tpu.memory_space<vmem>>) target(%dma_start3A_135 : memref<10016x128xbf16, #tpu.memory_space<vmem_shared>>) offsets(%dma_start3A_132 : memref<128xi32, #tpu.memory_space<vmem>>) semaphore(%run_scoped3A_129 : memref<!tpu.dma_semaphore, #tpu.memory_space<semaphore_mem>>) {add = true}
        %dma_wait3A_136 = arith.constant 0 : i32
        %dma_wait3A_137 = tpu.memref_slice %arg10[%add3A_120, %dma_wait3A_136] : memref<20x128xi32, #tpu.memory_space<vmem>> -> memref<1x128xi32, #tpu.memory_space<vmem>>
        %dma_wait3A_138 = tpu.memref_squeeze %dma_wait3A_137 : memref<1x128xi32, #tpu.memory_space<vmem>> -> memref<128xi32, #tpu.memory_space<vmem>>
        %dma_wait3A_139 = arith.constant 0 : i32
        %dma_wait3A_140 = arith.constant 0 : i32
        %dma_wait3A_141 = tpu.memref_slice %arg14[%dma_wait3A_139, %dma_wait3A_140] : memref<10016x128xbf16, #tpu.memory_space<vmem_shared>> -> memref<10016x128xbf16, #tpu.memory_space<vmem_shared>>
        tpu.wait_indirect_dma semaphore(%run_scoped3A_129 : memref<!tpu.dma_semaphore, #tpu.memory_space<semaphore_mem>>) src(%arg13 : memref<128x128xbf16, #tpu.memory_space<vmem>>) dst(%dma_wait3A_141 : memref<10016x128xbf16, #tpu.memory_space<vmem_shared>>)
        tpu.yield
      }) : () -> ()
      %add3A_121 = arith.constant 1 : i32
      %add3A_122 = arith.addi %mul3A_86, %add3A_121 : i32
      %dma_start3A_123 = arith.constant 0 : i32
      %dma_start3A_124 = tpu.memref_slice %arg10[%add3A_122, %dma_start3A_123] : memref<20x128xi32, #tpu.memory_space<vmem>> -> memref<1x128xi32, #tpu.memory_space<vmem>>
      %dma_start3A_125 = tpu.memref_squeeze %dma_start3A_124 : memref<1x128xi32, #tpu.memory_space<vmem>> -> memref<128xi32, #tpu.memory_space<vmem>>
      %dma_start3A_126 = arith.constant 0 : i32
      %dma_start3A_127 = arith.constant 0 : i32
      %dma_start3A_128 = tpu.memref_slice %arg15[%dma_start3A_126, %dma_start3A_127] : memref<10016x16xf32, #tpu.memory_space<vmem_shared>> -> memref<10016x16xf32, #tpu.memory_space<vmem_shared>>
      tpu.enqueue_indirect_dma source(%arg11 : memref<128x16xf32, #tpu.memory_space<vmem>>) target(%dma_start3A_128 : memref<10016x16xf32, #tpu.memory_space<vmem_shared>>) offsets(%dma_start3A_125 : memref<128xi32, #tpu.memory_space<vmem>>) semaphore(%arg18 : memref<!tpu.dma_semaphore, #tpu.memory_space<semaphore_mem>>) {add = true}
    }
    %scan3A_23 = arith.constant 10 : i32
    %run_scoped3A_24 = arith.constant 0 : i32
    "tpu.region"() ({
      %run_scoped3A_84 = tpu.sem_alloc : memref<!tpu.dma_semaphore, #tpu.memory_space<semaphore_mem>>
      %dma_start3A_85 = arith.constant 20 : i32
      %dma_start3A_86 = arith.constant 0 : i32
      %dma_start3A_87 = tpu.memref_slice %arg3[%run_scoped3A_24, %add3A, %dma_start3A_85, %dma_start3A_86] : memref<2x32x80x128xi32, #tpu.memory_space<hbm>> -> memref<1x1x20x128xi32, #tpu.memory_space<hbm>>
      %dma_start3A_88 = tpu.memref_squeeze %dma_start3A_87 : memref<1x1x20x128xi32, #tpu.memory_space<hbm>> -> memref<20x128xi32, #tpu.memory_space<hbm>>
      %dma_start3A_89 = arith.constant 20 : i32
      %dma_start3A_90 = arith.constant 0 : i32
      %dma_start3A_91 = tpu.memref_slice %arg3[%run_scoped3A_24, %add3A, %dma_start3A_89, %dma_start3A_90] : memref<2x32x80x128xi32, #tpu.memory_space<hbm>> -> memref<1x1x20x128xi32, #tpu.memory_space<hbm>>
      %dma_start3A_92 = tpu.memref_squeeze %dma_start3A_91 : memref<1x1x20x128xi32, #tpu.memory_space<hbm>> -> memref<20x128xi32, #tpu.memory_space<hbm>>
      tpu.enqueue_dma source(%dma_start3A_92 : memref<20x128xi32, #tpu.memory_space<hbm>>) target(%arg9 : memref<20x128xi32, #tpu.memory_space<vmem>>) target_semaphore(%run_scoped3A_84 : memref<!tpu.dma_semaphore, #tpu.memory_space<semaphore_mem>>)
      %dma_wait3A_93 = arith.constant 20 : i32
      %dma_wait3A_94 = arith.constant 0 : i32
      %dma_wait3A_95 = tpu.memref_slice %arg3[%run_scoped3A_24, %add3A, %dma_wait3A_93, %dma_wait3A_94] : memref<2x32x80x128xi32, #tpu.memory_space<hbm>> -> memref<1x1x20x128xi32, #tpu.memory_space<hbm>>
      %dma_wait3A_96 = tpu.memref_squeeze %dma_wait3A_95 : memref<1x1x20x128xi32, #tpu.memory_space<hbm>> -> memref<20x128xi32, #tpu.memory_space<hbm>>
      %dma_wait3A_97 = arith.constant 20 : i32
      %dma_wait3A_98 = arith.constant 0 : i32
      %dma_wait3A_99 = tpu.memref_slice %arg3[%run_scoped3A_24, %add3A, %dma_wait3A_97, %dma_wait3A_98] : memref<2x32x80x128xi32, #tpu.memory_space<hbm>> -> memref<1x1x20x128xi32, #tpu.memory_space<hbm>>
      %dma_wait3A_100 = tpu.memref_squeeze %dma_wait3A_99 : memref<1x1x20x128xi32, #tpu.memory_space<hbm>> -> memref<20x128xi32, #tpu.memory_space<hbm>>
      tpu.wait_dma2 semaphore(%run_scoped3A_84 : memref<!tpu.dma_semaphore, #tpu.memory_space<semaphore_mem>>) src(%dma_wait3A_100 : memref<20x128xi32, #tpu.memory_space<hbm>>) dst(%arg9 : memref<20x128xi32, #tpu.memory_space<vmem>>)
      tpu.yield
    }) : () -> ()
    %run_scoped3A_25 = arith.constant 1 : i32
    "tpu.region"() ({
      %run_scoped3A_84 = tpu.sem_alloc : memref<!tpu.dma_semaphore, #tpu.memory_space<semaphore_mem>>
      %dma_start3A_85 = arith.constant 20 : i32
      %dma_start3A_86 = arith.constant 0 : i32
      %dma_start3A_87 = tpu.memref_slice %arg3[%run_scoped3A_25, %add3A, %dma_start3A_85, %dma_start3A_86] : memref<2x32x80x128xi32, #tpu.memory_space<hbm>> -> memref<1x1x20x128xi32, #tpu.memory_space<hbm>>
      %dma_start3A_88 = tpu.memref_squeeze %dma_start3A_87 : memref<1x1x20x128xi32, #tpu.memory_space<hbm>> -> memref<20x128xi32, #tpu.memory_space<hbm>>
      %dma_start3A_89 = arith.constant 20 : i32
      %dma_start3A_90 = arith.constant 0 : i32
      %dma_start3A_91 = tpu.memref_slice %arg3[%run_scoped3A_25, %add3A, %dma_start3A_89, %dma_start3A_90] : memref<2x32x80x128xi32, #tpu.memory_space<hbm>> -> memref<1x1x20x128xi32, #tpu.memory_space<hbm>>
      %dma_start3A_92 = tpu.memref_squeeze %dma_start3A_91 : memref<1x1x20x128xi32, #tpu.memory_space<hbm>> -> memref<20x128xi32, #tpu.memory_space<hbm>>
      tpu.enqueue_dma source(%dma_start3A_92 : memref<20x128xi32, #tpu.memory_space<hbm>>) target(%arg10 : memref<20x128xi32, #tpu.memory_space<vmem>>) target_semaphore(%run_scoped3A_84 : memref<!tpu.dma_semaphore, #tpu.memory_space<semaphore_mem>>)
      %dma_wait3A_93 = arith.constant 20 : i32
      %dma_wait3A_94 = arith.constant 0 : i32
      %dma_wait3A_95 = tpu.memref_slice %arg3[%run_scoped3A_25, %add3A, %dma_wait3A_93, %dma_wait3A_94] : memref<2x32x80x128xi32, #tpu.memory_space<hbm>> -> memref<1x1x20x128xi32, #tpu.memory_space<hbm>>
      %dma_wait3A_96 = tpu.memref_squeeze %dma_wait3A_95 : memref<1x1x20x128xi32, #tpu.memory_space<hbm>> -> memref<20x128xi32, #tpu.memory_space<hbm>>
      %dma_wait3A_97 = arith.constant 20 : i32
      %dma_wait3A_98 = arith.constant 0 : i32
      %dma_wait3A_99 = tpu.memref_slice %arg3[%run_scoped3A_25, %add3A, %dma_wait3A_97, %dma_wait3A_98] : memref<2x32x80x128xi32, #tpu.memory_space<hbm>> -> memref<1x1x20x128xi32, #tpu.memory_space<hbm>>
      %dma_wait3A_100 = tpu.memref_squeeze %dma_wait3A_99 : memref<1x1x20x128xi32, #tpu.memory_space<hbm>> -> memref<20x128xi32, #tpu.memory_space<hbm>>
      tpu.wait_dma2 semaphore(%run_scoped3A_84 : memref<!tpu.dma_semaphore, #tpu.memory_space<semaphore_mem>>) src(%dma_wait3A_100 : memref<20x128xi32, #tpu.memory_space<hbm>>) dst(%arg10 : memref<20x128xi32, #tpu.memory_space<vmem>>)
      tpu.yield
    }) : () -> ()
    %dma_start3A_26 = arith.constant 0 : i32
    %dma_start3A_27 = arith.constant 0 : i32
    %dma_start3A_28 = tpu.memref_slice %arg9[%dma_start3A_26, %dma_start3A_27] : memref<20x128xi32, #tpu.memory_space<vmem>> -> memref<1x128xi32, #tpu.memory_space<vmem>>
    %dma_start3A_29 = tpu.memref_squeeze %dma_start3A_28 : memref<1x128xi32, #tpu.memory_space<vmem>> -> memref<128xi32, #tpu.memory_space<vmem>>
    %dma_start3A_30 = arith.constant 0 : i32
    %dma_start3A_31 = arith.constant 0 : i32
    %dma_start3A_32 = tpu.memref_slice %arg2[%dma_start3A_30, %dma_start3A_31] : memref<10000x128xbf16, #tpu.memory_space<hbm>> -> memref<10000x128xbf16, #tpu.memory_space<hbm>>
    tpu.enqueue_indirect_dma source(%dma_start3A_32 : memref<10000x128xbf16, #tpu.memory_space<hbm>>) target(%arg12 : memref<128x128xbf16, #tpu.memory_space<vmem>>) offsets(%dma_start3A_29 : memref<128xi32, #tpu.memory_space<vmem>>) semaphore(%arg16 : memref<!tpu.dma_semaphore, #tpu.memory_space<semaphore_mem>>)
    %scan3A_33 = arith.constant 0 : i32
    %scan3A_34 = arith.constant 0 : i32
    %scan3A_35 = arith.constant 10 : i32
    %scan3A_36 = arith.addi %scan3A_34, %scan3A_35 : i32
    %scan3A_37 = arith.constant 1 : i32
    scf.for %scan3A_84 = %scan3A_34 to %scan3A_36 step %scan3A_37  : i32 {
      %mul3A_85 = arith.constant 2 : i32
      %mul3A_86 = arith.muli %mul3A_85, %scan3A_84 : i32
      %add3A_87 = arith.constant 1 : i32
      %add3A_88 = arith.addi %mul3A_86, %add3A_87 : i32
      %dma_start3A_89 = arith.constant 0 : i32
      %dma_start3A_90 = tpu.memref_slice %arg9[%add3A_88, %dma_start3A_89] : memref<20x128xi32, #tpu.memory_space<vmem>> -> memref<1x128xi32, #tpu.memory_space<vmem>>
      %dma_start3A_91 = tpu.memref_squeeze %dma_start3A_90 : memref<1x128xi32, #tpu.memory_space<vmem>> -> memref<128xi32, #tpu.memory_space<vmem>>
      %dma_start3A_92 = arith.constant 0 : i32
      %dma_start3A_93 = arith.constant 0 : i32
      %dma_start3A_94 = tpu.memref_slice %arg2[%dma_start3A_92, %dma_start3A_93] : memref<10000x128xbf16, #tpu.memory_space<hbm>> -> memref<10000x128xbf16, #tpu.memory_space<hbm>>
      tpu.enqueue_indirect_dma source(%dma_start3A_94 : memref<10000x128xbf16, #tpu.memory_space<hbm>>) target(%arg13 : memref<128x128xbf16, #tpu.memory_space<vmem>>) offsets(%dma_start3A_91 : memref<128xi32, #tpu.memory_space<vmem>>) semaphore(%arg17 : memref<!tpu.dma_semaphore, #tpu.memory_space<semaphore_mem>>)
      %dma_wait3A_95 = arith.constant 0 : i32
      %dma_wait3A_96 = tpu.memref_slice %arg9[%mul3A_86, %dma_wait3A_95] : memref<20x128xi32, #tpu.memory_space<vmem>> -> memref<1x128xi32, #tpu.memory_space<vmem>>
      %dma_wait3A_97 = tpu.memref_squeeze %dma_wait3A_96 : memref<1x128xi32, #tpu.memory_space<vmem>> -> memref<128xi32, #tpu.memory_space<vmem>>
      %dma_wait3A_98 = arith.constant 0 : i32
      %dma_wait3A_99 = arith.constant 0 : i32
      %dma_wait3A_100 = tpu.memref_slice %arg2[%dma_wait3A_98, %dma_wait3A_99] : memref<10000x128xbf16, #tpu.memory_space<hbm>> -> memref<10000x128xbf16, #tpu.memory_space<hbm>>
      tpu.wait_indirect_dma semaphore(%arg16 : memref<!tpu.dma_semaphore, #tpu.memory_space<semaphore_mem>>) src(%dma_wait3A_100 : memref<10000x128xbf16, #tpu.memory_space<hbm>>) dst(%arg12 : memref<128x128xbf16, #tpu.memory_space<vmem>>)
      "tpu.region"() ({
        %run_scoped3A_129 = tpu.sem_alloc : memref<!tpu.dma_semaphore, #tpu.memory_space<semaphore_mem>>
        %dma_start3A_130 = arith.constant 0 : i32
        %dma_start3A_131 = tpu.memref_slice %arg10[%mul3A_86, %dma_start3A_130] : memref<20x128xi32, #tpu.memory_space<vmem>> -> memref<1x128xi32, #tpu.memory_space<vmem>>
        %dma_start3A_132 = tpu.memref_squeeze %dma_start3A_131 : memref<1x128xi32, #tpu.memory_space<vmem>> -> memref<128xi32, #tpu.memory_space<vmem>>
        %dma_start3A_133 = arith.constant 0 : i32
        %dma_start3A_134 = arith.constant 0 : i32
        %dma_start3A_135 = tpu.memref_slice %arg14[%dma_start3A_133, %dma_start3A_134] : memref<10016x128xbf16, #tpu.memory_space<vmem_shared>> -> memref<10016x128xbf16, #tpu.memory_space<vmem_shared>>
        tpu.enqueue_indirect_dma source(%arg12 : memref<128x128xbf16, #tpu.memory_space<vmem>>) target(%dma_start3A_135 : memref<10016x128xbf16, #tpu.memory_space<vmem_shared>>) offsets(%dma_start3A_132 : memref<128xi32, #tpu.memory_space<vmem>>) semaphore(%run_scoped3A_129 : memref<!tpu.dma_semaphore, #tpu.memory_space<semaphore_mem>>) {add = true}
        %dma_wait3A_136 = arith.constant 0 : i32
        %dma_wait3A_137 = tpu.memref_slice %arg10[%mul3A_86, %dma_wait3A_136] : memref<20x128xi32, #tpu.memory_space<vmem>> -> memref<1x128xi32, #tpu.memory_space<vmem>>
        %dma_wait3A_138 = tpu.memref_squeeze %dma_wait3A_137 : memref<1x128xi32, #tpu.memory_space<vmem>> -> memref<128xi32, #tpu.memory_space<vmem>>
        %dma_wait3A_139 = arith.constant 0 : i32
        %dma_wait3A_140 = arith.constant 0 : i32
        %dma_wait3A_141 = tpu.memref_slice %arg14[%dma_wait3A_139, %dma_wait3A_140] : memref<10016x128xbf16, #tpu.memory_space<vmem_shared>> -> memref<10016x128xbf16, #tpu.memory_space<vmem_shared>>
        tpu.wait_indirect_dma semaphore(%run_scoped3A_129 : memref<!tpu.dma_semaphore, #tpu.memory_space<semaphore_mem>>) src(%arg12 : memref<128x128xbf16, #tpu.memory_space<vmem>>) dst(%dma_wait3A_141 : memref<10016x128xbf16, #tpu.memory_space<vmem_shared>>)
        tpu.yield
      }) : () -> ()
      %dma_start3A_101 = arith.constant 0 : i32
      %dma_start3A_102 = tpu.memref_slice %arg10[%mul3A_86, %dma_start3A_101] : memref<20x128xi32, #tpu.memory_space<vmem>> -> memref<1x128xi32, #tpu.memory_space<vmem>>
      %dma_start3A_103 = tpu.memref_squeeze %dma_start3A_102 : memref<1x128xi32, #tpu.memory_space<vmem>> -> memref<128xi32, #tpu.memory_space<vmem>>
      %dma_start3A_104 = arith.constant 0 : i32
      %dma_start3A_105 = arith.constant 0 : i32
      %dma_start3A_106 = tpu.memref_slice %arg15[%dma_start3A_104, %dma_start3A_105] : memref<10016x16xf32, #tpu.memory_space<vmem_shared>> -> memref<10016x16xf32, #tpu.memory_space<vmem_shared>>
      tpu.enqueue_indirect_dma source(%arg11 : memref<128x16xf32, #tpu.memory_space<vmem>>) target(%dma_start3A_106 : memref<10016x16xf32, #tpu.memory_space<vmem_shared>>) offsets(%dma_start3A_103 : memref<128xi32, #tpu.memory_space<vmem>>) semaphore(%arg18 : memref<!tpu.dma_semaphore, #tpu.memory_space<semaphore_mem>>) {add = true}
      %add3A_107 = arith.constant 2 : i32
      %add3A_108 = arith.addi %mul3A_86, %add3A_107 : i32
      %lt3A = arith.constant 20 : i32
      %lt3A_109 = arith.cmpi slt, %add3A_108, %lt3A : i32
      %convert_element_type3A = arith.extui %lt3A_109 : i1 to i32
      %cond3A = arith.constant 0 : i32
      %cond3A_110 = arith.cmpi ne, %convert_element_type3A, %cond3A : i32
      scf.if %cond3A_110 {
        %add3A_129 = arith.constant 2 : i32
        %add3A_130 = arith.addi %mul3A_86, %add3A_129 : i32
        %dma_start3A_131 = arith.constant 0 : i32
        %dma_start3A_132 = tpu.memref_slice %arg9[%add3A_130, %dma_start3A_131] : memref<20x128xi32, #tpu.memory_space<vmem>> -> memref<1x128xi32, #tpu.memory_space<vmem>>
        %dma_start3A_133 = tpu.memref_squeeze %dma_start3A_132 : memref<1x128xi32, #tpu.memory_space<vmem>> -> memref<128xi32, #tpu.memory_space<vmem>>
        %dma_start3A_134 = arith.constant 0 : i32
        %dma_start3A_135 = arith.constant 0 : i32
        %dma_start3A_136 = tpu.memref_slice %arg2[%dma_start3A_134, %dma_start3A_135] : memref<10000x128xbf16, #tpu.memory_space<hbm>> -> memref<10000x128xbf16, #tpu.memory_space<hbm>>
        tpu.enqueue_indirect_dma source(%dma_start3A_136 : memref<10000x128xbf16, #tpu.memory_space<hbm>>) target(%arg12 : memref<128x128xbf16, #tpu.memory_space<vmem>>) offsets(%dma_start3A_133 : memref<128xi32, #tpu.memory_space<vmem>>) semaphore(%arg16 : memref<!tpu.dma_semaphore, #tpu.memory_space<semaphore_mem>>)
      } else {
      }
      %add3A_111 = arith.constant 1 : i32
      %add3A_112 = arith.addi %mul3A_86, %add3A_111 : i32
      %dma_wait3A_113 = arith.constant 0 : i32
      %dma_wait3A_114 = tpu.memref_slice %arg9[%add3A_112, %dma_wait3A_113] : memref<20x128xi32, #tpu.memory_space<vmem>> -> memref<1x128xi32, #tpu.memory_space<vmem>>
      %dma_wait3A_115 = tpu.memref_squeeze %dma_wait3A_114 : memref<1x128xi32, #tpu.memory_space<vmem>> -> memref<128xi32, #tpu.memory_space<vmem>>
      %dma_wait3A_116 = arith.constant 0 : i32
      %dma_wait3A_117 = arith.constant 0 : i32
      %dma_wait3A_118 = tpu.memref_slice %arg2[%dma_wait3A_116, %dma_wait3A_117] : memref<10000x128xbf16, #tpu.memory_space<hbm>> -> memref<10000x128xbf16, #tpu.memory_space<hbm>>
      tpu.wait_indirect_dma semaphore(%arg17 : memref<!tpu.dma_semaphore, #tpu.memory_space<semaphore_mem>>) src(%dma_wait3A_118 : memref<10000x128xbf16, #tpu.memory_space<hbm>>) dst(%arg13 : memref<128x128xbf16, #tpu.memory_space<vmem>>)
      %add3A_119 = arith.constant 1 : i32
      %add3A_120 = arith.addi %mul3A_86, %add3A_119 : i32
      "tpu.region"() ({
        %run_scoped3A_129 = tpu.sem_alloc : memref<!tpu.dma_semaphore, #tpu.memory_space<semaphore_mem>>
        %dma_start3A_130 = arith.constant 0 : i32
        %dma_start3A_131 = tpu.memref_slice %arg10[%add3A_120, %dma_start3A_130] : memref<20x128xi32, #tpu.memory_space<vmem>> -> memref<1x128xi32, #tpu.memory_space<vmem>>
        %dma_start3A_132 = tpu.memref_squeeze %dma_start3A_131 : memref<1x128xi32, #tpu.memory_space<vmem>> -> memref<128xi32, #tpu.memory_space<vmem>>
        %dma_start3A_133 = arith.constant 0 : i32
        %dma_start3A_134 = arith.constant 0 : i32
        %dma_start3A_135 = tpu.memref_slice %arg14[%dma_start3A_133, %dma_start3A_134] : memref<10016x128xbf16, #tpu.memory_space<vmem_shared>> -> memref<10016x128xbf16, #tpu.memory_space<vmem_shared>>
        tpu.enqueue_indirect_dma source(%arg13 : memref<128x128xbf16, #tpu.memory_space<vmem>>) target(%dma_start3A_135 : memref<10016x128xbf16, #tpu.memory_space<vmem_shared>>) offsets(%dma_start3A_132 : memref<128xi32, #tpu.memory_space<vmem>>) semaphore(%run_scoped3A_129 : memref<!tpu.dma_semaphore, #tpu.memory_space<semaphore_mem>>) {add = true}
        %dma_wait3A_136 = arith.constant 0 : i32
        %dma_wait3A_137 = tpu.memref_slice %arg10[%add3A_120, %dma_wait3A_136] : memref<20x128xi32, #tpu.memory_space<vmem>> -> memref<1x128xi32, #tpu.memory_space<vmem>>
        %dma_wait3A_138 = tpu.memref_squeeze %dma_wait3A_137 : memref<1x128xi32, #tpu.memory_space<vmem>> -> memref<128xi32, #tpu.memory_space<vmem>>
        %dma_wait3A_139 = arith.constant 0 : i32
        %dma_wait3A_140 = arith.constant 0 : i32
        %dma_wait3A_141 = tpu.memref_slice %arg14[%dma_wait3A_139, %dma_wait3A_140] : memref<10016x128xbf16, #tpu.memory_space<vmem_shared>> -> memref<10016x128xbf16, #tpu.memory_space<vmem_shared>>
        tpu.wait_indirect_dma semaphore(%run_scoped3A_129 : memref<!tpu.dma_semaphore, #tpu.memory_space<semaphore_mem>>) src(%arg13 : memref<128x128xbf16, #tpu.memory_space<vmem>>) dst(%dma_wait3A_141 : memref<10016x128xbf16, #tpu.memory_space<vmem_shared>>)
        tpu.yield
      }) : () -> ()
      %add3A_121 = arith.constant 1 : i32
      %add3A_122 = arith.addi %mul3A_86, %add3A_121 : i32
      %dma_start3A_123 = arith.constant 0 : i32
      %dma_start3A_124 = tpu.memref_slice %arg10[%add3A_122, %dma_start3A_123] : memref<20x128xi32, #tpu.memory_space<vmem>> -> memref<1x128xi32, #tpu.memory_space<vmem>>
      %dma_start3A_125 = tpu.memref_squeeze %dma_start3A_124 : memref<1x128xi32, #tpu.memory_space<vmem>> -> memref<128xi32, #tpu.memory_space<vmem>>
      %dma_start3A_126 = arith.constant 0 : i32
      %dma_start3A_127 = arith.constant 0 : i32
      %dma_start3A_128 = tpu.memref_slice %arg15[%dma_start3A_126, %dma_start3A_127] : memref<10016x16xf32, #tpu.memory_space<vmem_shared>> -> memref<10016x16xf32, #tpu.memory_space<vmem_shared>>
      tpu.enqueue_indirect_dma source(%arg11 : memref<128x16xf32, #tpu.memory_space<vmem>>) target(%dma_start3A_128 : memref<10016x16xf32, #tpu.memory_space<vmem_shared>>) offsets(%dma_start3A_125 : memref<128xi32, #tpu.memory_space<vmem>>) semaphore(%arg18 : memref<!tpu.dma_semaphore, #tpu.memory_space<semaphore_mem>>) {add = true}
    }
    %scan3A_38 = arith.constant 10 : i32
    %run_scoped3A_39 = arith.constant 0 : i32
    "tpu.region"() ({
      %run_scoped3A_84 = tpu.sem_alloc : memref<!tpu.dma_semaphore, #tpu.memory_space<semaphore_mem>>
      %dma_start3A_85 = arith.constant 40 : i32
      %dma_start3A_86 = arith.constant 0 : i32
      %dma_start3A_87 = tpu.memref_slice %arg3[%run_scoped3A_39, %add3A, %dma_start3A_85, %dma_start3A_86] : memref<2x32x80x128xi32, #tpu.memory_space<hbm>> -> memref<1x1x20x128xi32, #tpu.memory_space<hbm>>
      %dma_start3A_88 = tpu.memref_squeeze %dma_start3A_87 : memref<1x1x20x128xi32, #tpu.memory_space<hbm>> -> memref<20x128xi32, #tpu.memory_space<hbm>>
      %dma_start3A_89 = arith.constant 40 : i32
      %dma_start3A_90 = arith.constant 0 : i32
      %dma_start3A_91 = tpu.memref_slice %arg3[%run_scoped3A_39, %add3A, %dma_start3A_89, %dma_start3A_90] : memref<2x32x80x128xi32, #tpu.memory_space<hbm>> -> memref<1x1x20x128xi32, #tpu.memory_space<hbm>>
      %dma_start3A_92 = tpu.memref_squeeze %dma_start3A_91 : memref<1x1x20x128xi32, #tpu.memory_space<hbm>> -> memref<20x128xi32, #tpu.memory_space<hbm>>
      tpu.enqueue_dma source(%dma_start3A_92 : memref<20x128xi32, #tpu.memory_space<hbm>>) target(%arg9 : memref<20x128xi32, #tpu.memory_space<vmem>>) target_semaphore(%run_scoped3A_84 : memref<!tpu.dma_semaphore, #tpu.memory_space<semaphore_mem>>)
      %dma_wait3A_93 = arith.constant 40 : i32
      %dma_wait3A_94 = arith.constant 0 : i32
      %dma_wait3A_95 = tpu.memref_slice %arg3[%run_scoped3A_39, %add3A, %dma_wait3A_93, %dma_wait3A_94] : memref<2x32x80x128xi32, #tpu.memory_space<hbm>> -> memref<1x1x20x128xi32, #tpu.memory_space<hbm>>
      %dma_wait3A_96 = tpu.memref_squeeze %dma_wait3A_95 : memref<1x1x20x128xi32, #tpu.memory_space<hbm>> -> memref<20x128xi32, #tpu.memory_space<hbm>>
      %dma_wait3A_97 = arith.constant 40 : i32
      %dma_wait3A_98 = arith.constant 0 : i32
      %dma_wait3A_99 = tpu.memref_slice %arg3[%run_scoped3A_39, %add3A, %dma_wait3A_97, %dma_wait3A_98] : memref<2x32x80x128xi32, #tpu.memory_space<hbm>> -> memref<1x1x20x128xi32, #tpu.memory_space<hbm>>
      %dma_wait3A_100 = tpu.memref_squeeze %dma_wait3A_99 : memref<1x1x20x128xi32, #tpu.memory_space<hbm>> -> memref<20x128xi32, #tpu.memory_space<hbm>>
      tpu.wait_dma2 semaphore(%run_scoped3A_84 : memref<!tpu.dma_semaphore, #tpu.memory_space<semaphore_mem>>) src(%dma_wait3A_100 : memref<20x128xi32, #tpu.memory_space<hbm>>) dst(%arg9 : memref<20x128xi32, #tpu.memory_space<vmem>>)
      tpu.yield
    }) : () -> ()
    %run_scoped3A_40 = arith.constant 1 : i32
    "tpu.region"() ({
      %run_scoped3A_84 = tpu.sem_alloc : memref<!tpu.dma_semaphore, #tpu.memory_space<semaphore_mem>>
      %dma_start3A_85 = arith.constant 40 : i32
      %dma_start3A_86 = arith.constant 0 : i32
      %dma_start3A_87 = tpu.memref_slice %arg3[%run_scoped3A_40, %add3A, %dma_start3A_85, %dma_start3A_86] : memref<2x32x80x128xi32, #tpu.memory_space<hbm>> -> memref<1x1x20x128xi32, #tpu.memory_space<hbm>>
      %dma_start3A_88 = tpu.memref_squeeze %dma_start3A_87 : memref<1x1x20x128xi32, #tpu.memory_space<hbm>> -> memref<20x128xi32, #tpu.memory_space<hbm>>
      %dma_start3A_89 = arith.constant 40 : i32
      %dma_start3A_90 = arith.constant 0 : i32
      %dma_start3A_91 = tpu.memref_slice %arg3[%run_scoped3A_40, %add3A, %dma_start3A_89, %dma_start3A_90] : memref<2x32x80x128xi32, #tpu.memory_space<hbm>> -> memref<1x1x20x128xi32, #tpu.memory_space<hbm>>
      %dma_start3A_92 = tpu.memref_squeeze %dma_start3A_91 : memref<1x1x20x128xi32, #tpu.memory_space<hbm>> -> memref<20x128xi32, #tpu.memory_space<hbm>>
      tpu.enqueue_dma source(%dma_start3A_92 : memref<20x128xi32, #tpu.memory_space<hbm>>) target(%arg10 : memref<20x128xi32, #tpu.memory_space<vmem>>) target_semaphore(%run_scoped3A_84 : memref<!tpu.dma_semaphore, #tpu.memory_space<semaphore_mem>>)
      %dma_wait3A_93 = arith.constant 40 : i32
      %dma_wait3A_94 = arith.constant 0 : i32
      %dma_wait3A_95 = tpu.memref_slice %arg3[%run_scoped3A_40, %add3A, %dma_wait3A_93, %dma_wait3A_94] : memref<2x32x80x128xi32, #tpu.memory_space<hbm>> -> memref<1x1x20x128xi32, #tpu.memory_space<hbm>>
      %dma_wait3A_96 = tpu.memref_squeeze %dma_wait3A_95 : memref<1x1x20x128xi32, #tpu.memory_space<hbm>> -> memref<20x128xi32, #tpu.memory_space<hbm>>
      %dma_wait3A_97 = arith.constant 40 : i32
      %dma_wait3A_98 = arith.constant 0 : i32
      %dma_wait3A_99 = tpu.memref_slice %arg3[%run_scoped3A_40, %add3A, %dma_wait3A_97, %dma_wait3A_98] : memref<2x32x80x128xi32, #tpu.memory_space<hbm>> -> memref<1x1x20x128xi32, #tpu.memory_space<hbm>>
      %dma_wait3A_100 = tpu.memref_squeeze %dma_wait3A_99 : memref<1x1x20x128xi32, #tpu.memory_space<hbm>> -> memref<20x128xi32, #tpu.memory_space<hbm>>
      tpu.wait_dma2 semaphore(%run_scoped3A_84 : memref<!tpu.dma_semaphore, #tpu.memory_space<semaphore_mem>>) src(%dma_wait3A_100 : memref<20x128xi32, #tpu.memory_space<hbm>>) dst(%arg10 : memref<20x128xi32, #tpu.memory_space<vmem>>)
      tpu.yield
    }) : () -> ()
    %dma_start3A_41 = arith.constant 0 : i32
    %dma_start3A_42 = arith.constant 0 : i32
    %dma_start3A_43 = tpu.memref_slice %arg9[%dma_start3A_41, %dma_start3A_42] : memref<20x128xi32, #tpu.memory_space<vmem>> -> memref<1x128xi32, #tpu.memory_space<vmem>>
    %dma_start3A_44 = tpu.memref_squeeze %dma_start3A_43 : memref<1x128xi32, #tpu.memory_space<vmem>> -> memref<128xi32, #tpu.memory_space<vmem>>
    %dma_start3A_45 = arith.constant 0 : i32
    %dma_start3A_46 = arith.constant 0 : i32
    %dma_start3A_47 = tpu.memref_slice %arg2[%dma_start3A_45, %dma_start3A_46] : memref<10000x128xbf16, #tpu.memory_space<hbm>> -> memref<10000x128xbf16, #tpu.memory_space<hbm>>
    tpu.enqueue_indirect_dma source(%dma_start3A_47 : memref<10000x128xbf16, #tpu.memory_space<hbm>>) target(%arg12 : memref<128x128xbf16, #tpu.memory_space<vmem>>) offsets(%dma_start3A_44 : memref<128xi32, #tpu.memory_space<vmem>>) semaphore(%arg16 : memref<!tpu.dma_semaphore, #tpu.memory_space<semaphore_mem>>)
    %scan3A_48 = arith.constant 0 : i32
    %scan3A_49 = arith.constant 0 : i32
    %scan3A_50 = arith.constant 10 : i32
    %scan3A_51 = arith.addi %scan3A_49, %scan3A_50 : i32
    %scan3A_52 = arith.constant 1 : i32
    scf.for %scan3A_84 = %scan3A_49 to %scan3A_51 step %scan3A_52  : i32 {
      %mul3A_85 = arith.constant 2 : i32
      %mul3A_86 = arith.muli %mul3A_85, %scan3A_84 : i32
      %add3A_87 = arith.constant 1 : i32
      %add3A_88 = arith.addi %mul3A_86, %add3A_87 : i32
      %dma_start3A_89 = arith.constant 0 : i32
      %dma_start3A_90 = tpu.memref_slice %arg9[%add3A_88, %dma_start3A_89] : memref<20x128xi32, #tpu.memory_space<vmem>> -> memref<1x128xi32, #tpu.memory_space<vmem>>
      %dma_start3A_91 = tpu.memref_squeeze %dma_start3A_90 : memref<1x128xi32, #tpu.memory_space<vmem>> -> memref<128xi32, #tpu.memory_space<vmem>>
      %dma_start3A_92 = arith.constant 0 : i32
      %dma_start3A_93 = arith.constant 0 : i32
      %dma_start3A_94 = tpu.memref_slice %arg2[%dma_start3A_92, %dma_start3A_93] : memref<10000x128xbf16, #tpu.memory_space<hbm>> -> memref<10000x128xbf16, #tpu.memory_space<hbm>>
      tpu.enqueue_indirect_dma source(%dma_start3A_94 : memref<10000x128xbf16, #tpu.memory_space<hbm>>) target(%arg13 : memref<128x128xbf16, #tpu.memory_space<vmem>>) offsets(%dma_start3A_91 : memref<128xi32, #tpu.memory_space<vmem>>) semaphore(%arg17 : memref<!tpu.dma_semaphore, #tpu.memory_space<semaphore_mem>>)
      %dma_wait3A_95 = arith.constant 0 : i32
      %dma_wait3A_96 = tpu.memref_slice %arg9[%mul3A_86, %dma_wait3A_95] : memref<20x128xi32, #tpu.memory_space<vmem>> -> memref<1x128xi32, #tpu.memory_space<vmem>>
      %dma_wait3A_97 = tpu.memref_squeeze %dma_wait3A_96 : memref<1x128xi32, #tpu.memory_space<vmem>> -> memref<128xi32, #tpu.memory_space<vmem>>
      %dma_wait3A_98 = arith.constant 0 : i32
      %dma_wait3A_99 = arith.constant 0 : i32
      %dma_wait3A_100 = tpu.memref_slice %arg2[%dma_wait3A_98, %dma_wait3A_99] : memref<10000x128xbf16, #tpu.memory_space<hbm>> -> memref<10000x128xbf16, #tpu.memory_space<hbm>>
      tpu.wait_indirect_dma semaphore(%arg16 : memref<!tpu.dma_semaphore, #tpu.memory_space<semaphore_mem>>) src(%dma_wait3A_100 : memref<10000x128xbf16, #tpu.memory_space<hbm>>) dst(%arg12 : memref<128x128xbf16, #tpu.memory_space<vmem>>)
      "tpu.region"() ({
        %run_scoped3A_129 = tpu.sem_alloc : memref<!tpu.dma_semaphore, #tpu.memory_space<semaphore_mem>>
        %dma_start3A_130 = arith.constant 0 : i32
        %dma_start3A_131 = tpu.memref_slice %arg10[%mul3A_86, %dma_start3A_130] : memref<20x128xi32, #tpu.memory_space<vmem>> -> memref<1x128xi32, #tpu.memory_space<vmem>>
        %dma_start3A_132 = tpu.memref_squeeze %dma_start3A_131 : memref<1x128xi32, #tpu.memory_space<vmem>> -> memref<128xi32, #tpu.memory_space<vmem>>
        %dma_start3A_133 = arith.constant 0 : i32
        %dma_start3A_134 = arith.constant 0 : i32
        %dma_start3A_135 = tpu.memref_slice %arg14[%dma_start3A_133, %dma_start3A_134] : memref<10016x128xbf16, #tpu.memory_space<vmem_shared>> -> memref<10016x128xbf16, #tpu.memory_space<vmem_shared>>
        tpu.enqueue_indirect_dma source(%arg12 : memref<128x128xbf16, #tpu.memory_space<vmem>>) target(%dma_start3A_135 : memref<10016x128xbf16, #tpu.memory_space<vmem_shared>>) offsets(%dma_start3A_132 : memref<128xi32, #tpu.memory_space<vmem>>) semaphore(%run_scoped3A_129 : memref<!tpu.dma_semaphore, #tpu.memory_space<semaphore_mem>>) {add = true}
        %dma_wait3A_136 = arith.constant 0 : i32
        %dma_wait3A_137 = tpu.memref_slice %arg10[%mul3A_86, %dma_wait3A_136] : memref<20x128xi32, #tpu.memory_space<vmem>> -> memref<1x128xi32, #tpu.memory_space<vmem>>
        %dma_wait3A_138 = tpu.memref_squeeze %dma_wait3A_137 : memref<1x128xi32, #tpu.memory_space<vmem>> -> memref<128xi32, #tpu.memory_space<vmem>>
        %dma_wait3A_139 = arith.constant 0 : i32
        %dma_wait3A_140 = arith.constant 0 : i32
        %dma_wait3A_141 = tpu.memref_slice %arg14[%dma_wait3A_139, %dma_wait3A_140] : memref<10016x128xbf16, #tpu.memory_space<vmem_shared>> -> memref<10016x128xbf16, #tpu.memory_space<vmem_shared>>
        tpu.wait_indirect_dma semaphore(%run_scoped3A_129 : memref<!tpu.dma_semaphore, #tpu.memory_space<semaphore_mem>>) src(%arg12 : memref<128x128xbf16, #tpu.memory_space<vmem>>) dst(%dma_wait3A_141 : memref<10016x128xbf16, #tpu.memory_space<vmem_shared>>)
        tpu.yield
      }) : () -> ()
      %dma_start3A_101 = arith.constant 0 : i32
      %dma_start3A_102 = tpu.memref_slice %arg10[%mul3A_86, %dma_start3A_101] : memref<20x128xi32, #tpu.memory_space<vmem>> -> memref<1x128xi32, #tpu.memory_space<vmem>>
      %dma_start3A_103 = tpu.memref_squeeze %dma_start3A_102 : memref<1x128xi32, #tpu.memory_space<vmem>> -> memref<128xi32, #tpu.memory_space<vmem>>
      %dma_start3A_104 = arith.constant 0 : i32
      %dma_start3A_105 = arith.constant 0 : i32
      %dma_start3A_106 = tpu.memref_slice %arg15[%dma_start3A_104, %dma_start3A_105] : memref<10016x16xf32, #tpu.memory_space<vmem_shared>> -> memref<10016x16xf32, #tpu.memory_space<vmem_shared>>
      tpu.enqueue_indirect_dma source(%arg11 : memref<128x16xf32, #tpu.memory_space<vmem>>) target(%dma_start3A_106 : memref<10016x16xf32, #tpu.memory_space<vmem_shared>>) offsets(%dma_start3A_103 : memref<128xi32, #tpu.memory_space<vmem>>) semaphore(%arg18 : memref<!tpu.dma_semaphore, #tpu.memory_space<semaphore_mem>>) {add = true}
      %add3A_107 = arith.constant 2 : i32
      %add3A_108 = arith.addi %mul3A_86, %add3A_107 : i32
      %lt3A = arith.constant 20 : i32
      %lt3A_109 = arith.cmpi slt, %add3A_108, %lt3A : i32
      %convert_element_type3A = arith.extui %lt3A_109 : i1 to i32
      %cond3A = arith.constant 0 : i32
      %cond3A_110 = arith.cmpi ne, %convert_element_type3A, %cond3A : i32
      scf.if %cond3A_110 {
        %add3A_129 = arith.constant 2 : i32
        %add3A_130 = arith.addi %mul3A_86, %add3A_129 : i32
        %dma_start3A_131 = arith.constant 0 : i32
        %dma_start3A_132 = tpu.memref_slice %arg9[%add3A_130, %dma_start3A_131] : memref<20x128xi32, #tpu.memory_space<vmem>> -> memref<1x128xi32, #tpu.memory_space<vmem>>
        %dma_start3A_133 = tpu.memref_squeeze %dma_start3A_132 : memref<1x128xi32, #tpu.memory_space<vmem>> -> memref<128xi32, #tpu.memory_space<vmem>>
        %dma_start3A_134 = arith.constant 0 : i32
        %dma_start3A_135 = arith.constant 0 : i32
        %dma_start3A_136 = tpu.memref_slice %arg2[%dma_start3A_134, %dma_start3A_135] : memref<10000x128xbf16, #tpu.memory_space<hbm>> -> memref<10000x128xbf16, #tpu.memory_space<hbm>>
        tpu.enqueue_indirect_dma source(%dma_start3A_136 : memref<10000x128xbf16, #tpu.memory_space<hbm>>) target(%arg12 : memref<128x128xbf16, #tpu.memory_space<vmem>>) offsets(%dma_start3A_133 : memref<128xi32, #tpu.memory_space<vmem>>) semaphore(%arg16 : memref<!tpu.dma_semaphore, #tpu.memory_space<semaphore_mem>>)
      } else {
      }
      %add3A_111 = arith.constant 1 : i32
      %add3A_112 = arith.addi %mul3A_86, %add3A_111 : i32
      %dma_wait3A_113 = arith.constant 0 : i32
      %dma_wait3A_114 = tpu.memref_slice %arg9[%add3A_112, %dma_wait3A_113] : memref<20x128xi32, #tpu.memory_space<vmem>> -> memref<1x128xi32, #tpu.memory_space<vmem>>
      %dma_wait3A_115 = tpu.memref_squeeze %dma_wait3A_114 : memref<1x128xi32, #tpu.memory_space<vmem>> -> memref<128xi32, #tpu.memory_space<vmem>>
      %dma_wait3A_116 = arith.constant 0 : i32
      %dma_wait3A_117 = arith.constant 0 : i32
      %dma_wait3A_118 = tpu.memref_slice %arg2[%dma_wait3A_116, %dma_wait3A_117] : memref<10000x128xbf16, #tpu.memory_space<hbm>> -> memref<10000x128xbf16, #tpu.memory_space<hbm>>
      tpu.wait_indirect_dma semaphore(%arg17 : memref<!tpu.dma_semaphore, #tpu.memory_space<semaphore_mem>>) src(%dma_wait3A_118 : memref<10000x128xbf16, #tpu.memory_space<hbm>>) dst(%arg13 : memref<128x128xbf16, #tpu.memory_space<vmem>>)
      %add3A_119 = arith.constant 1 : i32
      %add3A_120 = arith.addi %mul3A_86, %add3A_119 : i32
      "tpu.region"() ({
        %run_scoped3A_129 = tpu.sem_alloc : memref<!tpu.dma_semaphore, #tpu.memory_space<semaphore_mem>>
        %dma_start3A_130 = arith.constant 0 : i32
        %dma_start3A_131 = tpu.memref_slice %arg10[%add3A_120, %dma_start3A_130] : memref<20x128xi32, #tpu.memory_space<vmem>> -> memref<1x128xi32, #tpu.memory_space<vmem>>
        %dma_start3A_132 = tpu.memref_squeeze %dma_start3A_131 : memref<1x128xi32, #tpu.memory_space<vmem>> -> memref<128xi32, #tpu.memory_space<vmem>>
        %dma_start3A_133 = arith.constant 0 : i32
        %dma_start3A_134 = arith.constant 0 : i32
        %dma_start3A_135 = tpu.memref_slice %arg14[%dma_start3A_133, %dma_start3A_134] : memref<10016x128xbf16, #tpu.memory_space<vmem_shared>> -> memref<10016x128xbf16, #tpu.memory_space<vmem_shared>>
        tpu.enqueue_indirect_dma source(%arg13 : memref<128x128xbf16, #tpu.memory_space<vmem>>) target(%dma_start3A_135 : memref<10016x128xbf16, #tpu.memory_space<vmem_shared>>) offsets(%dma_start3A_132 : memref<128xi32, #tpu.memory_space<vmem>>) semaphore(%run_scoped3A_129 : memref<!tpu.dma_semaphore, #tpu.memory_space<semaphore_mem>>) {add = true}
        %dma_wait3A_136 = arith.constant 0 : i32
        %dma_wait3A_137 = tpu.memref_slice %arg10[%add3A_120, %dma_wait3A_136] : memref<20x128xi32, #tpu.memory_space<vmem>> -> memref<1x128xi32, #tpu.memory_space<vmem>>
        %dma_wait3A_138 = tpu.memref_squeeze %dma_wait3A_137 : memref<1x128xi32, #tpu.memory_space<vmem>> -> memref<128xi32, #tpu.memory_space<vmem>>
        %dma_wait3A_139 = arith.constant 0 : i32
        %dma_wait3A_140 = arith.constant 0 : i32
        %dma_wait3A_141 = tpu.memref_slice %arg14[%dma_wait3A_139, %dma_wait3A_140] : memref<10016x128xbf16, #tpu.memory_space<vmem_shared>> -> memref<10016x128xbf16, #tpu.memory_space<vmem_shared>>
        tpu.wait_indirect_dma semaphore(%run_scoped3A_129 : memref<!tpu.dma_semaphore, #tpu.memory_space<semaphore_mem>>) src(%arg13 : memref<128x128xbf16, #tpu.memory_space<vmem>>) dst(%dma_wait3A_141 : memref<10016x128xbf16, #tpu.memory_space<vmem_shared>>)
        tpu.yield
      }) : () -> ()
      %add3A_121 = arith.constant 1 : i32
      %add3A_122 = arith.addi %mul3A_86, %add3A_121 : i32
      %dma_start3A_123 = arith.constant 0 : i32
      %dma_start3A_124 = tpu.memref_slice %arg10[%add3A_122, %dma_start3A_123] : memref<20x128xi32, #tpu.memory_space<vmem>> -> memref<1x128xi32, #tpu.memory_space<vmem>>
      %dma_start3A_125 = tpu.memref_squeeze %dma_start3A_124 : memref<1x128xi32, #tpu.memory_space<vmem>> -> memref<128xi32, #tpu.memory_space<vmem>>
      %dma_start3A_126 = arith.constant 0 : i32
      %dma_start3A_127 = arith.constant 0 : i32
      %dma_start3A_128 = tpu.memref_slice %arg15[%dma_start3A_126, %dma_start3A_127] : memref<10016x16xf32, #tpu.memory_space<vmem_shared>> -> memref<10016x16xf32, #tpu.memory_space<vmem_shared>>
      tpu.enqueue_indirect_dma source(%arg11 : memref<128x16xf32, #tpu.memory_space<vmem>>) target(%dma_start3A_128 : memref<10016x16xf32, #tpu.memory_space<vmem_shared>>) offsets(%dma_start3A_125 : memref<128xi32, #tpu.memory_space<vmem>>) semaphore(%arg18 : memref<!tpu.dma_semaphore, #tpu.memory_space<semaphore_mem>>) {add = true}
    }
    %scan3A_53 = arith.constant 10 : i32
    %run_scoped3A_54 = arith.constant 0 : i32
    "tpu.region"() ({
      %run_scoped3A_84 = tpu.sem_alloc : memref<!tpu.dma_semaphore, #tpu.memory_space<semaphore_mem>>
      %dma_start3A_85 = arith.constant 60 : i32
      %dma_start3A_86 = arith.constant 0 : i32
      %dma_start3A_87 = tpu.memref_slice %arg3[%run_scoped3A_54, %add3A, %dma_start3A_85, %dma_start3A_86] : memref<2x32x80x128xi32, #tpu.memory_space<hbm>> -> memref<1x1x20x128xi32, #tpu.memory_space<hbm>>
      %dma_start3A_88 = tpu.memref_squeeze %dma_start3A_87 : memref<1x1x20x128xi32, #tpu.memory_space<hbm>> -> memref<20x128xi32, #tpu.memory_space<hbm>>
      %dma_start3A_89 = arith.constant 60 : i32
      %dma_start3A_90 = arith.constant 0 : i32
      %dma_start3A_91 = tpu.memref_slice %arg3[%run_scoped3A_54, %add3A, %dma_start3A_89, %dma_start3A_90] : memref<2x32x80x128xi32, #tpu.memory_space<hbm>> -> memref<1x1x20x128xi32, #tpu.memory_space<hbm>>
      %dma_start3A_92 = tpu.memref_squeeze %dma_start3A_91 : memref<1x1x20x128xi32, #tpu.memory_space<hbm>> -> memref<20x128xi32, #tpu.memory_space<hbm>>
      tpu.enqueue_dma source(%dma_start3A_92 : memref<20x128xi32, #tpu.memory_space<hbm>>) target(%arg9 : memref<20x128xi32, #tpu.memory_space<vmem>>) target_semaphore(%run_scoped3A_84 : memref<!tpu.dma_semaphore, #tpu.memory_space<semaphore_mem>>)
      %dma_wait3A_93 = arith.constant 60 : i32
      %dma_wait3A_94 = arith.constant 0 : i32
      %dma_wait3A_95 = tpu.memref_slice %arg3[%run_scoped3A_54, %add3A, %dma_wait3A_93, %dma_wait3A_94] : memref<2x32x80x128xi32, #tpu.memory_space<hbm>> -> memref<1x1x20x128xi32, #tpu.memory_space<hbm>>
      %dma_wait3A_96 = tpu.memref_squeeze %dma_wait3A_95 : memref<1x1x20x128xi32, #tpu.memory_space<hbm>> -> memref<20x128xi32, #tpu.memory_space<hbm>>
      %dma_wait3A_97 = arith.constant 60 : i32
      %dma_wait3A_98 = arith.constant 0 : i32
      %dma_wait3A_99 = tpu.memref_slice %arg3[%run_scoped3A_54, %add3A, %dma_wait3A_97, %dma_wait3A_98] : memref<2x32x80x128xi32, #tpu.memory_space<hbm>> -> memref<1x1x20x128xi32, #tpu.memory_space<hbm>>
      %dma_wait3A_100 = tpu.memref_squeeze %dma_wait3A_99 : memref<1x1x20x128xi32, #tpu.memory_space<hbm>> -> memref<20x128xi32, #tpu.memory_space<hbm>>
      tpu.wait_dma2 semaphore(%run_scoped3A_84 : memref<!tpu.dma_semaphore, #tpu.memory_space<semaphore_mem>>) src(%dma_wait3A_100 : memref<20x128xi32, #tpu.memory_space<hbm>>) dst(%arg9 : memref<20x128xi32, #tpu.memory_space<vmem>>)
      tpu.yield
    }) : () -> ()
    %run_scoped3A_55 = arith.constant 1 : i32
    "tpu.region"() ({
      %run_scoped3A_84 = tpu.sem_alloc : memref<!tpu.dma_semaphore, #tpu.memory_space<semaphore_mem>>
      %dma_start3A_85 = arith.constant 60 : i32
      %dma_start3A_86 = arith.constant 0 : i32
      %dma_start3A_87 = tpu.memref_slice %arg3[%run_scoped3A_55, %add3A, %dma_start3A_85, %dma_start3A_86] : memref<2x32x80x128xi32, #tpu.memory_space<hbm>> -> memref<1x1x20x128xi32, #tpu.memory_space<hbm>>
      %dma_start3A_88 = tpu.memref_squeeze %dma_start3A_87 : memref<1x1x20x128xi32, #tpu.memory_space<hbm>> -> memref<20x128xi32, #tpu.memory_space<hbm>>
      %dma_start3A_89 = arith.constant 60 : i32
      %dma_start3A_90 = arith.constant 0 : i32
      %dma_start3A_91 = tpu.memref_slice %arg3[%run_scoped3A_55, %add3A, %dma_start3A_89, %dma_start3A_90] : memref<2x32x80x128xi32, #tpu.memory_space<hbm>> -> memref<1x1x20x128xi32, #tpu.memory_space<hbm>>
      %dma_start3A_92 = tpu.memref_squeeze %dma_start3A_91 : memref<1x1x20x128xi32, #tpu.memory_space<hbm>> -> memref<20x128xi32, #tpu.memory_space<hbm>>
      tpu.enqueue_dma source(%dma_start3A_92 : memref<20x128xi32, #tpu.memory_space<hbm>>) target(%arg10 : memref<20x128xi32, #tpu.memory_space<vmem>>) target_semaphore(%run_scoped3A_84 : memref<!tpu.dma_semaphore, #tpu.memory_space<semaphore_mem>>)
      %dma_wait3A_93 = arith.constant 60 : i32
      %dma_wait3A_94 = arith.constant 0 : i32
      %dma_wait3A_95 = tpu.memref_slice %arg3[%run_scoped3A_55, %add3A, %dma_wait3A_93, %dma_wait3A_94] : memref<2x32x80x128xi32, #tpu.memory_space<hbm>> -> memref<1x1x20x128xi32, #tpu.memory_space<hbm>>
      %dma_wait3A_96 = tpu.memref_squeeze %dma_wait3A_95 : memref<1x1x20x128xi32, #tpu.memory_space<hbm>> -> memref<20x128xi32, #tpu.memory_space<hbm>>
      %dma_wait3A_97 = arith.constant 60 : i32
      %dma_wait3A_98 = arith.constant 0 : i32
      %dma_wait3A_99 = tpu.memref_slice %arg3[%run_scoped3A_55, %add3A, %dma_wait3A_97, %dma_wait3A_98] : memref<2x32x80x128xi32, #tpu.memory_space<hbm>> -> memref<1x1x20x128xi32, #tpu.memory_space<hbm>>
      %dma_wait3A_100 = tpu.memref_squeeze %dma_wait3A_99 : memref<1x1x20x128xi32, #tpu.memory_space<hbm>> -> memref<20x128xi32, #tpu.memory_space<hbm>>
      tpu.wait_dma2 semaphore(%run_scoped3A_84 : memref<!tpu.dma_semaphore, #tpu.memory_space<semaphore_mem>>) src(%dma_wait3A_100 : memref<20x128xi32, #tpu.memory_space<hbm>>) dst(%arg10 : memref<20x128xi32, #tpu.memory_space<vmem>>)
      tpu.yield
    }) : () -> ()
    %dma_start3A_56 = arith.constant 0 : i32
    %dma_start3A_57 = arith.constant 0 : i32
    %dma_start3A_58 = tpu.memref_slice %arg9[%dma_start3A_56, %dma_start3A_57] : memref<20x128xi32, #tpu.memory_space<vmem>> -> memref<1x128xi32, #tpu.memory_space<vmem>>
    %dma_start3A_59 = tpu.memref_squeeze %dma_start3A_58 : memref<1x128xi32, #tpu.memory_space<vmem>> -> memref<128xi32, #tpu.memory_space<vmem>>
    %dma_start3A_60 = arith.constant 0 : i32
    %dma_start3A_61 = arith.constant 0 : i32
    %dma_start3A_62 = tpu.memref_slice %arg2[%dma_start3A_60, %dma_start3A_61] : memref<10000x128xbf16, #tpu.memory_space<hbm>> -> memref<10000x128xbf16, #tpu.memory_space<hbm>>
    tpu.enqueue_indirect_dma source(%dma_start3A_62 : memref<10000x128xbf16, #tpu.memory_space<hbm>>) target(%arg12 : memref<128x128xbf16, #tpu.memory_space<vmem>>) offsets(%dma_start3A_59 : memref<128xi32, #tpu.memory_space<vmem>>) semaphore(%arg16 : memref<!tpu.dma_semaphore, #tpu.memory_space<semaphore_mem>>)
    %scan3A_63 = arith.constant 0 : i32
    %scan3A_64 = arith.constant 0 : i32
    %scan3A_65 = arith.constant 10 : i32
    %scan3A_66 = arith.addi %scan3A_64, %scan3A_65 : i32
    %scan3A_67 = arith.constant 1 : i32
    scf.for %scan3A_84 = %scan3A_64 to %scan3A_66 step %scan3A_67  : i32 {
      %mul3A_85 = arith.constant 2 : i32
      %mul3A_86 = arith.muli %mul3A_85, %scan3A_84 : i32
      %add3A_87 = arith.constant 1 : i32
      %add3A_88 = arith.addi %mul3A_86, %add3A_87 : i32
      %dma_start3A_89 = arith.constant 0 : i32
      %dma_start3A_90 = tpu.memref_slice %arg9[%add3A_88, %dma_start3A_89] : memref<20x128xi32, #tpu.memory_space<vmem>> -> memref<1x128xi32, #tpu.memory_space<vmem>>
      %dma_start3A_91 = tpu.memref_squeeze %dma_start3A_90 : memref<1x128xi32, #tpu.memory_space<vmem>> -> memref<128xi32, #tpu.memory_space<vmem>>
      %dma_start3A_92 = arith.constant 0 : i32
      %dma_start3A_93 = arith.constant 0 : i32
      %dma_start3A_94 = tpu.memref_slice %arg2[%dma_start3A_92, %dma_start3A_93] : memref<10000x128xbf16, #tpu.memory_space<hbm>> -> memref<10000x128xbf16, #tpu.memory_space<hbm>>
      tpu.enqueue_indirect_dma source(%dma_start3A_94 : memref<10000x128xbf16, #tpu.memory_space<hbm>>) target(%arg13 : memref<128x128xbf16, #tpu.memory_space<vmem>>) offsets(%dma_start3A_91 : memref<128xi32, #tpu.memory_space<vmem>>) semaphore(%arg17 : memref<!tpu.dma_semaphore, #tpu.memory_space<semaphore_mem>>)
      %dma_wait3A_95 = arith.constant 0 : i32
      %dma_wait3A_96 = tpu.memref_slice %arg9[%mul3A_86, %dma_wait3A_95] : memref<20x128xi32, #tpu.memory_space<vmem>> -> memref<1x128xi32, #tpu.memory_space<vmem>>
      %dma_wait3A_97 = tpu.memref_squeeze %dma_wait3A_96 : memref<1x128xi32, #tpu.memory_space<vmem>> -> memref<128xi32, #tpu.memory_space<vmem>>
      %dma_wait3A_98 = arith.constant 0 : i32
      %dma_wait3A_99 = arith.constant 0 : i32
      %dma_wait3A_100 = tpu.memref_slice %arg2[%dma_wait3A_98, %dma_wait3A_99] : memref<10000x128xbf16, #tpu.memory_space<hbm>> -> memref<10000x128xbf16, #tpu.memory_space<hbm>>
      tpu.wait_indirect_dma semaphore(%arg16 : memref<!tpu.dma_semaphore, #tpu.memory_space<semaphore_mem>>) src(%dma_wait3A_100 : memref<10000x128xbf16, #tpu.memory_space<hbm>>) dst(%arg12 : memref<128x128xbf16, #tpu.memory_space<vmem>>)
      "tpu.region"() ({
        %run_scoped3A_129 = tpu.sem_alloc : memref<!tpu.dma_semaphore, #tpu.memory_space<semaphore_mem>>
        %dma_start3A_130 = arith.constant 0 : i32
        %dma_start3A_131 = tpu.memref_slice %arg10[%mul3A_86, %dma_start3A_130] : memref<20x128xi32, #tpu.memory_space<vmem>> -> memref<1x128xi32, #tpu.memory_space<vmem>>
        %dma_start3A_132 = tpu.memref_squeeze %dma_start3A_131 : memref<1x128xi32, #tpu.memory_space<vmem>> -> memref<128xi32, #tpu.memory_space<vmem>>
        %dma_start3A_133 = arith.constant 0 : i32
        %dma_start3A_134 = arith.constant 0 : i32
        %dma_start3A_135 = tpu.memref_slice %arg14[%dma_start3A_133, %dma_start3A_134] : memref<10016x128xbf16, #tpu.memory_space<vmem_shared>> -> memref<10016x128xbf16, #tpu.memory_space<vmem_shared>>
        tpu.enqueue_indirect_dma source(%arg12 : memref<128x128xbf16, #tpu.memory_space<vmem>>) target(%dma_start3A_135 : memref<10016x128xbf16, #tpu.memory_space<vmem_shared>>) offsets(%dma_start3A_132 : memref<128xi32, #tpu.memory_space<vmem>>) semaphore(%run_scoped3A_129 : memref<!tpu.dma_semaphore, #tpu.memory_space<semaphore_mem>>) {add = true}
        %dma_wait3A_136 = arith.constant 0 : i32
        %dma_wait3A_137 = tpu.memref_slice %arg10[%mul3A_86, %dma_wait3A_136] : memref<20x128xi32, #tpu.memory_space<vmem>> -> memref<1x128xi32, #tpu.memory_space<vmem>>
        %dma_wait3A_138 = tpu.memref_squeeze %dma_wait3A_137 : memref<1x128xi32, #tpu.memory_space<vmem>> -> memref<128xi32, #tpu.memory_space<vmem>>
        %dma_wait3A_139 = arith.constant 0 : i32
        %dma_wait3A_140 = arith.constant 0 : i32
        %dma_wait3A_141 = tpu.memref_slice %arg14[%dma_wait3A_139, %dma_wait3A_140] : memref<10016x128xbf16, #tpu.memory_space<vmem_shared>> -> memref<10016x128xbf16, #tpu.memory_space<vmem_shared>>
        tpu.wait_indirect_dma semaphore(%run_scoped3A_129 : memref<!tpu.dma_semaphore, #tpu.memory_space<semaphore_mem>>) src(%arg12 : memref<128x128xbf16, #tpu.memory_space<vmem>>) dst(%dma_wait3A_141 : memref<10016x128xbf16, #tpu.memory_space<vmem_shared>>)
        tpu.yield
      }) : () -> ()
      %dma_start3A_101 = arith.constant 0 : i32
      %dma_start3A_102 = tpu.memref_slice %arg10[%mul3A_86, %dma_start3A_101] : memref<20x128xi32, #tpu.memory_space<vmem>> -> memref<1x128xi32, #tpu.memory_space<vmem>>
      %dma_start3A_103 = tpu.memref_squeeze %dma_start3A_102 : memref<1x128xi32, #tpu.memory_space<vmem>> -> memref<128xi32, #tpu.memory_space<vmem>>
      %dma_start3A_104 = arith.constant 0 : i32
      %dma_start3A_105 = arith.constant 0 : i32
      %dma_start3A_106 = tpu.memref_slice %arg15[%dma_start3A_104, %dma_start3A_105] : memref<10016x16xf32, #tpu.memory_space<vmem_shared>> -> memref<10016x16xf32, #tpu.memory_space<vmem_shared>>
      tpu.enqueue_indirect_dma source(%arg11 : memref<128x16xf32, #tpu.memory_space<vmem>>) target(%dma_start3A_106 : memref<10016x16xf32, #tpu.memory_space<vmem_shared>>) offsets(%dma_start3A_103 : memref<128xi32, #tpu.memory_space<vmem>>) semaphore(%arg18 : memref<!tpu.dma_semaphore, #tpu.memory_space<semaphore_mem>>) {add = true}
      %add3A_107 = arith.constant 2 : i32
      %add3A_108 = arith.addi %mul3A_86, %add3A_107 : i32
      %lt3A = arith.constant 20 : i32
      %lt3A_109 = arith.cmpi slt, %add3A_108, %lt3A : i32
      %convert_element_type3A = arith.extui %lt3A_109 : i1 to i32
      %cond3A = arith.constant 0 : i32
      %cond3A_110 = arith.cmpi ne, %convert_element_type3A, %cond3A : i32
      scf.if %cond3A_110 {
        %add3A_129 = arith.constant 2 : i32
        %add3A_130 = arith.addi %mul3A_86, %add3A_129 : i32
        %dma_start3A_131 = arith.constant 0 : i32
        %dma_start3A_132 = tpu.memref_slice %arg9[%add3A_130, %dma_start3A_131] : memref<20x128xi32, #tpu.memory_space<vmem>> -> memref<1x128xi32, #tpu.memory_space<vmem>>
        %dma_start3A_133 = tpu.memref_squeeze %dma_start3A_132 : memref<1x128xi32, #tpu.memory_space<vmem>> -> memref<128xi32, #tpu.memory_space<vmem>>
        %dma_start3A_134 = arith.constant 0 : i32
        %dma_start3A_135 = arith.constant 0 : i32
        %dma_start3A_136 = tpu.memref_slice %arg2[%dma_start3A_134, %dma_start3A_135] : memref<10000x128xbf16, #tpu.memory_space<hbm>> -> memref<10000x128xbf16, #tpu.memory_space<hbm>>
        tpu.enqueue_indirect_dma source(%dma_start3A_136 : memref<10000x128xbf16, #tpu.memory_space<hbm>>) target(%arg12 : memref<128x128xbf16, #tpu.memory_space<vmem>>) offsets(%dma_start3A_133 : memref<128xi32, #tpu.memory_space<vmem>>) semaphore(%arg16 : memref<!tpu.dma_semaphore, #tpu.memory_space<semaphore_mem>>)
      } else {
      }
      %add3A_111 = arith.constant 1 : i32
      %add3A_112 = arith.addi %mul3A_86, %add3A_111 : i32
      %dma_wait3A_113 = arith.constant 0 : i32
      %dma_wait3A_114 = tpu.memref_slice %arg9[%add3A_112, %dma_wait3A_113] : memref<20x128xi32, #tpu.memory_space<vmem>> -> memref<1x128xi32, #tpu.memory_space<vmem>>
      %dma_wait3A_115 = tpu.memref_squeeze %dma_wait3A_114 : memref<1x128xi32, #tpu.memory_space<vmem>> -> memref<128xi32, #tpu.memory_space<vmem>>
      %dma_wait3A_116 = arith.constant 0 : i32
      %dma_wait3A_117 = arith.constant 0 : i32
      %dma_wait3A_118 = tpu.memref_slice %arg2[%dma_wait3A_116, %dma_wait3A_117] : memref<10000x128xbf16, #tpu.memory_space<hbm>> -> memref<10000x128xbf16, #tpu.memory_space<hbm>>
      tpu.wait_indirect_dma semaphore(%arg17 : memref<!tpu.dma_semaphore, #tpu.memory_space<semaphore_mem>>) src(%dma_wait3A_118 : memref<10000x128xbf16, #tpu.memory_space<hbm>>) dst(%arg13 : memref<128x128xbf16, #tpu.memory_space<vmem>>)
      %add3A_119 = arith.constant 1 : i32
      %add3A_120 = arith.addi %mul3A_86, %add3A_119 : i32
      "tpu.region"() ({
        %run_scoped3A_129 = tpu.sem_alloc : memref<!tpu.dma_semaphore, #tpu.memory_space<semaphore_mem>>
        %dma_start3A_130 = arith.constant 0 : i32
        %dma_start3A_131 = tpu.memref_slice %arg10[%add3A_120, %dma_start3A_130] : memref<20x128xi32, #tpu.memory_space<vmem>> -> memref<1x128xi32, #tpu.memory_space<vmem>>
        %dma_start3A_132 = tpu.memref_squeeze %dma_start3A_131 : memref<1x128xi32, #tpu.memory_space<vmem>> -> memref<128xi32, #tpu.memory_space<vmem>>
        %dma_start3A_133 = arith.constant 0 : i32
        %dma_start3A_134 = arith.constant 0 : i32
        %dma_start3A_135 = tpu.memref_slice %arg14[%dma_start3A_133, %dma_start3A_134] : memref<10016x128xbf16, #tpu.memory_space<vmem_shared>> -> memref<10016x128xbf16, #tpu.memory_space<vmem_shared>>
        tpu.enqueue_indirect_dma source(%arg13 : memref<128x128xbf16, #tpu.memory_space<vmem>>) target(%dma_start3A_135 : memref<10016x128xbf16, #tpu.memory_space<vmem_shared>>) offsets(%dma_start3A_132 : memref<128xi32, #tpu.memory_space<vmem>>) semaphore(%run_scoped3A_129 : memref<!tpu.dma_semaphore, #tpu.memory_space<semaphore_mem>>) {add = true}
        %dma_wait3A_136 = arith.constant 0 : i32
        %dma_wait3A_137 = tpu.memref_slice %arg10[%add3A_120, %dma_wait3A_136] : memref<20x128xi32, #tpu.memory_space<vmem>> -> memref<1x128xi32, #tpu.memory_space<vmem>>
        %dma_wait3A_138 = tpu.memref_squeeze %dma_wait3A_137 : memref<1x128xi32, #tpu.memory_space<vmem>> -> memref<128xi32, #tpu.memory_space<vmem>>
        %dma_wait3A_139 = arith.constant 0 : i32
        %dma_wait3A_140 = arith.constant 0 : i32
        %dma_wait3A_141 = tpu.memref_slice %arg14[%dma_wait3A_139, %dma_wait3A_140] : memref<10016x128xbf16, #tpu.memory_space<vmem_shared>> -> memref<10016x128xbf16, #tpu.memory_space<vmem_shared>>
        tpu.wait_indirect_dma semaphore(%run_scoped3A_129 : memref<!tpu.dma_semaphore, #tpu.memory_space<semaphore_mem>>) src(%arg13 : memref<128x128xbf16, #tpu.memory_space<vmem>>) dst(%dma_wait3A_141 : memref<10016x128xbf16, #tpu.memory_space<vmem_shared>>)
        tpu.yield
      }) : () -> ()
      %add3A_121 = arith.constant 1 : i32
      %add3A_122 = arith.addi %mul3A_86, %add3A_121 : i32
      %dma_start3A_123 = arith.constant 0 : i32
      %dma_start3A_124 = tpu.memref_slice %arg10[%add3A_122, %dma_start3A_123] : memref<20x128xi32, #tpu.memory_space<vmem>> -> memref<1x128xi32, #tpu.memory_space<vmem>>
      %dma_start3A_125 = tpu.memref_squeeze %dma_start3A_124 : memref<1x128xi32, #tpu.memory_space<vmem>> -> memref<128xi32, #tpu.memory_space<vmem>>
      %dma_start3A_126 = arith.constant 0 : i32
      %dma_start3A_127 = arith.constant 0 : i32
      %dma_start3A_128 = tpu.memref_slice %arg15[%dma_start3A_126, %dma_start3A_127] : memref<10016x16xf32, #tpu.memory_space<vmem_shared>> -> memref<10016x16xf32, #tpu.memory_space<vmem_shared>>
      tpu.enqueue_indirect_dma source(%arg11 : memref<128x16xf32, #tpu.memory_space<vmem>>) target(%dma_start3A_128 : memref<10016x16xf32, #tpu.memory_space<vmem_shared>>) offsets(%dma_start3A_125 : memref<128xi32, #tpu.memory_space<vmem>>) semaphore(%arg18 : memref<!tpu.dma_semaphore, #tpu.memory_space<semaphore_mem>>) {add = true}
    }
    %scan3A_68 = arith.constant 10 : i32
    %scan3A_69 = arith.constant 0 : i32
    %scan3A_70 = arith.constant 0 : i32
    %scan3A_71 = arith.constant 80 : i32
    %scan3A_72 = arith.addi %scan3A_70, %scan3A_71 : i32
    %scan3A_73 = arith.constant 1 : i32
    scf.for %scan3A_84 = %scan3A_70 to %scan3A_72 step %scan3A_73  : i32 {
      tpu.wait_dma2 semaphore(%arg18 : memref<!tpu.dma_semaphore, #tpu.memory_space<semaphore_mem>>) src(%arg4 : memref<128x16xf32, #tpu.memory_space<hbm>>) dst(%arg11 : memref<128x16xf32, #tpu.memory_space<vmem>>)
    }
    %scan3A_74 = arith.constant 80 : i32
    %barrier3A_75 = arith.constant 0 : index
    tpu.barrier barrier_id(%barrier3A_75)
    %mul3A_76 = arith.constant 626 : i32
    %mul3A_77 = arith.muli %arg1, %mul3A_76 : i32
    %mul3A_78 = arith.constant 626 : i32
    %mul3A_79 = arith.muli %arg1, %mul3A_78 : i32
    "tpu.region"() ({
      %run_scoped3A_84 = tpu.sem_alloc : memref<!tpu.dma_semaphore, #tpu.memory_space<semaphore_mem>>
      %dma_start3A_85 = arith.constant 0 : i32
      %dma_start3A_86 = tpu.memref_slice %arg7[%arg0, %mul3A_79, %dma_start3A_85] : memref<2x10016x128xbf16, #tpu.memory_space<hbm>> -> memref<1x626x128xbf16, #tpu.memory_space<hbm>>
      %dma_start3A_87 = tpu.memref_squeeze %dma_start3A_86 : memref<1x626x128xbf16, #tpu.memory_space<hbm>> -> memref<626x128xbf16, #tpu.memory_space<hbm>>
      %dma_start3A_88 = arith.constant 0 : i32
      %dma_start3A_89 = tpu.memref_slice %arg14[%mul3A_77, %dma_start3A_88] : memref<10016x128xbf16, #tpu.memory_space<vmem_shared>> -> memref<626x128xbf16, #tpu.memory_space<vmem_shared>>
      tpu.enqueue_dma source(%dma_start3A_89 : memref<626x128xbf16, #tpu.memory_space<vmem_shared>>) target(%dma_start3A_87 : memref<626x128xbf16, #tpu.memory_space<hbm>>) target_semaphore(%run_scoped3A_84 : memref<!tpu.dma_semaphore, #tpu.memory_space<semaphore_mem>>)
      %dma_wait3A_90 = arith.constant 0 : i32
      %dma_wait3A_91 = tpu.memref_slice %arg7[%arg0, %mul3A_79, %dma_wait3A_90] : memref<2x10016x128xbf16, #tpu.memory_space<hbm>> -> memref<1x626x128xbf16, #tpu.memory_space<hbm>>
      %dma_wait3A_92 = tpu.memref_squeeze %dma_wait3A_91 : memref<1x626x128xbf16, #tpu.memory_space<hbm>> -> memref<626x128xbf16, #tpu.memory_space<hbm>>
      %dma_wait3A_93 = arith.constant 0 : i32
      %dma_wait3A_94 = tpu.memref_slice %arg14[%mul3A_77, %dma_wait3A_93] : memref<10016x128xbf16, #tpu.memory_space<vmem_shared>> -> memref<626x128xbf16, #tpu.memory_space<vmem_shared>>
      tpu.wait_dma2 semaphore(%run_scoped3A_84 : memref<!tpu.dma_semaphore, #tpu.memory_space<semaphore_mem>>) src(%dma_wait3A_94 : memref<626x128xbf16, #tpu.memory_space<vmem_shared>>) dst(%dma_wait3A_92 : memref<626x128xbf16, #tpu.memory_space<hbm>>)
      tpu.yield
    }) : () -> ()
    %mul3A_80 = arith.constant 626 : i32
    %mul3A_81 = arith.muli %arg1, %mul3A_80 : i32
    %mul3A_82 = arith.constant 626 : i32
    %mul3A_83 = arith.muli %arg1, %mul3A_82 : i32
    "tpu.region"() ({
      %run_scoped3A_84 = tpu.sem_alloc : memref<!tpu.dma_semaphore, #tpu.memory_space<semaphore_mem>>
      %dma_start3A_85 = arith.constant 0 : i32
      %dma_start3A_86 = tpu.memref_slice %arg8[%arg0, %mul3A_83, %dma_start3A_85] : memref<2x10016x16xf32, #tpu.memory_space<hbm>> -> memref<1x626x16xf32, #tpu.memory_space<hbm>>
      %dma_start3A_87 = tpu.memref_squeeze %dma_start3A_86 : memref<1x626x16xf32, #tpu.memory_space<hbm>> -> memref<626x16xf32, #tpu.memory_space<hbm>>
      %dma_start3A_88 = arith.constant 0 : i32
      %dma_start3A_89 = tpu.memref_slice %arg15[%mul3A_81, %dma_start3A_88] : memref<10016x16xf32, #tpu.memory_space<vmem_shared>> -> memref<626x16xf32, #tpu.memory_space<vmem_shared>>
      tpu.enqueue_dma source(%dma_start3A_89 : memref<626x16xf32, #tpu.memory_space<vmem_shared>>) target(%dma_start3A_87 : memref<626x16xf32, #tpu.memory_space<hbm>>) target_semaphore(%run_scoped3A_84 : memref<!tpu.dma_semaphore, #tpu.memory_space<semaphore_mem>>)
      %dma_wait3A_90 = arith.constant 0 : i32
      %dma_wait3A_91 = tpu.memref_slice %arg8[%arg0, %mul3A_83, %dma_wait3A_90] : memref<2x10016x16xf32, #tpu.memory_space<hbm>> -> memref<1x626x16xf32, #tpu.memory_space<hbm>>
      %dma_wait3A_92 = tpu.memref_squeeze %dma_wait3A_91 : memref<1x626x16xf32, #tpu.memory_space<hbm>> -> memref<626x16xf32, #tpu.memory_space<hbm>>
      %dma_wait3A_93 = arith.constant 0 : i32
      %dma_wait3A_94 = tpu.memref_slice %arg15[%mul3A_81, %dma_wait3A_93] : memref<10016x16xf32, #tpu.memory_space<vmem_shared>> -> memref<626x16xf32, #tpu.memory_space<vmem_shared>>
      tpu.wait_dma2 semaphore(%run_scoped3A_84 : memref<!tpu.dma_semaphore, #tpu.memory_space<semaphore_mem>>) src(%dma_wait3A_94 : memref<626x16xf32, #tpu.memory_space<vmem_shared>>) dst(%dma_wait3A_92 : memref<626x16xf32, #tpu.memory_space<hbm>>)
      tpu.yield
    }) : () -> ()
    return
  }
}

module attributes {stable_mosaic.version = 14 : i64} {
  func.func @_lin_bn_relu_body(%arg0: i32, %arg1: memref<2000x128xf32, #tpu.memory_space<vmem>>, %arg2: memref<128x128xf32, #tpu.memory_space<vmem>>, %arg3: memref<1x128xf32, #tpu.memory_space<vmem>>, %arg4: memref<1x128xf32, #tpu.memory_space<vmem>>, %arg5: memref<1x128xf32, #tpu.memory_space<vmem>>, %arg6: memref<2000x128xf32, #tpu.memory_space<vmem>>, %arg7: memref<2000x128xbf16, #tpu.memory_space<vmem>>, %arg8: memref<10000x128xf32, #tpu.memory_space<vmem>>, %arg9: memref<8x128xf32, #tpu.memory_space<vmem>>) attributes {dimension_semantics = [#tpu.dimension_semantics<arbitrary>], iteration_bounds = array<i64: 10>, scalar_prefetch = 0 : i64, scratch_operands = 2 : i64, tpu.core_type = #tpu.core_type<tc>, window_params = [{transform_indices = @transform_0, window_bounds = array<i64: 2000, 128>}, {pipeline_mode = #tpu.pipeline_mode<synchronous>, transform_indices = @transform_1, window_bounds = array<i64: 128, 128>}, {pipeline_mode = #tpu.pipeline_mode<synchronous>, transform_indices = @transform_2, window_bounds = array<i64: 1, 128>}, {pipeline_mode = #tpu.pipeline_mode<synchronous>, transform_indices = @transform_3, window_bounds = array<i64: 1, 128>}, {pipeline_mode = #tpu.pipeline_mode<synchronous>, transform_indices = @transform_4, window_bounds = array<i64: 1, 128>}, {transform_indices = @transform_5, window_bounds = array<i64: 2000, 128>}, {transform_indices = @transform_6, window_bounds = array<i64: 2000, 128>}]} {
    %eq3A = arith.constant 0 : i32
    %eq3A_0 = arith.cmpi eq, %arg0, %eq3A : i32
    %convert_element_type3A = arith.extui %eq3A_0 : i1 to i32
    %cond3A = arith.constant 0 : i32
    %cond3A_1 = arith.cmpi ne, %convert_element_type3A, %cond3A : i32
    scf.if %cond3A_1 {
      %broadcast_in_dim3A = arith.constant 0.000000e+00 : f32
      %broadcast_in_dim3A_10 = vector.broadcast %broadcast_in_dim3A : f32 to vector<8x128xf32>
      %swap3A = arith.constant 0 : index
      %swap3A_11 = arith.constant 0 : index
      %swap3A_12 = vector.load %arg9[%swap3A, %swap3A_11] : memref<8x128xf32, #tpu.memory_space<vmem>>, vector<8x128xf32>
      tpu.vector_store %arg9[%swap3A, %swap3A_11], %broadcast_in_dim3A_10 {strides = array<i32>} : memref<8x128xf32, #tpu.memory_space<vmem>>, vector<8x128xf32>,
    } else {
    }
    %lt3A = arith.constant 5 : i32
    %lt3A_2 = arith.cmpi slt, %arg0, %lt3A : i32
    %convert_element_type3A_3 = arith.extui %lt3A_2 : i1 to i32
    %cond3A_4 = arith.constant 0 : i32
    %cond3A_5 = arith.cmpi ne, %convert_element_type3A_3, %cond3A_4 : i32
    scf.if %cond3A_5 {
      %get3A = arith.constant 0 : index
      %get3A_10 = arith.constant 0 : index
      %get3A_11 = vector.load %arg1[%get3A, %get3A_10] : memref<2000x128xf32, #tpu.memory_space<vmem>>, vector<2000x128xf32>
      %get3A_12 = arith.constant 0 : index
      %get3A_13 = arith.constant 0 : index
      %get3A_14 = vector.load %arg2[%get3A_12, %get3A_13] : memref<128x128xf32, #tpu.memory_space<vmem>>, vector<128x128xf32>
      %dot_general3A = arith.constant dense<0.000000e+00> : vector<2000x128xf32>
      %dot_general3A_15 = tpu.matmul %get3A_11, %get3A_14, %dot_general3A {dimension_numbers = #tpu.dot_dimension_numbers<[1], [0], [0], [1], [0, 0, 1, 1], [], []>, transpose_lhs_hint = false} : vector<2000x128xf32>, vector<128x128xf32>, vector<2000x128xf32> -> vector<2000x128xf32>
      %get3A_16 = arith.constant 0 : index
      %get3A_17 = arith.constant 0 : index
      %get3A_18 = vector.load %arg3[%get3A_16, %get3A_17] : memref<1x128xf32, #tpu.memory_space<vmem>>, vector<1x128xf32>
      %add3A = vector.broadcast %get3A_18 : vector<1x128xf32> to vector<2000x128xf32>
      %add3A_19 = arith.addf %dot_general3A_15, %add3A : vector<2000x128xf32>
      %jit3A = arith.constant 5 : i32
      %eq3A_20 = arith.constant 0 : i32
      %eq3A_21 = arith.cmpi eq, %jit3A, %eq3A_20 : i32
      %jit3A_22 = arith.constant 1 : i32
      %select_n3A = arith.select %eq3A_21, %jit3A_22, %jit3A : i32
      %rem3A = arith.remsi %arg0, %select_n3A : i32
      %ne3A = arith.constant 0 : i32
      %ne3A_23 = arith.cmpi ne, %rem3A, %ne3A : i32
      %lt3A_24 = arith.constant 0 : i32
      %lt3A_25 = arith.cmpi slt, %rem3A, %lt3A_24 : i32
      %lt3A_26 = arith.constant 0 : i32
      %lt3A_27 = arith.cmpi slt, %select_n3A, %lt3A_26 : i32
      %ne3A_28 = arith.xori %lt3A_25, %lt3A_27 : i1
      %and3A = arith.andi %ne3A_28, %ne3A_23 : i1
      %add3A_29 = arith.addi %rem3A, %select_n3A : i32
      %select_n3A_30 = arith.select %and3A, %add3A_29, %rem3A : i32
      %mul3A = arith.constant 2000 : i32
      %mul3A_31 = arith.muli %select_n3A_30, %mul3A : i32
      %swap3A = arith.index_cast %mul3A_31 : i32 to index
      %swap3A_32 = arith.constant 0 : index
      %swap3A_33 = vector.load %arg8[%swap3A, %swap3A_32] : memref<10000x128xf32, #tpu.memory_space<vmem>>, vector<2000x128xf32>
      tpu.vector_store %arg8[%swap3A, %swap3A_32], %add3A_19 {strides = array<i32>} : memref<10000x128xf32, #tpu.memory_space<vmem>>, vector<2000x128xf32>,
      %get3A_34 = arith.constant 0 : index
      %get3A_35 = arith.constant 0 : index
      %get3A_36 = vector.load %arg9[%get3A_34, %get3A_35] : memref<8x128xf32, #tpu.memory_space<vmem>>, vector<1x128xf32>
      %reduce_sum3A = arith.constant dense<0.000000e+00> : vector<128xf32>
      %reduce_sum3A_37 = vector.multi_reduction <add>, %add3A_19, %reduce_sum3A [0] : vector<2000x128xf32> to vector<128xf32>
      %broadcast_in_dim3A = vector.shape_cast %reduce_sum3A_37 : vector<128xf32> to vector<1x128xf32>
      %add3A_38 = arith.addf %get3A_36, %broadcast_in_dim3A : vector<1x128xf32>
      %swap3A_39 = arith.constant 0 : index
      %swap3A_40 = arith.constant 0 : index
      %swap3A_41 = vector.load %arg9[%swap3A_39, %swap3A_40] : memref<8x128xf32, #tpu.memory_space<vmem>>, vector<1x128xf32>
      tpu.vector_store %arg9[%swap3A_39, %swap3A_40], %add3A_38 {strides = array<i32>} : memref<8x128xf32, #tpu.memory_space<vmem>>, vector<1x128xf32>,
      %get3A_42 = arith.constant 1 : index
      %get3A_43 = arith.constant 0 : index
      %get3A_44 = vector.load %arg9[%get3A_42, %get3A_43] : memref<8x128xf32, #tpu.memory_space<vmem>>, vector<1x128xf32>
      %mul3A_45 = arith.mulf %add3A_19, %add3A_19 : vector<2000x128xf32>
      %reduce_sum3A_46 = arith.constant dense<0.000000e+00> : vector<128xf32>
      %reduce_sum3A_47 = vector.multi_reduction <add>, %mul3A_45, %reduce_sum3A_46 [0] : vector<2000x128xf32> to vector<128xf32>
      %broadcast_in_dim3A_48 = vector.shape_cast %reduce_sum3A_47 : vector<128xf32> to vector<1x128xf32>
      %add3A_49 = arith.addf %get3A_44, %broadcast_in_dim3A_48 : vector<1x128xf32>
      %swap3A_50 = arith.constant 1 : index
      %swap3A_51 = arith.constant 0 : index
      %swap3A_52 = vector.load %arg9[%swap3A_50, %swap3A_51] : memref<8x128xf32, #tpu.memory_space<vmem>>, vector<1x128xf32>
      tpu.vector_store %arg9[%swap3A_50, %swap3A_51], %add3A_49 {strides = array<i32>} : memref<8x128xf32, #tpu.memory_space<vmem>>, vector<1x128xf32>,
    } else {
    }
    %ge3A = arith.constant 5 : i32
    %ge3A_6 = arith.cmpi sge, %arg0, %ge3A : i32
    %convert_element_type3A_7 = arith.extui %ge3A_6 : i1 to i32
    %cond3A_8 = arith.constant 0 : i32
    %cond3A_9 = arith.cmpi ne, %convert_element_type3A_7, %cond3A_8 : i32
    scf.if %cond3A_9 {
      %get3A = arith.constant 0 : index
      %get3A_10 = arith.constant 0 : index
      %get3A_11 = vector.load %arg9[%get3A, %get3A_10] : memref<8x128xf32, #tpu.memory_space<vmem>>, vector<1x128xf32>
      %div3A = arith.constant 1.000000e+04 : f32
      %div3A_12 = vector.broadcast %div3A : f32 to vector<1x128xf32>
      %div3A_13 = arith.divf %get3A_11, %div3A_12 : vector<1x128xf32>
      %get3A_14 = arith.constant 1 : index
      %get3A_15 = arith.constant 0 : index
      %get3A_16 = vector.load %arg9[%get3A_14, %get3A_15] : memref<8x128xf32, #tpu.memory_space<vmem>>, vector<1x128xf32>
      %div3A_17 = arith.constant 1.000000e+04 : f32
      %div3A_18 = vector.broadcast %div3A_17 : f32 to vector<1x128xf32>
      %div3A_19 = arith.divf %get3A_16, %div3A_18 : vector<1x128xf32>
      %mul3A = arith.mulf %div3A_13, %div3A_13 : vector<1x128xf32>
      %sub3A = arith.subf %div3A_19, %mul3A : vector<1x128xf32>
      %get3A_20 = arith.constant 0 : index
      %get3A_21 = arith.constant 0 : index
      %get3A_22 = vector.load %arg4[%get3A_20, %get3A_21] : memref<1x128xf32, #tpu.memory_space<vmem>>, vector<1x128xf32>
      %add3A = arith.constant 9.99999974E-6 : f32
      %add3A_23 = vector.broadcast %add3A : f32 to vector<1x128xf32>
      %add3A_24 = arith.addf %sub3A, %add3A_23 : vector<1x128xf32>
      %rsqrt3A = math.rsqrt %add3A_24 : vector<1x128xf32>
      %mul3A_25 = arith.mulf %get3A_22, %rsqrt3A : vector<1x128xf32>
      %jit3A = arith.constant 5 : i32
      %eq3A_26 = arith.constant 0 : i32
      %eq3A_27 = arith.cmpi eq, %jit3A, %eq3A_26 : i32
      %jit3A_28 = arith.constant 1 : i32
      %select_n3A = arith.select %eq3A_27, %jit3A_28, %jit3A : i32
      %rem3A = arith.remsi %arg0, %select_n3A : i32
      %ne3A = arith.constant 0 : i32
      %ne3A_29 = arith.cmpi ne, %rem3A, %ne3A : i32
      %lt3A_30 = arith.constant 0 : i32
      %lt3A_31 = arith.cmpi slt, %rem3A, %lt3A_30 : i32
      %lt3A_32 = arith.constant 0 : i32
      %lt3A_33 = arith.cmpi slt, %select_n3A, %lt3A_32 : i32
      %ne3A_34 = arith.xori %lt3A_31, %lt3A_33 : i1
      %and3A = arith.andi %ne3A_34, %ne3A_29 : i1
      %add3A_35 = arith.addi %rem3A, %select_n3A : i32
      %select_n3A_36 = arith.select %and3A, %add3A_35, %rem3A : i32
      %mul3A_37 = arith.constant 2000 : i32
      %mul3A_38 = arith.muli %select_n3A_36, %mul3A_37 : i32
      %get3A_39 = arith.index_cast %mul3A_38 : i32 to index
      %get3A_40 = arith.constant 0 : index
      %get3A_41 = vector.load %arg8[%get3A_39, %get3A_40] : memref<10000x128xf32, #tpu.memory_space<vmem>>, vector<2000x128xf32>
      %sub3A_42 = vector.broadcast %div3A_13 : vector<1x128xf32> to vector<2000x128xf32>
      %sub3A_43 = arith.subf %get3A_41, %sub3A_42 : vector<2000x128xf32>
      %mul3A_44 = vector.broadcast %mul3A_25 : vector<1x128xf32> to vector<2000x128xf32>
      %mul3A_45 = arith.mulf %sub3A_43, %mul3A_44 : vector<2000x128xf32>
      %get3A_46 = arith.constant 0 : index
      %get3A_47 = arith.constant 0 : index
      %get3A_48 = vector.load %arg5[%get3A_46, %get3A_47] : memref<1x128xf32, #tpu.memory_space<vmem>>, vector<1x128xf32>
      %add3A_49 = vector.broadcast %get3A_48 : vector<1x128xf32> to vector<2000x128xf32>
      %add3A_50 = arith.addf %mul3A_45, %add3A_49 : vector<2000x128xf32>
      %max3A = arith.constant 0.000000e+00 : f32
      %max3A_51 = vector.broadcast %max3A : f32 to vector<2000x128xf32>
      %max3A_52 = arith.maximumf %add3A_50, %max3A_51 : vector<2000x128xf32>
      %swap3A = arith.constant 0 : index
      %swap3A_53 = arith.constant 0 : index
      %swap3A_54 = vector.load %arg6[%swap3A, %swap3A_53] : memref<2000x128xf32, #tpu.memory_space<vmem>>, vector<2000x128xf32>
      tpu.vector_store %arg6[%swap3A, %swap3A_53], %max3A_52 {strides = array<i32>} : memref<2000x128xf32, #tpu.memory_space<vmem>>, vector<2000x128xf32>,
      %convert_element_type3A_55 = arith.truncf %max3A_52 : vector<2000x128xf32> to vector<2000x128xbf16>
      %swap3A_56 = arith.constant 0 : index
      %swap3A_57 = arith.constant 0 : index
      %swap3A_58 = vector.load %arg7[%swap3A_56, %swap3A_57] : memref<2000x128xbf16, #tpu.memory_space<vmem>>, vector<2000x128xbf16>
      tpu.vector_store %arg7[%swap3A_56, %swap3A_57], %convert_element_type3A_55 {strides = array<i32>} : memref<2000x128xbf16, #tpu.memory_space<vmem>>, vector<2000x128xbf16>,
    } else {
    }
    return
  }
  func.func @transform_0(%arg0: i32) -> (i32, i32) {
    %lt3A = arith.constant 5 : i32
    %lt3A_0 = arith.cmpi slt, %arg0, %lt3A : i32
    %jit3A = arith.constant 0 : i32
    %select_n3A = arith.select %lt3A_0, %arg0, %jit3A : i32
    %c0_i32 = arith.constant 0 : i32
    %c0_i32_1 = arith.constant 0 : i32
    return %select_n3A, %c0_i32 : i32, i32
  }
  func.func @transform_1(%arg0: i32) -> (i32, i32) {
    %c0_i32 = arith.constant 0 : i32
    %c0_i32_0 = arith.constant 0 : i32
    %c0_i32_1 = arith.constant 0 : i32
    return %c0_i32, %c0_i32_0 : i32, i32
  }
  func.func @transform_2(%arg0: i32) -> (i32, i32) {
    %c0_i32 = arith.constant 0 : i32
    %c0_i32_0 = arith.constant 0 : i32
    %c0_i32_1 = arith.constant 0 : i32
    return %c0_i32, %c0_i32_0 : i32, i32
  }
  func.func @transform_3(%arg0: i32) -> (i32, i32) {
    %c0_i32 = arith.constant 0 : i32
    %c0_i32_0 = arith.constant 0 : i32
    %c0_i32_1 = arith.constant 0 : i32
    return %c0_i32, %c0_i32_0 : i32, i32
  }
  func.func @transform_4(%arg0: i32) -> (i32, i32) {
    %c0_i32 = arith.constant 0 : i32
    %c0_i32_0 = arith.constant 0 : i32
    %c0_i32_1 = arith.constant 0 : i32
    return %c0_i32, %c0_i32_0 : i32, i32
  }
  func.func @transform_5(%arg0: i32) -> (i32, i32) {
    %lt3A = arith.constant 5 : i32
    %lt3A_0 = arith.cmpi slt, %arg0, %lt3A : i32
    %sub3A = arith.constant 5 : i32
    %sub3A_1 = arith.subi %arg0, %sub3A : i32
    %jit3A = arith.constant 0 : i32
    %select_n3A = arith.select %lt3A_0, %jit3A, %sub3A_1 : i32
    %c0_i32 = arith.constant 0 : i32
    %c0_i32_2 = arith.constant 0 : i32
    return %select_n3A, %c0_i32 : i32, i32
  }
  func.func @transform_6(%arg0: i32) -> (i32, i32) {
    %lt3A = arith.constant 5 : i32
    %lt3A_0 = arith.cmpi slt, %arg0, %lt3A : i32
    %sub3A = arith.constant 5 : i32
    %sub3A_1 = arith.subi %arg0, %sub3A : i32
    %jit3A = arith.constant 0 : i32
    %select_n3A = arith.select %lt3A_0, %jit3A, %sub3A_1 : i32
    %c0_i32 = arith.constant 0 : i32
    %c0_i32_2 = arith.constant 0 : i32
    return %select_n3A, %c0_i32 : i32, i32
  }
}

module attributes {stable_mosaic.version = 14 : i64} {
  func.func @_fr_body(%arg0: i32, %arg1: memref<2000x128xf32, #tpu.memory_space<vmem>>, %arg2: memref<128x128xf32, #tpu.memory_space<vmem>>, %arg3: memref<1x128xf32, #tpu.memory_space<vmem>>, %arg4: memref<2000x128xf32, #tpu.memory_space<vmem>>) attributes {dimension_semantics = [#tpu.dimension_semantics<arbitrary>], iteration_bounds = array<i64: 5>, scalar_prefetch = 0 : i64, scratch_operands = 0 : i64, tpu.core_type = #tpu.core_type<tc>, window_params = [{transform_indices = @transform_0, window_bounds = array<i64: 2000, 128>}, {pipeline_mode = #tpu.pipeline_mode<synchronous>, transform_indices = @transform_1, window_bounds = array<i64: 128, 128>}, {pipeline_mode = #tpu.pipeline_mode<synchronous>, transform_indices = @transform_2, window_bounds = array<i64: 1, 128>}, {transform_indices = @transform_3, window_bounds = array<i64: 2000, 128>}]} {
    %get3A = arith.constant 0 : index
    %get3A_0 = arith.constant 0 : index
    %get3A_1 = vector.load %arg1[%get3A, %get3A_0] : memref<2000x128xf32, #tpu.memory_space<vmem>>, vector<2000x128xf32>
    %get3A_2 = arith.constant 0 : index
    %get3A_3 = arith.constant 0 : index
    %get3A_4 = vector.load %arg2[%get3A_2, %get3A_3] : memref<128x128xf32, #tpu.memory_space<vmem>>, vector<128x128xf32>
    %dot_general3A = arith.constant dense<0.000000e+00> : vector<2000x128xf32>
    %dot_general3A_5 = tpu.matmul %get3A_1, %get3A_4, %dot_general3A {dimension_numbers = #tpu.dot_dimension_numbers<[1], [0], [0], [1], [0, 0, 1, 1], [], []>, transpose_lhs_hint = false} : vector<2000x128xf32>, vector<128x128xf32>, vector<2000x128xf32> -> vector<2000x128xf32>
    %get3A_6 = arith.constant 0 : index
    %get3A_7 = arith.constant 0 : index
    %get3A_8 = vector.load %arg3[%get3A_6, %get3A_7] : memref<1x128xf32, #tpu.memory_space<vmem>>, vector<1x128xf32>
    %add3A = vector.broadcast %get3A_8 : vector<1x128xf32> to vector<2000x128xf32>
    %add3A_9 = arith.addf %dot_general3A_5, %add3A : vector<2000x128xf32>
    %swap3A = arith.constant 0 : index
    %swap3A_10 = arith.constant 0 : index
    %swap3A_11 = vector.load %arg4[%swap3A, %swap3A_10] : memref<2000x128xf32, #tpu.memory_space<vmem>>, vector<2000x128xf32>
    tpu.vector_store %arg4[%swap3A, %swap3A_10], %add3A_9 {strides = array<i32>} : memref<2000x128xf32, #tpu.memory_space<vmem>>, vector<2000x128xf32>,
    return
  }
  func.func @transform_0(%arg0: i32) -> (i32, i32) {
    %c0_i32 = arith.constant 0 : i32
    %c0_i32_0 = arith.constant 0 : i32
    return %arg0, %c0_i32 : i32, i32
  }
  func.func @transform_1(%arg0: i32) -> (i32, i32) {
    %c0_i32 = arith.constant 0 : i32
    %c0_i32_0 = arith.constant 0 : i32
    %c0_i32_1 = arith.constant 0 : i32
    return %c0_i32, %c0_i32_0 : i32, i32
  }
  func.func @transform_2(%arg0: i32) -> (i32, i32) {
    %c0_i32 = arith.constant 0 : i32
    %c0_i32_0 = arith.constant 0 : i32
    %c0_i32_1 = arith.constant 0 : i32
    return %c0_i32, %c0_i32_0 : i32, i32
  }
  func.func @transform_3(%arg0: i32) -> (i32, i32) {
    %c0_i32 = arith.constant 0 : i32
    %c0_i32_0 = arith.constant 0 : i32
    return %arg0, %c0_i32 : i32, i32
  }
}

module attributes {stable_mosaic.version = 14 : i64} {
  func.func @_conv_stats_body(%arg0: i32, %arg1: memref<1x2000x128xbf16, #tpu.memory_space<vmem>>, %arg2: memref<1x2000x128xbf16, #tpu.memory_space<vmem>>, %arg3: memref<1x2000x16xf32, #tpu.memory_space<vmem>>, %arg4: memref<1x2000x16xf32, #tpu.memory_space<vmem>>, %arg5: memref<2000x128xf32, #tpu.memory_space<vmem>>, %arg6: memref<128x128xf32, #tpu.memory_space<vmem>>, %arg7: memref<2000x128xf32, #tpu.memory_space<vmem>>, %arg8: memref<8x128xf32, #tpu.memory_space<vmem>>, %arg9: memref<8x128xf32, #tpu.memory_space<vmem>>) attributes {dimension_semantics = [#tpu.dimension_semantics<arbitrary>], iteration_bounds = array<i64: 5>, scalar_prefetch = 0 : i64, scratch_operands = 1 : i64, tpu.core_type = #tpu.core_type<tc>, window_params = [{transform_indices = @transform_0, window_bounds = array<i64: 1, 2000, 128>}, {transform_indices = @transform_1, window_bounds = array<i64: 1, 2000, 128>}, {transform_indices = @transform_2, window_bounds = array<i64: 1, 2000, 16>}, {transform_indices = @transform_3, window_bounds = array<i64: 1, 2000, 16>}, {transform_indices = @transform_4, window_bounds = array<i64: 2000, 128>}, {pipeline_mode = #tpu.pipeline_mode<synchronous>, transform_indices = @transform_5, window_bounds = array<i64: 128, 128>}, {transform_indices = @transform_6, window_bounds = array<i64: 2000, 128>}, {pipeline_mode = #tpu.pipeline_mode<synchronous>, transform_indices = @transform_7, window_bounds = array<i64: 8, 128>}]} {
    %eq3A = arith.constant 0 : i32
    %eq3A_0 = arith.cmpi eq, %arg0, %eq3A : i32
    %convert_element_type3A = arith.extui %eq3A_0 : i1 to i32
    %cond3A = arith.constant 0 : i32
    %cond3A_1 = arith.cmpi ne, %convert_element_type3A, %cond3A : i32
    scf.if %cond3A_1 {
      %broadcast_in_dim3A_66 = arith.constant 0.000000e+00 : f32
      %broadcast_in_dim3A_67 = vector.broadcast %broadcast_in_dim3A_66 : f32 to vector<8x128xf32>
      %swap3A_68 = arith.constant 0 : index
      %swap3A_69 = arith.constant 0 : index
      %swap3A_70 = vector.load %arg9[%swap3A_68, %swap3A_69] : memref<8x128xf32, #tpu.memory_space<vmem>>, vector<8x128xf32>
      tpu.vector_store %arg9[%swap3A_68, %swap3A_69], %broadcast_in_dim3A_67 {strides = array<i32>} : memref<8x128xf32, #tpu.memory_space<vmem>>, vector<8x128xf32>,
    } else {
    }
    %get3A = arith.constant 0 : index
    %get3A_2 = arith.constant 0 : index
    %get3A_3 = arith.constant 0 : index
    %get3A_4 = vector.load %arg1[%get3A, %get3A_2, %get3A_3] : memref<1x2000x128xbf16, #tpu.memory_space<vmem>>, vector<1x2000x128xbf16>
    %get3A_5 = vector.shape_cast %get3A_4 : vector<1x2000x128xbf16> to vector<2000x128xbf16>
    %convert_element_type3A_6 = arith.extf %get3A_5 : vector<2000x128xbf16> to vector<2000x128xf32>
    %get3A_7 = arith.constant 0 : index
    %get3A_8 = arith.constant 0 : index
    %get3A_9 = arith.constant 0 : index
    %get3A_10 = vector.load %arg2[%get3A_7, %get3A_8, %get3A_9] : memref<1x2000x128xbf16, #tpu.memory_space<vmem>>, vector<1x2000x128xbf16>
    %get3A_11 = vector.shape_cast %get3A_10 : vector<1x2000x128xbf16> to vector<2000x128xbf16>
    %convert_element_type3A_12 = arith.extf %get3A_11 : vector<2000x128xbf16> to vector<2000x128xf32>
    %add3A = arith.addf %convert_element_type3A_6, %convert_element_type3A_12 : vector<2000x128xf32>
    %get3A_13 = arith.constant 0 : index
    %get3A_14 = arith.constant 0 : index
    %get3A_15 = arith.constant 0 : index
    %get3A_16 = vector.load %arg3[%get3A_13, %get3A_14, %get3A_15] : memref<1x2000x16xf32, #tpu.memory_space<vmem>>, vector<1x2000x16xf32>
    %get3A_17 = vector.shape_cast %get3A_16 : vector<1x2000x16xf32> to vector<2000x16xf32>
    %get3A_18 = arith.constant 0 : index
    %get3A_19 = arith.constant 0 : index
    %get3A_20 = arith.constant 0 : index
    %get3A_21 = vector.load %arg4[%get3A_18, %get3A_19, %get3A_20] : memref<1x2000x16xf32, #tpu.memory_space<vmem>>, vector<1x2000x16xf32>
    %get3A_22 = vector.shape_cast %get3A_21 : vector<1x2000x16xf32> to vector<2000x16xf32>
    %add3A_23 = arith.addf %get3A_17, %get3A_22 : vector<2000x16xf32>
    %reduce_sum3A = arith.constant dense<0.000000e+00> : vector<2000xf32>
    %reduce_sum3A_24 = vector.multi_reduction <add>, %add3A_23, %reduce_sum3A [1] : vector<2000x16xf32> to vector<2000xf32>
    %broadcast_in_dim3A = vector.shape_cast %reduce_sum3A_24 : vector<2000xf32> to vector<2000x1xf32>
    %mul3A = arith.constant 6.250000e-02 : f32
    %mul3A_25 = vector.broadcast %mul3A : f32 to vector<2000x1xf32>
    %mul3A_26 = arith.mulf %broadcast_in_dim3A, %mul3A_25 : vector<2000x1xf32>
    %max3A = arith.constant 1.000000e+00 : f32
    %max3A_27 = vector.broadcast %max3A : f32 to vector<2000x1xf32>
    %max3A_28 = arith.maximumf %mul3A_26, %max3A_27 : vector<2000x1xf32>
    %div3A = vector.broadcast %max3A_28 : vector<2000x1xf32> to vector<2000x128xf32>
    %div3A_29 = arith.divf %add3A, %div3A : vector<2000x128xf32>
    %get3A_30 = arith.constant 0 : index
    %get3A_31 = arith.constant 0 : index
    %get3A_32 = vector.load %arg6[%get3A_30, %get3A_31] : memref<128x128xf32, #tpu.memory_space<vmem>>, vector<128x128xf32>
    %dot_general3A = arith.constant dense<0.000000e+00> : vector<2000x128xf32>
    %dot_general3A_33 = tpu.matmul %div3A_29, %get3A_32, %dot_general3A {dimension_numbers = #tpu.dot_dimension_numbers<[1], [0], [0], [1], [0, 0, 1, 1], [], []>, transpose_lhs_hint = false} : vector<2000x128xf32>, vector<128x128xf32>, vector<2000x128xf32> -> vector<2000x128xf32>
    %get3A_34 = arith.constant 0 : index
    %get3A_35 = arith.constant 0 : index
    %get3A_36 = vector.load %arg5[%get3A_34, %get3A_35] : memref<2000x128xf32, #tpu.memory_space<vmem>>, vector<2000x128xf32>
    %add3A_37 = arith.addf %dot_general3A_33, %get3A_36 : vector<2000x128xf32>
    %swap3A = arith.constant 0 : index
    %swap3A_38 = arith.constant 0 : index
    %swap3A_39 = vector.load %arg7[%swap3A, %swap3A_38] : memref<2000x128xf32, #tpu.memory_space<vmem>>, vector<2000x128xf32>
    tpu.vector_store %arg7[%swap3A, %swap3A_38], %add3A_37 {strides = array<i32>} : memref<2000x128xf32, #tpu.memory_space<vmem>>, vector<2000x128xf32>,
    %get3A_40 = arith.constant 0 : index
    %get3A_41 = arith.constant 0 : index
    %get3A_42 = vector.load %arg9[%get3A_40, %get3A_41] : memref<8x128xf32, #tpu.memory_space<vmem>>, vector<1x128xf32>
    %reduce_sum3A_43 = arith.constant dense<0.000000e+00> : vector<128xf32>
    %reduce_sum3A_44 = vector.multi_reduction <add>, %add3A_37, %reduce_sum3A_43 [0] : vector<2000x128xf32> to vector<128xf32>
    %broadcast_in_dim3A_45 = vector.shape_cast %reduce_sum3A_44 : vector<128xf32> to vector<1x128xf32>
    %add3A_46 = arith.addf %get3A_42, %broadcast_in_dim3A_45 : vector<1x128xf32>
    %swap3A_47 = arith.constant 0 : index
    %swap3A_48 = arith.constant 0 : index
    %swap3A_49 = vector.load %arg9[%swap3A_47, %swap3A_48] : memref<8x128xf32, #tpu.memory_space<vmem>>, vector<1x128xf32>
    tpu.vector_store %arg9[%swap3A_47, %swap3A_48], %add3A_46 {strides = array<i32>} : memref<8x128xf32, #tpu.memory_space<vmem>>, vector<1x128xf32>,
    %get3A_50 = arith.constant 1 : index
    %get3A_51 = arith.constant 0 : index
    %get3A_52 = vector.load %arg9[%get3A_50, %get3A_51] : memref<8x128xf32, #tpu.memory_space<vmem>>, vector<1x128xf32>
    %mul3A_53 = arith.mulf %add3A_37, %add3A_37 : vector<2000x128xf32>
    %reduce_sum3A_54 = arith.constant dense<0.000000e+00> : vector<128xf32>
    %reduce_sum3A_55 = vector.multi_reduction <add>, %mul3A_53, %reduce_sum3A_54 [0] : vector<2000x128xf32> to vector<128xf32>
    %broadcast_in_dim3A_56 = vector.shape_cast %reduce_sum3A_55 : vector<128xf32> to vector<1x128xf32>
    %add3A_57 = arith.addf %get3A_52, %broadcast_in_dim3A_56 : vector<1x128xf32>
    %swap3A_58 = arith.constant 1 : index
    %swap3A_59 = arith.constant 0 : index
    %swap3A_60 = vector.load %arg9[%swap3A_58, %swap3A_59] : memref<8x128xf32, #tpu.memory_space<vmem>>, vector<1x128xf32>
    tpu.vector_store %arg9[%swap3A_58, %swap3A_59], %add3A_57 {strides = array<i32>} : memref<8x128xf32, #tpu.memory_space<vmem>>, vector<1x128xf32>,
    %eq3A_61 = arith.constant 4 : i32
    %eq3A_62 = arith.cmpi eq, %arg0, %eq3A_61 : i32
    %convert_element_type3A_63 = arith.extui %eq3A_62 : i1 to i32
    %cond3A_64 = arith.constant 0 : i32
    %cond3A_65 = arith.cmpi ne, %convert_element_type3A_63, %cond3A_64 : i32
    scf.if %cond3A_65 {
      %get3A_66 = arith.constant 0 : index
      %get3A_67 = arith.constant 0 : index
      %get3A_68 = vector.load %arg9[%get3A_66, %get3A_67] : memref<8x128xf32, #tpu.memory_space<vmem>>, vector<8x128xf32>
      %swap3A_69 = arith.constant 0 : index
      %swap3A_70 = arith.constant 0 : index
      %swap3A_71 = vector.load %arg8[%swap3A_69, %swap3A_70] : memref<8x128xf32, #tpu.memory_space<vmem>>, vector<8x128xf32>
      tpu.vector_store %arg8[%swap3A_69, %swap3A_70], %get3A_68 {strides = array<i32>} : memref<8x128xf32, #tpu.memory_space<vmem>>, vector<8x128xf32>,
    } else {
    }
    return
  }
  func.func @transform_0(%arg0: i32) -> (i32, i32, i32) {
    %c0_i32 = arith.constant 0 : i32
    %c0_i32_0 = arith.constant 0 : i32
    %c0_i32_1 = arith.constant 0 : i32
    return %c0_i32, %arg0, %c0_i32_0 : i32, i32, i32
  }
  func.func @transform_1(%arg0: i32) -> (i32, i32, i32) {
    %c1_i32 = arith.constant 1 : i32
    %c0_i32 = arith.constant 0 : i32
    %c0_i32_0 = arith.constant 0 : i32
    return %c1_i32, %arg0, %c0_i32 : i32, i32, i32
  }
  func.func @transform_2(%arg0: i32) -> (i32, i32, i32) {
    %c0_i32 = arith.constant 0 : i32
    %c0_i32_0 = arith.constant 0 : i32
    %c0_i32_1 = arith.constant 0 : i32
    return %c0_i32, %arg0, %c0_i32_0 : i32, i32, i32
  }
  func.func @transform_3(%arg0: i32) -> (i32, i32, i32) {
    %c1_i32 = arith.constant 1 : i32
    %c0_i32 = arith.constant 0 : i32
    %c0_i32_0 = arith.constant 0 : i32
    return %c1_i32, %arg0, %c0_i32 : i32, i32, i32
  }
  func.func @transform_4(%arg0: i32) -> (i32, i32) {
    %c0_i32 = arith.constant 0 : i32
    %c0_i32_0 = arith.constant 0 : i32
    return %arg0, %c0_i32 : i32, i32
  }
  func.func @transform_5(%arg0: i32) -> (i32, i32) {
    %c0_i32 = arith.constant 0 : i32
    %c0_i32_0 = arith.constant 0 : i32
    %c0_i32_1 = arith.constant 0 : i32
    return %c0_i32, %c0_i32_0 : i32, i32
  }
  func.func @transform_6(%arg0: i32) -> (i32, i32) {
    %c0_i32 = arith.constant 0 : i32
    %c0_i32_0 = arith.constant 0 : i32
    return %arg0, %c0_i32 : i32, i32
  }
  func.func @transform_7(%arg0: i32) -> (i32, i32) {
    %c0_i32 = arith.constant 0 : i32
    %c0_i32_0 = arith.constant 0 : i32
    %c0_i32_1 = arith.constant 0 : i32
    return %c0_i32, %c0_i32_0 : i32, i32
  }
}

module attributes {stable_mosaic.version = 14 : i64} {
  func.func @_bn_body(%arg0: i32, %arg1: memref<2000x128xf32, #tpu.memory_space<vmem>>, %arg2: memref<8x128xf32, #tpu.memory_space<vmem>>, %arg3: memref<1x128xf32, #tpu.memory_space<vmem>>, %arg4: memref<1x128xf32, #tpu.memory_space<vmem>>, %arg5: memref<2000x128xf32, #tpu.memory_space<vmem>>) attributes {dimension_semantics = [#tpu.dimension_semantics<arbitrary>], iteration_bounds = array<i64: 5>, scalar_prefetch = 0 : i64, scratch_operands = 0 : i64, tpu.core_type = #tpu.core_type<tc>, window_params = [{transform_indices = @transform_0, window_bounds = array<i64: 2000, 128>}, {pipeline_mode = #tpu.pipeline_mode<synchronous>, transform_indices = @transform_1, window_bounds = array<i64: 8, 128>}, {pipeline_mode = #tpu.pipeline_mode<synchronous>, transform_indices = @transform_2, window_bounds = array<i64: 1, 128>}, {pipeline_mode = #tpu.pipeline_mode<synchronous>, transform_indices = @transform_3, window_bounds = array<i64: 1, 128>}, {transform_indices = @transform_4, window_bounds = array<i64: 2000, 128>}]} {
    %get3A = arith.constant 0 : index
    %get3A_0 = arith.constant 0 : index
    %get3A_1 = vector.load %arg2[%get3A, %get3A_0] : memref<8x128xf32, #tpu.memory_space<vmem>>, vector<1x128xf32>
    %div3A = arith.constant 1.000000e+04 : f32
    %div3A_2 = vector.broadcast %div3A : f32 to vector<1x128xf32>
    %div3A_3 = arith.divf %get3A_1, %div3A_2 : vector<1x128xf32>
    %get3A_4 = arith.constant 1 : index
    %get3A_5 = arith.constant 0 : index
    %get3A_6 = vector.load %arg2[%get3A_4, %get3A_5] : memref<8x128xf32, #tpu.memory_space<vmem>>, vector<1x128xf32>
    %div3A_7 = arith.constant 1.000000e+04 : f32
    %div3A_8 = vector.broadcast %div3A_7 : f32 to vector<1x128xf32>
    %div3A_9 = arith.divf %get3A_6, %div3A_8 : vector<1x128xf32>
    %mul3A = arith.mulf %div3A_3, %div3A_3 : vector<1x128xf32>
    %sub3A = arith.subf %div3A_9, %mul3A : vector<1x128xf32>
    %get3A_10 = arith.constant 0 : index
    %get3A_11 = arith.constant 0 : index
    %get3A_12 = vector.load %arg3[%get3A_10, %get3A_11] : memref<1x128xf32, #tpu.memory_space<vmem>>, vector<1x128xf32>
    %add3A = arith.constant 9.99999974E-6 : f32
    %add3A_13 = vector.broadcast %add3A : f32 to vector<1x128xf32>
    %add3A_14 = arith.addf %sub3A, %add3A_13 : vector<1x128xf32>
    %rsqrt3A = math.rsqrt %add3A_14 : vector<1x128xf32>
    %mul3A_15 = arith.mulf %get3A_12, %rsqrt3A : vector<1x128xf32>
    %get3A_16 = arith.constant 0 : index
    %get3A_17 = arith.constant 0 : index
    %get3A_18 = vector.load %arg1[%get3A_16, %get3A_17] : memref<2000x128xf32, #tpu.memory_space<vmem>>, vector<2000x128xf32>
    %sub3A_19 = vector.broadcast %div3A_3 : vector<1x128xf32> to vector<2000x128xf32>
    %sub3A_20 = arith.subf %get3A_18, %sub3A_19 : vector<2000x128xf32>
    %mul3A_21 = vector.broadcast %mul3A_15 : vector<1x128xf32> to vector<2000x128xf32>
    %mul3A_22 = arith.mulf %sub3A_20, %mul3A_21 : vector<2000x128xf32>
    %get3A_23 = arith.constant 0 : index
    %get3A_24 = arith.constant 0 : index
    %get3A_25 = vector.load %arg4[%get3A_23, %get3A_24] : memref<1x128xf32, #tpu.memory_space<vmem>>, vector<1x128xf32>
    %add3A_26 = vector.broadcast %get3A_25 : vector<1x128xf32> to vector<2000x128xf32>
    %add3A_27 = arith.addf %mul3A_22, %add3A_26 : vector<2000x128xf32>
    %swap3A = arith.constant 0 : index
    %swap3A_28 = arith.constant 0 : index
    %swap3A_29 = vector.load %arg5[%swap3A, %swap3A_28] : memref<2000x128xf32, #tpu.memory_space<vmem>>, vector<2000x128xf32>
    tpu.vector_store %arg5[%swap3A, %swap3A_28], %add3A_27 {strides = array<i32>} : memref<2000x128xf32, #tpu.memory_space<vmem>>, vector<2000x128xf32>,
    return
  }
  func.func @transform_0(%arg0: i32) -> (i32, i32) {
    %c0_i32 = arith.constant 0 : i32
    %c0_i32_0 = arith.constant 0 : i32
    return %arg0, %c0_i32 : i32, i32
  }
  func.func @transform_1(%arg0: i32) -> (i32, i32) {
    %c0_i32 = arith.constant 0 : i32
    %c0_i32_0 = arith.constant 0 : i32
    %c0_i32_1 = arith.constant 0 : i32
    return %c0_i32, %c0_i32_0 : i32, i32
  }
  func.func @transform_2(%arg0: i32) -> (i32, i32) {
    %c0_i32 = arith.constant 0 : i32
    %c0_i32_0 = arith.constant 0 : i32
    %c0_i32_1 = arith.constant 0 : i32
    return %c0_i32, %c0_i32_0 : i32, i32
  }
  func.func @transform_3(%arg0: i32) -> (i32, i32) {
    %c0_i32 = arith.constant 0 : i32
    %c0_i32_0 = arith.constant 0 : i32
    %c0_i32_1 = arith.constant 0 : i32
    return %c0_i32, %c0_i32_0 : i32, i32
  }
  func.func @transform_4(%arg0: i32) -> (i32, i32) {
    %c0_i32 = arith.constant 0 : i32
    %c0_i32_0 = arith.constant 0 : i32
    return %arg0, %c0_i32 : i32, i32
  }
}

</mosaic_0001>

<sc_bundles>
// kernel: kernel.7.cloned.1.call-start
scs
__scs_entry_jumppad:
0x0: {  	(pc) =	sbr.rel $0x88, $3  }
0x1: {  	(tag) =	ssettag $0x0;
	lr =	simm.s32 $0x1  }
0x2: {  	[smem:$0x3F96] =	sst lr;
	_ =	strace $0xD0000000  }
0x3: {  	_ = 	snop  }
0x4: {  	_ = 	snop  }
0x5: {  	_ = 	snop  }
0x6: {  	_ = 	snop  }
0x7: {  	_ = 	snop  }
__scs_overlays_trampoline_lowered:
0x8: {  	[smem:$0x3FA5] =	sst s0  }
0x9: {  	[smem:$0x3FA6] =	sst s1  }
0xa: {  	[smem:$0x3FA7] =	sst s2  }
0xb: {  	[smem:$0x3FA8] =	sst s3  }
0xc: {  	[smem:$0x3FA9] =	sst s4  }
0xd: {  	[smem:$0x3FAA] =	sst s5  }
0xe: {  	[smem:$0x3FAB] =	sst s6  }
0xf: {  	[smem:$0x3FAC] =	sst s7  }
0x10: {  	[smem:$0x3FAD] =	sst s8  }
0x11: {  	[smem:$0x3FAE] =	sst s9;
	s0 =	simm.s32 @!p0 $0x0  }
0x12: {  	s1 =	sld [smem:$0x3F94];
	s0 =	simm.s32 @p0 $0x1  }
0x13: {  	[smem:$0x3FAF] =	sst s0;
	s0 =	simm.s32 @!p1 $0x0  }
0x14: {  	s2 =	sld [smem:$0x3F93];
	s0 =	simm.s32 @p1 $0x1  }
0x15: {  	[smem:$0x3FB0] =	sst s0;
	s0 =	simm.s32 @!p2 $0x0  }
0x16: {  	s3 =	sld [smem:$0x3FDB];
	s0 =	simm.s32 @p2 $0x1  }
0x17: {  	s4 =	simm.s32 $0x1BF5;
	[smem:$0x3FB2] =	sst s0  }
0x18: {  	s0 =	sld [smem:$0x3F95];
	_ =	swait.ge [sflag:s4], $0x0  }
0x19: {  	s7 =	sld [smem:$0x3F96]  }
0x1a: {  	s8 =	sadd.s32 $0xFFFFE003, lr  }
0x1b: {  	s9 =	sadd.s32 $0xFFFFFEF7, lr;
	s5 =	simm.s32 $0xFFFFFFFF;
	p2 =	slt.u32 s8, $0xFFFFF086  }
0x1c: {  	p1 =	slt.u32 s9, $0xF7A;
	s5 =	simm.s32 @!p2 $0x0  }
0x1d: {  	s5 =	simm.s32 @p1 $0x1;
	p0 =	seq.s32 s7, s2  }
0x1e: {  	s7 =	smul.u32 @!p0 $0xF7A, s2;
	p2 =	seq.s32 @!p0 s5, $0x0  }
0x1f: {  	s9 =	smul.u32 $0xF7A, s1;
	s8 =	simm.s32 @!p0 $0x1BF5;
	p2 =	por !p2, p0  }
0x20: {  	[sflag:s8] =	ssyncset.s32 @!p0 $0xFFFFF086;
	s6 =	sadd.s32 @!p0 s3, s7;
	s7 =	simm.s32 @!p0 $0x108  }
0x21: {  	s3 =	sadd.s32 s3, s9;
	s6 =	sadd.s32 @!p0 $0x88, s6;
	s7 =	simm.s32 @p2 $0x1082  }
0x22: {  	[simem:s7], [sflag:s8] =	dma.local @!p0 [hbm:s6], $0xF7A  }
0x23: {  	s9 =	sor.u32 $0xD0000000, s2;
	s6 =	simm.s32 $0x108;
	_ =	swait.ge @!p0 [sflag:s8], $0x0  }
0x24: {  	s3 =	sadd.s32 $0x88, s3;
	s6 =	simm.s32 @!p1 $0x1082;
	[sflag:s4] =	ssyncset.s32 $0xFFFFF086  }
0x25: {  	[simem:s6], [sflag:s4] =	dma.local [hbm:s3], $0xF7A  }
0x26: {  	[smem:$0x3F96] =	sst s1;
	(tag) =	ssettag s2;
	_ =	strace s9  }
0x27: {  	s1 =	sld [smem:$0x3FA6]  }
0x28: {  	s2 =	sld [smem:$0x3FA7]  }
0x29: {  	s4 =	sld [smem:$0x3FA9]  }
0x2a: {  	p0 =	seq.s32 s5, $0x0;
	s5 =	sld [smem:$0x3FAA]  }
0x2b: {  	s6 =	sld [smem:$0x3FAB]  }
0x2c: {  	s7 =	sld [smem:$0x3FAC]  }
0x2d: {  	s3 =	simm.s32 $0x108;
	s8 =	sld [smem:$0x3FAD]  }
0x2e: {  	s3 =	simm.s32 @!p0 $0x1082;
	s9 =	sld [smem:$0x3FAE]  }
0x2f: {  	lr =	sadd.s32 s0, s3;
	s0 =	sld [smem:$0x3FA5]  }
0x30: {  	s3 =	sld [smem:$0x3FA8]  }
0x31: {  	[smem:$0x3FB1] =	sst s10  }
0x32: {  	s10 =	sld [smem:$0x3FAF];
	_ =	sdelay $0x3  }
0x33: {  	p0 =	seq.s32 s10, $0x1;
	s10 =	sld [smem:$0x3FB1];
	_ =	sdelay $0x3  }
0x34: {  	[smem:$0x3FB1] =	sst s10  }
0x35: {  	s10 =	sld [smem:$0x3FB0];
	_ =	sdelay $0x3  }
0x36: {  	p1 =	seq.s32 s10, $0x1;
	s10 =	sld [smem:$0x3FB1];
	_ =	sdelay $0x3  }
0x37: {  	[smem:$0x3FB1] =	sst s10  }
0x38: {  	s10 =	sld [smem:$0x3FB2]  }
0x39: {  	_ = 	snop;
	(pc) =	sbr.ind lr, $3  }
0x3a: {  	_ = 	snop  }
0x3b: {  	_ = 	snop  }
0x3c: {  	p2 =	seq.s32 s10, $0x1;
	s10 =	sld [smem:$0x3FB1]  }
0x3d: {  	_ =	shalt  }
0x3e: {  	_ =	shalt  }
0x3f: {  	_ =	shalt  }
0x40: {  	_ =	shalt  }
0x41: {  	_ =	shalt  }
0x42: {  	_ =	shalt  }
0x43: {  	_ =	shalt  }
0x44: {  	_ =	shalt  }
0x45: {  	_ =	shalt  }
0x46: {  	_ =	shalt  }
0x47: {  	_ =	shalt  }
0x48: {  	_ =	shalt  }
0x49: {  	_ =	shalt  }
0x4a: {  	_ =	shalt  }
0x4b: {  	_ =	shalt  }
0x4c: {  	_ =	shalt  }
0x4d: {  	_ =	shalt  }
0x4e: {  	_ =	shalt  }
0x4f: {  	_ =	shalt  }
0x50: {  	_ =	shalt  }
0x51: {  	_ =	shalt  }
0x52: {  	_ =	shalt  }
0x53: {  	_ =	shalt  }
0x54: {  	_ =	shalt  }
0x55: {  	_ =	shalt  }
0x56: {  	_ =	shalt  }
0x57: {  	_ =	shalt  }
0x58: {  	_ =	shalt  }
0x59: {  	_ =	shalt  }
0x5a: {  	_ =	shalt  }
0x5b: {  	_ =	shalt  }
0x5c: {  	_ =	shalt  }
0x5d: {  	_ =	shalt  }
0x5e: {  	_ =	shalt  }
0x5f: {  	_ =	shalt  }
0x60: {  	_ =	shalt  }
0x61: {  	_ =	shalt  }
0x62: {  	_ =	shalt  }
0x63: {  	_ =	shalt  }
0x64: {  	_ =	shalt  }
0x65: {  	_ =	shalt  }
0x66: {  	_ =	shalt  }
0x67: {  	_ =	shalt  }
0x68: {  	_ =	shalt  }
0x69: {  	_ =	shalt  }
0x6a: {  	_ =	shalt  }
0x6b: {  	_ =	shalt  }
0x6c: {  	_ =	shalt  }
0x6d: {  	_ =	shalt  }
0x6e: {  	_ =	shalt  }
0x6f: {  	_ =	shalt  }
0x70: {  	_ =	shalt  }
0x71: {  	_ =	shalt  }
0x72: {  	_ =	shalt  }
0x73: {  	_ =	shalt  }
0x74: {  	_ =	shalt  }
0x75: {  	_ =	shalt  }
0x76: {  	_ =	shalt  }
0x77: {  	_ =	shalt  }
0x78: {  	_ =	shalt  }
0x79: {  	_ =	shalt  }
0x7a: {  	_ =	shalt  }
0x7b: {  	_ =	shalt  }
0x7c: {  	_ =	shalt  }
0x7d: {  	_ =	shalt  }
0x7e: {  	_ =	shalt  }
0x7f: {  	_ =	shalt  }
0x80: {  	_ =	shalt  }
0x81: {  	_ =	shalt  }
0x82: {  	_ =	shalt  }
0x83: {  	_ =	shalt  }
0x84: {  	_ =	shalt  }
0x85: {  	_ =	shalt  }
0x86: {  	_ =	shalt  }
0x87: {  	_ =	shalt  }
.Lfunc_end0:
.L_simem_size_0:
called_computation_lowered:
.L_overlay_start_0:
0x88: {  	s2 =	sld [smem:$0x3FD9]  }
0x89: {  	s3 =	sld [smem:$0x3FFE];
	_ =	sdelay $0x1  }
0x8a: {  	s1 =	srdreg.scid  }
0x8b: {  	s0 =	sand.u32 $0x1, s1  }
0x8c: {  	s14 =	sshll.u32 s0, $0xA;
	s2 =	sadd.s32 s3, s2  }
0x8d: {  	s2 =	sadd.s32 s2, s14  }
0x8e: {  	[smem:$0x3FBD] =	sst s2  }
0x8f: {  	_ = 	snop  }
0x90: {  	s2 =	sld [smem:$0x3FD0];
	_ =	sdelay $0x2  }
0x91: {  	s15 =	simm.s32 $0xA;
	s4 =	simm.s32 $0x10  }
0x92: {  	[smem:s4], [sflag:s15] =	dma.local [hbm:s2], $0x1  }
0x93: {  	_ =	swait.eq [sflag:s15], $0x1  }
0x94: {  	[sflag:s15] =	ssyncset.done $0x0  }
0x95: {  	[sflag:s15] =	ssyncadd.s32 $0xFFFFFFFF  }
0x96: {  	s16 =	sld [smem:$0x11];
	(tm) =	ssettm $0x1  }
0x97: {  	s17 =	sld [smem:$0x3FFB];
	_ =	sdelay $0x3  }
0x98: {  	_ =	strace s17  }
0x99: {  	s3 =	sld [smem:$0x3FFC];
	_ =	sdelay $0x3  }
0x9a: {  	_ =	strace s3  }
0x9b: {  	s3 =	sld [smem:$0x3FFD];
	_ =	sdelay $0x3  }
0x9c: {  	_ =	strace s3  }
0x9d: {  	_ =	strace $0x8FFFFFFF  }
0x9e: {  	s18 =	sld [smem:$0x3FDB];
	_ =	sdelay $0x1  }
0x9f: {  	s19 =	simm.s32 $_scs_section_size  }
0xa0: {  	s5 =	simm.s32 $_size__tile_overlayer_lowered;
	s6 =	simm.s32 $_tile_overlayer_lowered  }
0xa1: {  	s22 =	simm.s32 $0x1BFF;
	s21 =	sshll.u32 s6, $0x1;
	s3 =	sadd.s32 s19, s18  }
0xa2: {  	s7 =	simm.s32 $0x0;
	s20 =	sshll.u32 s5, $0x1;
	s5 =	sadd.s32 s21, s3  }
0xa3: {  	[timem:s7], [sflag:s22] =	dma.local [hbm:s5], s20  }
0xa4: {  	_ =	swait.ge [sflag:s22], s20  }
0xa5: {  	s4 =	ssub.s32 $0x0, s20;
	[sflag:s22] =	ssyncset.done $0x0  }
0xa6: {  	[sflag:s22] =	ssyncadd.s32 s4;
	_ =	sdelay $0x1  }
0xa7: {  	s23 =	simm.s32 $0x1B8B  }
0xa8: {  	_ =	swait.ge [sflag:s23], $0x1  }
0xa9: {  	[sflag:s23] =	ssyncset.done $0x0  }
0xaa: {  	s25 =	simm.s32 $0x1B8E;
	s24 =	sld [smem:$0x3FFE];
	[sflag:s23] =	ssyncadd.s32 $0xFFFFFFFF  }
0xab: {  	s26 =	simm.s32 $execute0_lowered;
	[smem:$0x3FD2] =	sst s25  }
0xac: {  	s5 =	sshll.u32 s26, $0x1;
	_ =	strace $0x80000046;
	[dreg:$0x1] =	wrdreg $0xFFFFFFFF  }
0xad: {  	s28 =	simm.s32 $_size_execute0_lowered;
	s3 =	sadd.s32 s3, s5;
	[dreg:$0x0] =	wrdreg $0x0  }
0xae: {  	s5 =	sshll.u32 s28, $0x1;
	[dreg:$0x2] =	wrdreg s3  }
0xaf: {  	[dreg:$0x3] =	wrdreg s5  }
0xb0: {  	[dreg:$0x4] =	wrdreg $0xC0  }
0xb1: {  	_ =	task [dreg:s7], $0x5FFFF  }
0xb2: {  	[dreg:$0x1] =	wrdreg $0xFFFFFFFF  }
0xb3: {  	[dreg:$0x0] =	wrdreg $0x60  }
0xb4: {  	[dreg:$0x2] =	wrdreg s24  }
0xb5: {  	[dreg:$0x3] =	wrdreg s16  }
0xb6: {  	[dreg:$0x4] =	wrdreg $0x5C000  }
0xb7: {  	[dreg:$0x5] =	wrdreg $0xF8800  }
0xb8: {  	[dreg:$0x6] =	wrdreg $0x9  }
0xb9: {  	_ =	task.clear_ibuf [dreg:s7], $0x7FFFF;
	_ =	strace $0x90000046  }
0xba: {  	s29 =	simm.s32 $0x9;
	_ =	strace $0x80000048  }
0xbb: {  	_ =	swait.ge [sflag:s29], $0x1  }
0xbc: {  	[sflag:s29] =	ssyncadd.s32 $0xFFFFFFFF  }
0xbd: {  	_ =	strace $0x90000048  }
0xbe: {  	_ =	sfence  }
0xbf: {  	s30 =	sld [smem:$0x0];
	_ =	sdelay $0x2  }
0xc0: {  	s31 =	sshll.u32 s1, $0xD;
	s1 =	sshrl.u32 s1, $0x2  }
0xc1: {  	s3 =	sand.u32 $0x4000, s31;
	s1 =	sadd.s32 s1, s30  }
0xc2: {  	s0 =	sor.u32 s3, s0;
	s1 =	sshll.u32 s1, $0x11  }
0xc3: {  	s0 =	sor.u32 s1, s0  }
0xc4: {  	s0 =	sadd.s32 $0x8F2B, s0  }
0xc5: {  	[sflag:s0] =	ssyncadd.remote.s32 $0x1  }
0xc6: {  	_ =	sfence.sel $0xFFFF  }
0xc7: {  	[dreg:$0x0] =	wrdreg $0xFFFFFFFF;
	(pc) =	sbr.abs _section_cstart, $3  }
0xc8: {  	[dreg:$0x1] =	wrdreg $0xFFFFFFFF  }
0xc9: {  	_ =	task.clear_ibuf [dreg:s7], $0x2FFFF;
	_ =	strace $0x9FFFFFFF  }
0xca: {  	(tm) =	ssettm $0x7FFFFFFF  }
0xcb: {  	_ =	shalt  }
tec
execute0_lowered:
.L_overlay_start_1:
0x0: {  	(tag) =	ssettag $0x1  }
0x1: {  	s0 =	rddreg [dreg:$0x0]  }
0x2: {  	s1 =	rddreg [dreg:$0x1]  }
0x3: {  	s2 =	rddreg [dreg:$0x2]  }
0x4: {  	s3 =	rddreg [dreg:$0x3];
	s5 =	srdreg.scid  }
0x5: {  	s13 =	stileid.u32;
	s4 =	simm.s32 $0x0;
	s28 =	simm.s32 $0x80  }
0x6: {  	s29 =	simm.s32 $0x1C00;
	s31 =	simm.s32 $0x3C00;
	s30 =	simm.s32 $0x1100  }
0x7: {  	s6 =	sand.u32 $0x1, s5;
	s7 =	smul.u32 $0x13900, s13;
	[smem:$0x7FF] =	sst s4  }
0x8: {  	s5 =	sadd.s32 $0x4600, s0;
	s9 =	sadd.s32 $0x18000, s0;
	s14 =	smul.u32 $0x2720, s13  }
0x9: {  	s10 =	sadd.s32 $0x3200, s0;
	s11 =	sadd.s32 $0x18200, s0;
	s17 =	sshll.u32 s13, $0x6  }
0xa: {  	s8 =	smul.u32 $0x139000, s6;
	_ =	strace $0x80000047;
	[dreg:$0x5] =	wrdreg s9  }
0xb: {  	s4 =	simm.s32 $0xA00;
	[dreg:$0x6] =	wrdreg s10;
	s15 =	smul.u32 $0x27200, s6  }
0xc: {  	[dreg:$0x7] =	wrdreg s11;
	s16 =	sshll.u32 s6, $0x4;
	s6 =	ssub.s32 $0x2, s6  }
0xd: {  	[dreg:$0x8] =	wrdreg s17;
	s19 =	sor.u32 $0x1C04, s17;
	s17 =	simm.s32 $0xF00  }
0xe: {  	s11 =	sor.u32 s13, s16;
	s12 =	sshrl.u32 s6, $0x1;
	[dreg:$0x9] =	wrdreg s19  }
0xf: {  	s8 =	sadd.s32 s7, s8;
	s10 =	sadd.s32 s14, s15;
	s11 =	smul.u32 $0x2800, s11  }
0x10: {  	s6 =	ssub.s32 s6, s12;
	s7 =	sshrl.u32 s7, $0x1;
	s8 =	sshrl.u32 s8, $0x4  }
0x11: {  	s10 =	sshrl.u32 s10, $0x3;
	s26 =	smax.u32 s6, $0x1;
	s18 =	sshrl.u32 s11, $0x3  }
0x12: {  	s8 =	sadd.s32 s8, s0;
	[dreg:$0x14] =	wrdreg s26;
	s1 =	sadd.s32 s1, s18  }
0x13: {  	s0 =	sadd.s32 s10, s0;
	s25 =	sadd.s32 $0x18800, s8;
	[dreg:$0xa] =	wrdreg s1  }
0x14: {  	s7 =	sadd.s32 s7, s2;
	s0 =	sadd.s32 $0x3FA00, s0;
	[dreg:$0x12] =	wrdreg s25  }
0x15: {  	s9 =	sadd.s32 s14, s3;
	s18 =	sshrl.u32 s7, $0x3;
	[dreg:$0x13] =	wrdreg s0  }
0x16: {  	s19 =	simm.s32 $0xD80;
	s10 =	sadd.s32 $0xA000, s1;
	[dreg:$0x15] =	wrdreg s18  }
0x17: {  	s13 =	simm.s32 $0x1080;
	s20 =	sadd.s32 $0x140, s1;
	[dreg:$0xb] =	wrdreg s10  }
0x18: {  	s15 =	simm.s32 $0xD00;
	s21 =	sadd.s32 $0xA140, s1;
	[dreg:$0xc] =	wrdreg s20  }
0x19: {  	s6 =	simm.s32 $0x2;
	s22 =	sadd.s32 $0x280, s1;
	[dreg:$0xd] =	wrdreg s21  }
0x1a: {  	s26 =	simm.s32 $0x1180;
	s23 =	sadd.s32 $0xA280, s1;
	[dreg:$0xe] =	wrdreg s22  }
0x1b: {  	s7 =	simm.s32 $0x3;
	s24 =	sadd.s32 $0x3C0, s1;
	[dreg:$0xf] =	wrdreg s23  }
0x1c: {  	s1 =	sadd.s32 $0xA3C0, s1;
	s25 =	simm.s32 $0x5;
	[dreg:$0x10] =	wrdreg s24  }
0x1d: {  	s0 =	simm.s32 $0x1;
	[dreg:$0x11] =	wrdreg s1;
	s20 =	sshrl.u32 s9, $0x3  }
0x1e: {  	s24 =	simm.s32 $0x1400;
	s10 =	simm.s32 $0x0;
	s23 =	simm.s32 $0xC00  }
0x1f: {  	s22 =	simm.s32 $0xF80;
	s21 =	simm.s32 $0x1000;
	[dreg:$0x16] =	wrdreg s20  }
.LBB2_1:
0x20: {  	s14 =	rddreg [dreg:$0x6]  }
0x21: {  	s16 =	rddreg [dreg:$0x9]  }
0x22: {  	[spmem:s18], [sflag:s16] =	dma.local [hbm:s14], $0x1390  }
0x23: {  	s14 =	rddreg [dreg:$0x7]  }
0x24: {  	[spmem:s20], [sflag:s16] =	dma.local [hbm:s14], $0x4E4  }
0x25: {  	s1 =	simm.s32 $0x0;
	s14 =	rddreg [dreg:$0x5]  }
0x26: {  	[tilespmem:s24], [sflag:$0x5] =	stream.linear.gather [hbm4b:s14+s1], $0x800, $0x38;
	[tilespmem:$0x11FA0] =	vst v63  }
0x27: {  	_ =	swait.ge [sflag:s25], $0x800  }
0x28: {  	[sflag:s25] =	ssyncset.done $0x0  }
0x29: {  	s20 =	rddreg [dreg:$0xa];
	[sflag:s25] =	ssyncadd.s32 $0xFFFFF800  }
0x2a: {  	[tilespmem:s1], [sflag:$0x5] =	stream.linear.gather [hbm4b:s20+s1], $0xA00, $0x38;
	[tilespmem:$0x11FA0] =	vst v63  }
0x2b: {  	_ =	swait.ge [sflag:s25], $0xA00  }
0x2c: {  	[sflag:s25] =	ssyncset.done $0x0  }
0x2d: {  	s8 =	rddreg [dreg:$0xb];
	[sflag:s25] =	ssyncadd.s32 $0xFFFFF600  }
0x2e: {  	[tilespmem:s4], [sflag:$0x5] =	stream.linear.gather [hbm4b:s8+s1], $0xA00, $0x38;
	[tilespmem:$0x11FA0] =	vst v63  }
0x2f: {  	_ =	swait.ge [sflag:s25], $0xA00  }
0x30: {  	[sflag:s25] =	ssyncset.done $0x0  }
0x31: {  	s9 =	simm.s32 $0x4;
	[sflag:s25] =	ssyncadd.s32 $0xFFFFF600  }
0x32: {  	[tilespmem:s29], [sflag:$0x1] =	stream.indirect.gather [hbm4b:s5+s28], $0x40, s1, s28, $0xb8;
	[tilespmem:$0x11FA0] =	vst v63  }
0x33: {  	_ =	swait.ge [sflag:s9], $0x1390  }
0x34: {  	[sflag:s9] =	ssyncset.done $0x0  }
0x35: {  	[sflag:s9] =	ssyncadd.s32 $0xFFFFEC70  }
0x36: {  	_ =	swait.ge [sflag:s9], $0x4E4  }
0x37: {  	[sflag:s9] =	ssyncset.done $0x0  }
0x38: {  	[sflag:s9] =	ssyncadd.s32 $0xFFFFFB1C  }
0x39: {  	[bflag:$0x0] =	sbarrier.arrive $0xFFFF  }
0x3a: {  	[tilespmem:s31], [sflag:$0x2] =	stream.indirect.gather [hbm4b:s5+s28], $0x40, s28, s28, $0xb8;
	[tilespmem:$0x11FA0] =	vst v63  }
0x3b: {  	_ =	swait.ge [sflag:s0], $0x2000  }
0x3c: {  	[sflag:s0] =	ssyncset.done $0x0  }
0x3d: {  	[sflag:s0] =	ssyncadd.s32 $0xFFFFE000  }
0x3e: {  	[spmem:s2] =	stream.indirect.scatter.add.bf16 [tilespmem:s29], [sflag:$0x5], $0x40, s4, s28, $0xb8;
	[tilespmem:$0x11FA0] =	vst v63  }
0x3f: {  	_ =	swait.ge [sflag:s25], $0x2000  }
0x40: {  	[sflag:s25] =	ssyncset.done $0x0  }
0x41: {  	[sflag:s25] =	ssyncadd.s32 $0xFFFFE000  }
0x42: {  	[spmem:s3] =	stream.indirect.scatter.add.f32 [tilespmem:s24], [sflag:$0x3], $0x10, s4, s28, $0xb8;
	[tilespmem:$0x11FA0] =	vst v63  }
0x43: {  	s8 =	simm.s32 $0x100  }
0x44: {  	[tilespmem:s29], [sflag:$0x1] =	stream.indirect.gather [hbm4b:s5+s28], $0x40, s8, s28, $0xb8;
	[tilespmem:$0x11FA0] =	vst v63  }
0x45: {  	_ =	swait.ge [sflag:s6], $0x2000  }
0x46: {  	[sflag:s6] =	ssyncset.done $0x0  }
0x47: {  	s18 =	simm.s32 $0xA80;
	[sflag:s6] =	ssyncadd.s32 $0xFFFFE000  }
0x48: {  	[spmem:s2] =	stream.indirect.scatter.add.bf16 [tilespmem:s31], [sflag:$0x5], $0x40, s18, s28, $0xb8;
	[tilespmem:$0x11FA0] =	vst v63  }
0x49: {  	_ =	swait.ge [sflag:s25], $0x2000  }
0x4a: {  	[sflag:s25] =	ssyncset.done $0x0  }
0x4b: {  	[sflag:s25] =	ssyncadd.s32 $0xFFFFE000  }
0x4c: {  	[spmem:s3] =	stream.indirect.scatter.add.f32 [tilespmem:s24], [sflag:$0x3], $0x10, s18, s28, $0xb8;
	[tilespmem:$0x11FA0] =	vst v63  }
0x4d: {  	s11 =	simm.s32 $0x180  }
0x4e: {  	[tilespmem:s31], [sflag:$0x2] =	stream.indirect.gather [hbm4b:s5+s28], $0x40, s11, s28, $0xb8;
	[tilespmem:$0x11FA0] =	vst v63  }
0x4f: {  	_ =	swait.ge [sflag:s0], $0x2000  }
0x50: {  	[sflag:s0] =	ssyncset.done $0x0  }
0x51: {  	s12 =	simm.s32 $0xB00;
	[sflag:s0] =	ssyncadd.s32 $0xFFFFE000  }
0x52: {  	[spmem:s2] =	stream.indirect.scatter.add.bf16 [tilespmem:s29], [sflag:$0x5], $0x40, s12, s28, $0xb8;
	[tilespmem:$0x11FA0] =	vst v63  }
0x53: {  	_ =	swait.ge [sflag:s25], $0x2000  }
0x54: {  	[sflag:s25] =	ssyncset.done $0x0  }
0x55: {  	[sflag:s25] =	ssyncadd.s32 $0xFFFFE000  }
0x56: {  	[spmem:s3] =	stream.indirect.scatter.add.f32 [tilespmem:s24], [sflag:$0x3], $0x10, s12, s28, $0xb8;
	[tilespmem:$0x11FA0] =	vst v63  }
0x57: {  	s14 =	simm.s32 $0x200  }
0x58: {  	[tilespmem:s29], [sflag:$0x1] =	stream.indirect.gather [hbm4b:s5+s28], $0x40, s14, s28, $0xb8;
	[tilespmem:$0x11FA0] =	vst v63  }
0x59: {  	_ =	swait.ge [sflag:s6], $0x2000  }
0x5a: {  	[sflag:s6] =	ssyncset.done $0x0  }
0x5b: {  	s16 =	simm.s32 $0xB80;
	[sflag:s6] =	ssyncadd.s32 $0xFFFFE000  }
0x5c: {  	[spmem:s2] =	stream.indirect.scatter.add.bf16 [tilespmem:s31], [sflag:$0x5], $0x40, s16, s28, $0xb8;
	[tilespmem:$0x11FA0] =	vst v63  }
0x5d: {  	_ =	swait.ge [sflag:s25], $0x2000  }
0x5e: {  	[sflag:s25] =	ssyncset.done $0x0  }
0x5f: {  	[sflag:s25] =	ssyncadd.s32 $0xFFFFE000  }
0x60: {  	[spmem:s3] =	stream.indirect.scatter.add.f32 [tilespmem:s24], [sflag:$0x3], $0x10, s16, s28, $0xb8;
	[tilespmem:$0x11FA0] =	vst v63  }
0x61: {  	s20 =	simm.s32 $0x280  }
0x62: {  	[tilespmem:s31], [sflag:$0x2] =	stream.indirect.gather [hbm4b:s5+s28], $0x40, s20, s28, $0xb8;
	[tilespmem:$0x11FA0] =	vst v63  }
0x63: {  	_ =	swait.ge [sflag:s0], $0x2000  }
0x64: {  	[sflag:s0] =	ssyncset.done $0x0  }
0x65: {  	[sflag:s0] =	ssyncadd.s32 $0xFFFFE000  }
0x66: {  	[spmem:s2] =	stream.indirect.scatter.add.bf16 [tilespmem:s29], [sflag:$0x5], $0x40, s23, s28, $0xb8;
	[tilespmem:$0x11FA0] =	vst v63  }
0x67: {  	_ =	swait.ge [sflag:s25], $0x2000  }
0x68: {  	[sflag:s25] =	ssyncset.done $0x0  }
0x69: {  	[sflag:s25] =	ssyncadd.s32 $0xFFFFE000  }
0x6a: {  	[spmem:s3] =	stream.indirect.scatter.add.f32 [tilespmem:s24], [sflag:$0x3], $0x10, s23, s28, $0xb8;
	[tilespmem:$0x11FA0] =	vst v63  }
0x6b: {  	s9 =	simm.s32 $0x300  }
0x6c: {  	[tilespmem:s29], [sflag:$0x1] =	stream.indirect.gather [hbm4b:s5+s28], $0x40, s9, s28, $0xb8;
	[tilespmem:$0x11FA0] =	vst v63  }
0x6d: {  	_ =	swait.ge [sflag:s6], $0x2000  }
0x6e: {  	[sflag:s6] =	ssyncset.done $0x0  }
0x6f: {  	s11 =	simm.s32 $0xC80;
	[sflag:s6] =	ssyncadd.s32 $0xFFFFE000  }
0x70: {  	[spmem:s2] =	stream.indirect.scatter.add.bf16 [tilespmem:s31], [sflag:$0x5], $0x40, s11, s28, $0xb8;
	[tilespmem:$0x11FA0] =	vst v63  }
0x71: {  	_ =	swait.ge [sflag:s25], $0x2000  }
0x72: {  	[sflag:s25] =	ssyncset.done $0x0  }
0x73: {  	[sflag:s25] =	ssyncadd.s32 $0xFFFFE000  }
0x74: {  	[spmem:s3] =	stream.indirect.scatter.add.f32 [tilespmem:s24], [sflag:$0x3], $0x10, s11, s28, $0xb8;
	[tilespmem:$0x11FA0] =	vst v63  }
0x75: {  	s11 =	simm.s32 $0x380  }
0x76: {  	[tilespmem:s31], [sflag:$0x2] =	stream.indirect.gather [hbm4b:s5+s28], $0x40, s11, s28, $0xb8;
	[tilespmem:$0x11FA0] =	vst v63  }
0x77: {  	_ =	swait.ge [sflag:s0], $0x2000  }
0x78: {  	[sflag:s0] =	ssyncset.done $0x0  }
0x79: {  	[sflag:s0] =	ssyncadd.s32 $0xFFFFE000  }
0x7a: {  	[spmem:s2] =	stream.indirect.scatter.add.bf16 [tilespmem:s29], [sflag:$0x5], $0x40, s15, s28, $0xb8;
	[tilespmem:$0x11FA0] =	vst v63  }
0x7b: {  	_ =	swait.ge [sflag:s25], $0x2000  }
0x7c: {  	[sflag:s25] =	ssyncset.done $0x0  }
0x7d: {  	[sflag:s25] =	ssyncadd.s32 $0xFFFFE000  }
0x7e: {  	[spmem:s3] =	stream.indirect.scatter.add.f32 [tilespmem:s24], [sflag:$0x3], $0x10, s15, s28, $0xb8;
	[tilespmem:$0x11FA0] =	vst v63  }
0x7f: {  	s12 =	simm.s32 $0x400  }
0x80: {  	[tilespmem:s29], [sflag:$0x1] =	stream.indirect.gather [hbm4b:s5+s28], $0x40, s12, s28, $0xb8;
	[tilespmem:$0x11FA0] =	vst v63  }
0x81: {  	_ =	swait.ge [sflag:s6], $0x2000  }
0x82: {  	[sflag:s6] =	ssyncset.done $0x0  }
0x83: {  	[sflag:s6] =	ssyncadd.s32 $0xFFFFE000  }
0x84: {  	[spmem:s2] =	stream.indirect.scatter.add.bf16 [tilespmem:s31], [sflag:$0x5], $0x40, s19, s28, $0xb8;
	[tilespmem:$0x11FA0] =	vst v63  }
0x85: {  	_ =	swait.ge [sflag:s25], $0x2000  }
0x86: {  	[sflag:s25] =	ssyncset.done $0x0  }
0x87: {  	[sflag:s25] =	ssyncadd.s32 $0xFFFFE000  }
0x88: {  	[spmem:s3] =	stream.indirect.scatter.add.f32 [tilespmem:s24], [sflag:$0x3], $0x10, s19, s28, $0xb8;
	[tilespmem:$0x11FA0] =	vst v63  }
0x89: {  	s14 =	simm.s32 $0x480  }
0x8a: {  	[tilespmem:s31], [sflag:$0x2] =	stream.indirect.gather [hbm4b:s5+s28], $0x40, s14, s28, $0xb8;
	[tilespmem:$0x11FA0] =	vst v63  }
0x8b: {  	_ =	swait.ge [sflag:s0], $0x2000  }
0x8c: {  	[sflag:s0] =	ssyncset.done $0x0  }
0x8d: {  	s11 =	simm.s32 $0xE00;
	[sflag:s0] =	ssyncadd.s32 $0xFFFFE000  }
0x8e: {  	[spmem:s2] =	stream.indirect.scatter.add.bf16 [tilespmem:s29], [sflag:$0x5], $0x40, s11, s28, $0xb8;
	[tilespmem:$0x11FA0] =	vst v63  }
0x8f: {  	_ =	swait.ge [sflag:s25], $0x2000  }
0x90: {  	[sflag:s25] =	ssyncset.done $0x0  }
0x91: {  	[sflag:s25] =	ssyncadd.s32 $0xFFFFE000  }
0x92: {  	[spmem:s3] =	stream.indirect.scatter.add.f32 [tilespmem:s24], [sflag:$0x3], $0x10, s11, s28, $0xb8;
	[tilespmem:$0x11FA0] =	vst v63  }
0x93: {  	s16 =	simm.s32 $0x500  }
0x94: {  	[tilespmem:s29], [sflag:$0x1] =	stream.indirect.gather [hbm4b:s5+s28], $0x40, s16, s28, $0xb8;
	[tilespmem:$0x11FA0] =	vst v63  }
0x95: {  	_ =	swait.ge [sflag:s6], $0x2000  }
0x96: {  	[sflag:s6] =	ssyncset.done $0x0  }
0x97: {  	s16 =	simm.s32 $0xE80;
	[sflag:s6] =	ssyncadd.s32 $0xFFFFE000  }
0x98: {  	[spmem:s2] =	stream.indirect.scatter.add.bf16 [tilespmem:s31], [sflag:$0x5], $0x40, s16, s28, $0xb8;
	[tilespmem:$0x11FA0] =	vst v63  }
0x99: {  	_ =	swait.ge [sflag:s25], $0x2000  }
0x9a: {  	[sflag:s25] =	ssyncset.done $0x0  }
0x9b: {  	[sflag:s25] =	ssyncadd.s32 $0xFFFFE000  }
0x9c: {  	[spmem:s3] =	stream.indirect.scatter.add.f32 [tilespmem:s24], [sflag:$0x3], $0x10, s16, s28, $0xb8;
	[tilespmem:$0x11FA0] =	vst v63  }
0x9d: {  	s20 =	simm.s32 $0x580  }
0x9e: {  	[tilespmem:s31], [sflag:$0x2] =	stream.indirect.gather [hbm4b:s5+s28], $0x40, s20, s28, $0xb8;
	[tilespmem:$0x11FA0] =	vst v63  }
0x9f: {  	_ =	swait.ge [sflag:s0], $0x2000  }
0xa0: {  	[sflag:s0] =	ssyncset.done $0x0  }
0xa1: {  	[sflag:s0] =	ssyncadd.s32 $0xFFFFE000  }
0xa2: {  	[spmem:s2] =	stream.indirect.scatter.add.bf16 [tilespmem:s29], [sflag:$0x5], $0x40, s17, s28, $0xb8;
	[tilespmem:$0x11FA0] =	vst v63  }
0xa3: {  	_ =	swait.ge [sflag:s25], $0x2000  }
0xa4: {  	[sflag:s25] =	ssyncset.done $0x0  }
0xa5: {  	[sflag:s25] =	ssyncadd.s32 $0xFFFFE000  }
0xa6: {  	[spmem:s3] =	stream.indirect.scatter.add.f32 [tilespmem:s24], [sflag:$0x3], $0x10, s17, s28, $0xb8;
	[tilespmem:$0x11FA0] =	vst v63  }
0xa7: {  	s9 =	simm.s32 $0x600  }
0xa8: {  	[tilespmem:s29], [sflag:$0x1] =	stream.indirect.gather [hbm4b:s5+s28], $0x40, s9, s28, $0xb8;
	[tilespmem:$0x11FA0] =	vst v63  }
0xa9: {  	_ =	swait.ge [sflag:s6], $0x2000  }
0xaa: {  	[sflag:s6] =	ssyncset.done $0x0  }
0xab: {  	[sflag:s6] =	ssyncadd.s32 $0xFFFFE000  }
0xac: {  	[spmem:s2] =	stream.indirect.scatter.add.bf16 [tilespmem:s31], [sflag:$0x5], $0x40, s22, s28, $0xb8;
	[tilespmem:$0x11FA0] =	vst v63  }
0xad: {  	_ =	swait.ge [sflag:s25], $0x2000  }
0xae: {  	[sflag:s25] =	ssyncset.done $0x0  }
0xaf: {  	[sflag:s25] =	ssyncadd.s32 $0xFFFFE000  }
0xb0: {  	[spmem:s3] =	stream.indirect.scatter.add.f32 [tilespmem:s24], [sflag:$0x3], $0x10, s22, s28, $0xb8;
	[tilespmem:$0x11FA0] =	vst v63  }
0xb1: {  	s12 =	simm.s32 $0x680  }
0xb2: {  	[tilespmem:s31], [sflag:$0x2] =	stream.indirect.gather [hbm4b:s5+s28], $0x40, s12, s28, $0xb8;
	[tilespmem:$0x11FA0] =	vst v63  }
0xb3: {  	_ =	swait.ge [sflag:s0], $0x2000  }
0xb4: {  	[sflag:s0] =	ssyncset.done $0x0  }
0xb5: {  	[sflag:s0] =	ssyncadd.s32 $0xFFFFE000  }
0xb6: {  	[spmem:s2] =	stream.indirect.scatter.add.bf16 [tilespmem:s29], [sflag:$0x5], $0x40, s21, s28, $0xb8;
	[tilespmem:$0x11FA0] =	vst v63  }
0xb7: {  	_ =	swait.ge [sflag:s25], $0x2000  }
0xb8: {  	[sflag:s25] =	ssyncset.done $0x0  }
0xb9: {  	[sflag:s25] =	ssyncadd.s32 $0xFFFFE000  }
0xba: {  	[spmem:s3] =	stream.indirect.scatter.add.f32 [tilespmem:s24], [sflag:$0x3], $0x10, s21, s28, $0xb8;
	[tilespmem:$0x11FA0] =	vst v63  }
0xbb: {  	s14 =	simm.s32 $0x700  }
0xbc: {  	[tilespmem:s29], [sflag:$0x1] =	stream.indirect.gather [hbm4b:s5+s28], $0x40, s14, s28, $0xb8;
	[tilespmem:$0x11FA0] =	vst v63  }
0xbd: {  	_ =	swait.ge [sflag:s6], $0x2000  }
0xbe: {  	[sflag:s6] =	ssyncset.done $0x0  }
0xbf: {  	[sflag:s6] =	ssyncadd.s32 $0xFFFFE000  }
0xc0: {  	[spmem:s2] =	stream.indirect.scatter.add.bf16 [tilespmem:s31], [sflag:$0x5], $0x40, s13, s28, $0xb8;
	[tilespmem:$0x11FA0] =	vst v63  }
0xc1: {  	_ =	swait.ge [sflag:s25], $0x2000  }
0xc2: {  	[sflag:s25] =	ssyncset.done $0x0  }
0xc3: {  	[sflag:s25] =	ssyncadd.s32 $0xFFFFE000  }
0xc4: {  	[spmem:s3] =	stream.indirect.scatter.add.f32 [tilespmem:s24], [sflag:$0x3], $0x10, s13, s28, $0xb8;
	[tilespmem:$0x11FA0] =	vst v63  }
0xc5: {  	s20 =	simm.s32 $0x780  }
0xc6: {  	[tilespmem:s31], [sflag:$0x2] =	stream.indirect.gather [hbm4b:s5+s28], $0x40, s20, s28, $0xb8;
	[tilespmem:$0x11FA0] =	vst v63  }
0xc7: {  	_ =	swait.ge [sflag:s0], $0x2000  }
0xc8: {  	[sflag:s0] =	ssyncset.done $0x0  }
0xc9: {  	[sflag:s0] =	ssyncadd.s32 $0xFFFFE000  }
0xca: {  	[spmem:s2] =	stream.indirect.scatter.add.bf16 [tilespmem:s29], [sflag:$0x5], $0x40, s30, s28, $0xb8;
	[tilespmem:$0x11FA0] =	vst v63  }
0xcb: {  	_ =	swait.ge [sflag:s25], $0x2000  }
0xcc: {  	[sflag:s25] =	ssyncset.done $0x0  }
0xcd: {  	[sflag:s25] =	ssyncadd.s32 $0xFFFFE000  }
0xce: {  	[spmem:s3] =	stream.indirect.scatter.add.f32 [tilespmem:s24], [sflag:$0x3], $0x10, s30, s28, $0xb8;
	[tilespmem:$0x11FA0] =	vst v63  }
0xcf: {  	s9 =	simm.s32 $0x800  }
0xd0: {  	[tilespmem:s29], [sflag:$0x1] =	stream.indirect.gather [hbm4b:s5+s28], $0x40, s9, s28, $0xb8;
	[tilespmem:$0x11FA0] =	vst v63  }
0xd1: {  	_ =	swait.ge [sflag:s6], $0x2000  }
0xd2: {  	[sflag:s6] =	ssyncset.done $0x0  }
0xd3: {  	[sflag:s6] =	ssyncadd.s32 $0xFFFFE000  }
0xd4: {  	[spmem:s2] =	stream.indirect.scatter.add.bf16 [tilespmem:s31], [sflag:$0x5], $0x40, s26, s28, $0xb8;
	[tilespmem:$0x11FA0] =	vst v63  }
0xd5: {  	_ =	swait.ge [sflag:s25], $0x2000  }
0xd6: {  	[sflag:s25] =	ssyncset.done $0x0  }
0xd7: {  	[sflag:s25] =	ssyncadd.s32 $0xFFFFE000  }
0xd8: {  	[spmem:s3] =	stream.indirect.scatter.add.f32 [tilespmem:s24], [sflag:$0x3], $0x10, s26, s28, $0xb8;
	[tilespmem:$0x11FA0] =	vst v63  }
0xd9: {  	s12 =	simm.s32 $0x880  }
0xda: {  	[tilespmem:s31], [sflag:$0x2] =	stream.indirect.gather [hbm4b:s5+s28], $0x40, s12, s28, $0xb8;
	[tilespmem:$0x11FA0] =	vst v63  }
0xdb: {  	_ =	swait.ge [sflag:s0], $0x2000  }
0xdc: {  	[sflag:s0] =	ssyncset.done $0x0  }
0xdd: {  	s20 =	simm.s32 $0x1200;
	[sflag:s0] =	ssyncadd.s32 $0xFFFFE000  }
0xde: {  	[spmem:s2] =	stream.indirect.scatter.add.bf16 [tilespmem:s29], [sflag:$0x5], $0x40, s20, s28, $0xb8;
	[tilespmem:$0x11FA0] =	vst v63  }
0xdf: {  	_ =	swait.ge [sflag:s25], $0x2000  }
0xe0: {  	[sflag:s25] =	ssyncset.done $0x0  }
0xe1: {  	[sflag:s25] =	ssyncadd.s32 $0xFFFFE000  }
0xe2: {  	[spmem:s3] =	stream.indirect.scatter.add.f32 [tilespmem:s24], [sflag:$0x3], $0x10, s20, s28, $0xb8;
	[tilespmem:$0x11FA0] =	vst v63  }
0xe3: {  	s14 =	simm.s32 $0x900  }
0xe4: {  	[tilespmem:s29], [sflag:$0x1] =	stream.indirect.gather [hbm4b:s5+s28], $0x40, s14, s28, $0xb8;
	[tilespmem:$0x11FA0] =	vst v63  }
0xe5: {  	_ =	swait.ge [sflag:s6], $0x2000  }
0xe6: {  	[sflag:s6] =	ssyncset.done $0x0  }
0xe7: {  	s12 =	simm.s32 $0x1280;
	[sflag:s6] =	ssyncadd.s32 $0xFFFFE000  }
0xe8: {  	[spmem:s2] =	stream.indirect.scatter.add.bf16 [tilespmem:s31], [sflag:$0x5], $0x40, s12, s28, $0xb8;
	[tilespmem:$0x11FA0] =	vst v63  }
0xe9: {  	_ =	swait.ge [sflag:s25], $0x2000  }
0xea: {  	[sflag:s25] =	ssyncset.done $0x0  }
0xeb: {  	[sflag:s25] =	ssyncadd.s32 $0xFFFFE000  }
0xec: {  	[spmem:s3] =	stream.indirect.scatter.add.f32 [tilespmem:s24], [sflag:$0x3], $0x10, s12, s28, $0xb8;
	[tilespmem:$0x11FA0] =	vst v63  }
0xed: {  	s9 =	simm.s32 $0x980  }
0xee: {  	[tilespmem:s31], [sflag:$0x2] =	stream.indirect.gather [hbm4b:s5+s28], $0x40, s9, s28, $0xb8;
	[tilespmem:$0x11FA0] =	vst v63  }
0xef: {  	_ =	swait.ge [sflag:s0], $0x2000  }
0xf0: {  	[sflag:s0] =	ssyncset.done $0x0  }
0xf1: {  	s8 =	simm.s32 $0x1300;
	[sflag:s0] =	ssyncadd.s32 $0xFFFFE000  }
0xf2: {  	[spmem:s2] =	stream.indirect.scatter.add.bf16 [tilespmem:s29], [sflag:$0x5], $0x40, s8, s28, $0xb8;
	[tilespmem:$0x11FA0] =	vst v63  }
0xf3: {  	_ =	swait.ge [sflag:s25], $0x2000  }
0xf4: {  	[sflag:s25] =	ssyncset.done $0x0  }
0xf5: {  	[sflag:s25] =	ssyncadd.s32 $0xFFFFE000  }
0xf6: {  	[spmem:s3] =	stream.indirect.scatter.add.f32 [tilespmem:s24], [sflag:$0x3], $0x10, s8, s28, $0xb8;
	[tilespmem:$0x11FA0] =	vst v63  }
0xf7: {  	_ =	swait.ge [sflag:s6], $0x2000  }
0xf8: {  	[sflag:s6] =	ssyncset.done $0x0  }
0xf9: {  	s9 =	simm.s32 $0x1380;
	[sflag:s6] =	ssyncadd.s32 $0xFFFFE000  }
0xfa: {  	[spmem:s2] =	stream.indirect.scatter.add.bf16 [tilespmem:s31], [sflag:$0x5], $0x40, s9, s28, $0xb8;
	[tilespmem:$0x11FA0] =	vst v63  }
0xfb: {  	_ =	swait.ge [sflag:s25], $0x2000  }
0xfc: {  	[sflag:s25] =	ssyncset.done $0x0  }
0xfd: {  	[sflag:s25] =	ssyncadd.s32 $0xFFFFE000  }
0xfe: {  	[spmem:s3] =	stream.indirect.scatter.add.f32 [tilespmem:s24], [sflag:$0x3], $0x10, s9, s28, $0xb8;
	[tilespmem:$0x11FA0] =	vst v63  }
0xff: {  	s14 =	rddreg [dreg:$0xc]  }
0x100: {  	[tilespmem:s1], [sflag:$0x5] =	stream.linear.gather [hbm4b:s14+s1], $0xA00, $0x38;
	[tilespmem:$0x11FA0] =	vst v63  }
0x101: {  	_ =	swait.ge [sflag:s25], $0xA00  }
0x102: {  	[sflag:s25] =	ssyncset.done $0x0  }
0x103: {  	s14 =	rddreg [dreg:$0xd];
	[sflag:s25] =	ssyncadd.s32 $0xFFFFF600  }
0x104: {  	[tilespmem:s4], [sflag:$0x5] =	stream.linear.gather [hbm4b:s14+s1], $0xA00, $0x38;
	[tilespmem:$0x11FA0] =	vst v63  }
0x105: {  	_ =	swait.ge [sflag:s25], $0xA00  }
0x106: {  	[sflag:s25] =	ssyncset.done $0x0  }
0x107: {  	[sflag:s25] =	ssyncadd.s32 $0xFFFFF600  }
0x108: {  	[tilespmem:s29], [sflag:$0x1] =	stream.indirect.gather [hbm4b:s5+s28], $0x40, s1, s28, $0xb8;
	[tilespmem:$0x11FA0] =	vst v63  }
0x109: {  	_ = 	snop  }
0x10a: {  	[tilespmem:s31], [sflag:$0x2] =	stream.indirect.gather [hbm4b:s5+s28], $0x40, s28, s28, $0xb8;
	[tilespmem:$0x11FA0] =	vst v63  }
0x10b: {  	_ =	swait.ge [sflag:s0], $0x2000  }
0x10c: {  	[sflag:s0] =	ssyncset.done $0x0  }
0x10d: {  	[sflag:s0] =	ssyncadd.s32 $0xFFFFE000  }
0x10e: {  	[spmem:s2] =	stream.indirect.scatter.add.bf16 [tilespmem:s29], [sflag:$0x5], $0x40, s4, s28, $0xb8;
	[tilespmem:$0x11FA0] =	vst v63  }
0x10f: {  	_ =	swait.ge [sflag:s25], $0x2000  }
0x110: {  	[sflag:s25] =	ssyncset.done $0x0  }
0x111: {  	[sflag:s25] =	ssyncadd.s32 $0xFFFFE000  }
0x112: {  	[spmem:s3] =	stream.indirect.scatter.add.f32 [tilespmem:s24], [sflag:$0x3], $0x10, s4, s28, $0xb8;
	[tilespmem:$0x11FA0] =	vst v63  }
0x113: {  	s14 =	simm.s32 $0x100  }
0x114: {  	[tilespmem:s29], [sflag:$0x1] =	stream.indirect.gather [hbm4b:s5+s28], $0x40, s14, s28, $0xb8;
	[tilespmem:$0x11FA0] =	vst v63  }
0x115: {  	_ =	swait.ge [sflag:s6], $0x2000  }
0x116: {  	[sflag:s6] =	ssyncset.done $0x0  }
0x117: {  	[sflag:s6] =	ssyncadd.s32 $0xFFFFE000  }
0x118: {  	[spmem:s2] =	stream.indirect.scatter.add.bf16 [tilespmem:s31], [sflag:$0x5], $0x40, s18, s28, $0xb8;
	[tilespmem:$0x11FA0] =	vst v63  }
0x119: {  	_ =	swait.ge [sflag:s25], $0x2000  }
0x11a: {  	[sflag:s25] =	ssyncset.done $0x0  }
0x11b: {  	[sflag:s25] =	ssyncadd.s32 $0xFFFFE000  }
0x11c: {  	[spmem:s3] =	stream.indirect.scatter.add.f32 [tilespmem:s24], [sflag:$0x3], $0x10, s18, s28, $0xb8;
	[tilespmem:$0x11FA0] =	vst v63  }
0x11d: {  	s14 =	simm.s32 $0x180  }
0x11e: {  	[tilespmem:s31], [sflag:$0x2] =	stream.indirect.gather [hbm4b:s5+s28], $0x40, s14, s28, $0xb8;
	[tilespmem:$0x11FA0] =	vst v63  }
0x11f: {  	_ =	swait.ge [sflag:s0], $0x2000  }
0x120: {  	[sflag:s0] =	ssyncset.done $0x0  }
0x121: {  	s14 =	simm.s32 $0xB00;
	[sflag:s0] =	ssyncadd.s32 $0xFFFFE000  }
0x122: {  	[spmem:s2] =	stream.indirect.scatter.add.bf16 [tilespmem:s29], [sflag:$0x5], $0x40, s14, s28, $0xb8;
	[tilespmem:$0x11FA0] =	vst v63  }
0x123: {  	_ =	swait.ge [sflag:s25], $0x2000  }
0x124: {  	[sflag:s25] =	ssyncset.done $0x0  }
0x125: {  	[sflag:s25] =	ssyncadd.s32 $0xFFFFE000  }
0x126: {  	[spmem:s3] =	stream.indirect.scatter.add.f32 [tilespmem:s24], [sflag:$0x3], $0x10, s14, s28, $0xb8;
	[tilespmem:$0x11FA0] =	vst v63  }
0x127: {  	s14 =	simm.s32 $0x200  }
0x128: {  	[tilespmem:s29], [sflag:$0x1] =	stream.indirect.gather [hbm4b:s5+s28], $0x40, s14, s28, $0xb8;
	[tilespmem:$0x11FA0] =	vst v63  }
0x129: {  	_ =	swait.ge [sflag:s6], $0x2000  }
0x12a: {  	[sflag:s6] =	ssyncset.done $0x0  }
0x12b: {  	s14 =	simm.s32 $0xB80;
	[sflag:s6] =	ssyncadd.s32 $0xFFFFE000  }
0x12c: {  	[spmem:s2] =	stream.indirect.scatter.add.bf16 [tilespmem:s31], [sflag:$0x5], $0x40, s14, s28, $0xb8;
	[tilespmem:$0x11FA0] =	vst v63  }
0x12d: {  	_ =	swait.ge [sflag:s25], $0x2000  }
0x12e: {  	[sflag:s25] =	ssyncset.done $0x0  }
0x12f: {  	[sflag:s25] =	ssyncadd.s32 $0xFFFFE000  }
0x130: {  	[spmem:s3] =	stream.indirect.scatter.add.f32 [tilespmem:s24], [sflag:$0x3], $0x10, s14, s28, $0xb8;
	[tilespmem:$0x11FA0] =	vst v63  }
0x131: {  	s14 =	simm.s32 $0x280  }
0x132: {  	[tilespmem:s31], [sflag:$0x2] =	stream.indirect.gather [hbm4b:s5+s28], $0x40, s14, s28, $0xb8;
	[tilespmem:$0x11FA0] =	vst v63  }
0x133: {  	_ =	swait.ge [sflag:s0], $0x2000  }
0x134: {  	[sflag:s0] =	ssyncset.done $0x0  }
0x135: {  	[sflag:s0] =	ssyncadd.s32 $0xFFFFE000  }
0x136: {  	[spmem:s2] =	stream.indirect.scatter.add.bf16 [tilespmem:s29], [sflag:$0x5], $0x40, s23, s28, $0xb8;
	[tilespmem:$0x11FA0] =	vst v63  }
0x137: {  	_ =	swait.ge [sflag:s25], $0x2000  }
0x138: {  	[sflag:s25] =	ssyncset.done $0x0  }
0x139: {  	[sflag:s25] =	ssyncadd.s32 $0xFFFFE000  }
0x13a: {  	[spmem:s3] =	stream.indirect.scatter.add.f32 [tilespmem:s24], [sflag:$0x3], $0x10, s23, s28, $0xb8;
	[tilespmem:$0x11FA0] =	vst v63  }
0x13b: {  	s14 =	simm.s32 $0x300  }
0x13c: {  	[tilespmem:s29], [sflag:$0x1] =	stream.indirect.gather [hbm4b:s5+s28], $0x40, s14, s28, $0xb8;
	[tilespmem:$0x11FA0] =	vst v63  }
0x13d: {  	_ =	swait.ge [sflag:s6], $0x2000  }
0x13e: {  	[sflag:s6] =	ssyncset.done $0x0  }
0x13f: {  	s14 =	simm.s32 $0xC80;
	[sflag:s6] =	ssyncadd.s32 $0xFFFFE000  }
0x140: {  	[spmem:s2] =	stream.indirect.scatter.add.bf16 [tilespmem:s31], [sflag:$0x5], $0x40, s14, s28, $0xb8;
	[tilespmem:$0x11FA0] =	vst v63  }
0x141: {  	_ =	swait.ge [sflag:s25], $0x2000  }
0x142: {  	[sflag:s25] =	ssyncset.done $0x0  }
0x143: {  	[sflag:s25] =	ssyncadd.s32 $0xFFFFE000  }
0x144: {  	[spmem:s3] =	stream.indirect.scatter.add.f32 [tilespmem:s24], [sflag:$0x3], $0x10, s14, s28, $0xb8;
	[tilespmem:$0x11FA0] =	vst v63  }
0x145: {  	s14 =	simm.s32 $0x380  }
0x146: {  	[tilespmem:s31], [sflag:$0x2] =	stream.indirect.gather [hbm4b:s5+s28], $0x40, s14, s28, $0xb8;
	[tilespmem:$0x11FA0] =	vst v63  }
0x147: {  	_ =	swait.ge [sflag:s0], $0x2000  }
0x148: {  	[sflag:s0] =	ssyncset.done $0x0  }
0x149: {  	[sflag:s0] =	ssyncadd.s32 $0xFFFFE000  }
0x14a: {  	[spmem:s2] =	stream.indirect.scatter.add.bf16 [tilespmem:s29], [sflag:$0x5], $0x40, s15, s28, $0xb8;
	[tilespmem:$0x11FA0] =	vst v63  }
0x14b: {  	_ =	swait.ge [sflag:s25], $0x2000  }
0x14c: {  	[sflag:s25] =	ssyncset.done $0x0  }
0x14d: {  	[sflag:s25] =	ssyncadd.s32 $0xFFFFE000  }
0x14e: {  	[spmem:s3] =	stream.indirect.scatter.add.f32 [tilespmem:s24], [sflag:$0x3], $0x10, s15, s28, $0xb8;
	[tilespmem:$0x11FA0] =	vst v63  }
0x14f: {  	s14 =	simm.s32 $0x400  }
0x150: {  	[tilespmem:s29], [sflag:$0x1] =	stream.indirect.gather [hbm4b:s5+s28], $0x40, s14, s28, $0xb8;
	[tilespmem:$0x11FA0] =	vst v63  }
0x151: {  	_ =	swait.ge [sflag:s6], $0x2000  }
0x152: {  	[sflag:s6] =	ssyncset.done $0x0  }
0x153: {  	[sflag:s6] =	ssyncadd.s32 $0xFFFFE000  }
0x154: {  	[spmem:s2] =	stream.indirect.scatter.add.bf16 [tilespmem:s31], [sflag:$0x5], $0x40, s19, s28, $0xb8;
	[tilespmem:$0x11FA0] =	vst v63  }
0x155: {  	_ =	swait.ge [sflag:s25], $0x2000  }
0x156: {  	[sflag:s25] =	ssyncset.done $0x0  }
0x157: {  	[sflag:s25] =	ssyncadd.s32 $0xFFFFE000  }
0x158: {  	[spmem:s3] =	stream.indirect.scatter.add.f32 [tilespmem:s24], [sflag:$0x3], $0x10, s19, s28, $0xb8;
	[tilespmem:$0x11FA0] =	vst v63  }
0x159: {  	s14 =	simm.s32 $0x480  }
0x15a: {  	[tilespmem:s31], [sflag:$0x2] =	stream.indirect.gather [hbm4b:s5+s28], $0x40, s14, s28, $0xb8;
	[tilespmem:$0x11FA0] =	vst v63  }
0x15b: {  	_ =	swait.ge [sflag:s0], $0x2000  }
0x15c: {  	[sflag:s0] =	ssyncset.done $0x0  }
0x15d: {  	[sflag:s0] =	ssyncadd.s32 $0xFFFFE000  }
0x15e: {  	[spmem:s2] =	stream.indirect.scatter.add.bf16 [tilespmem:s29], [sflag:$0x5], $0x40, s11, s28, $0xb8;
	[tilespmem:$0x11FA0] =	vst v63  }
0x15f: {  	_ =	swait.ge [sflag:s25], $0x2000  }
0x160: {  	[sflag:s25] =	ssyncset.done $0x0  }
0x161: {  	[sflag:s25] =	ssyncadd.s32 $0xFFFFE000  }
0x162: {  	[spmem:s3] =	stream.indirect.scatter.add.f32 [tilespmem:s24], [sflag:$0x3], $0x10, s11, s28, $0xb8;
	[tilespmem:$0x11FA0] =	vst v63  }
0x163: {  	s14 =	simm.s32 $0x500  }
0x164: {  	[tilespmem:s29], [sflag:$0x1] =	stream.indirect.gather [hbm4b:s5+s28], $0x40, s14, s28, $0xb8;
	[tilespmem:$0x11FA0] =	vst v63  }
0x165: {  	_ =	swait.ge [sflag:s6], $0x2000  }
0x166: {  	[sflag:s6] =	ssyncset.done $0x0  }
0x167: {  	[sflag:s6] =	ssyncadd.s32 $0xFFFFE000  }
0x168: {  	[spmem:s2] =	stream.indirect.scatter.add.bf16 [tilespmem:s31], [sflag:$0x5], $0x40, s16, s28, $0xb8;
	[tilespmem:$0x11FA0] =	vst v63  }
0x169: {  	_ =	swait.ge [sflag:s25], $0x2000  }
0x16a: {  	[sflag:s25] =	ssyncset.done $0x0  }
0x16b: {  	[sflag:s25] =	ssyncadd.s32 $0xFFFFE000  }
0x16c: {  	[spmem:s3] =	stream.indirect.scatter.add.f32 [tilespmem:s24], [sflag:$0x3], $0x10, s16, s28, $0xb8;
	[tilespmem:$0x11FA0] =	vst v63  }
0x16d: {  	s14 =	simm.s32 $0x580  }
0x16e: {  	[tilespmem:s31], [sflag:$0x2] =	stream.indirect.gather [hbm4b:s5+s28], $0x40, s14, s28, $0xb8;
	[tilespmem:$0x11FA0] =	vst v63  }
0x16f: {  	_ =	swait.ge [sflag:s0], $0x2000  }
0x170: {  	[sflag:s0] =	ssyncset.done $0x0  }
0x171: {  	[sflag:s0] =	ssyncadd.s32 $0xFFFFE000  }
0x172: {  	[spmem:s2] =	stream.indirect.scatter.add.bf16 [tilespmem:s29], [sflag:$0x5], $0x40, s17, s28, $0xb8;
	[tilespmem:$0x11FA0] =	vst v63  }
0x173: {  	_ =	swait.ge [sflag:s25], $0x2000  }
0x174: {  	[sflag:s25] =	ssyncset.done $0x0  }
0x175: {  	[sflag:s25] =	ssyncadd.s32 $0xFFFFE000  }
0x176: {  	[spmem:s3] =	stream.indirect.scatter.add.f32 [tilespmem:s24], [sflag:$0x3], $0x10, s17, s28, $0xb8;
	[tilespmem:$0x11FA0] =	vst v63  }
0x177: {  	s14 =	simm.s32 $0x600  }
0x178: {  	[tilespmem:s29], [sflag:$0x1] =	stream.indirect.gather [hbm4b:s5+s28], $0x40, s14, s28, $0xb8;
	[tilespmem:$0x11FA0] =	vst v63  }
0x179: {  	_ =	swait.ge [sflag:s6], $0x2000  }
0x17a: {  	[sflag:s6] =	ssyncset.done $0x0  }
0x17b: {  	[sflag:s6] =	ssyncadd.s32 $0xFFFFE000  }
0x17c: {  	[spmem:s2] =	stream.indirect.scatter.add.bf16 [tilespmem:s31], [sflag:$0x5], $0x40, s22, s28, $0xb8;
	[tilespmem:$0x11FA0] =	vst v63  }
0x17d: {  	_ =	swait.ge [sflag:s25], $0x2000  }
0x17e: {  	[sflag:s25] =	ssyncset.done $0x0  }
0x17f: {  	[sflag:s25] =	ssyncadd.s32 $0xFFFFE000  }
0x180: {  	[spmem:s3] =	stream.indirect.scatter.add.f32 [tilespmem:s24], [sflag:$0x3], $0x10, s22, s28, $0xb8;
	[tilespmem:$0x11FA0] =	vst v63  }
0x181: {  	s14 =	simm.s32 $0x680  }
0x182: {  	[tilespmem:s31], [sflag:$0x2] =	stream.indirect.gather [hbm4b:s5+s28], $0x40, s14, s28, $0xb8;
	[tilespmem:$0x11FA0] =	vst v63  }
0x183: {  	_ =	swait.ge [sflag:s0], $0x2000  }
0x184: {  	[sflag:s0] =	ssyncset.done $0x0  }
0x185: {  	[sflag:s0] =	ssyncadd.s32 $0xFFFFE000  }
0x186: {  	[spmem:s2] =	stream.indirect.scatter.add.bf16 [tilespmem:s29], [sflag:$0x5], $0x40, s21, s28, $0xb8;
	[tilespmem:$0x11FA0] =	vst v63  }
0x187: {  	_ =	swait.ge [sflag:s25], $0x2000  }
0x188: {  	[sflag:s25] =	ssyncset.done $0x0  }
0x189: {  	[sflag:s25] =	ssyncadd.s32 $0xFFFFE000  }
0x18a: {  	[spmem:s3] =	stream.indirect.scatter.add.f32 [tilespmem:s24], [sflag:$0x3], $0x10, s21, s28, $0xb8;
	[tilespmem:$0x11FA0] =	vst v63  }
0x18b: {  	s14 =	simm.s32 $0x700  }
0x18c: {  	[tilespmem:s29], [sflag:$0x1] =	stream.indirect.gather [hbm4b:s5+s28], $0x40, s14, s28, $0xb8;
	[tilespmem:$0x11FA0] =	vst v63  }
0x18d: {  	_ =	swait.ge [sflag:s6], $0x2000  }
0x18e: {  	[sflag:s6] =	ssyncset.done $0x0  }
0x18f: {  	[sflag:s6] =	ssyncadd.s32 $0xFFFFE000  }
0x190: {  	[spmem:s2] =	stream.indirect.scatter.add.bf16 [tilespmem:s31], [sflag:$0x5], $0x40, s13, s28, $0xb8;
	[tilespmem:$0x11FA0] =	vst v63  }
0x191: {  	_ =	swait.ge [sflag:s25], $0x2000  }
0x192: {  	[sflag:s25] =	ssyncset.done $0x0  }
0x193: {  	[sflag:s25] =	ssyncadd.s32 $0xFFFFE000  }
0x194: {  	[spmem:s3] =	stream.indirect.scatter.add.f32 [tilespmem:s24], [sflag:$0x3], $0x10, s13, s28, $0xb8;
	[tilespmem:$0x11FA0] =	vst v63  }
0x195: {  	s14 =	simm.s32 $0x780  }
0x196: {  	[tilespmem:s31], [sflag:$0x2] =	stream.indirect.gather [hbm4b:s5+s28], $0x40, s14, s28, $0xb8;
	[tilespmem:$0x11FA0] =	vst v63  }
0x197: {  	_ =	swait.ge [sflag:s0], $0x2000  }
0x198: {  	[sflag:s0] =	ssyncset.done $0x0  }
0x199: {  	[sflag:s0] =	ssyncadd.s32 $0xFFFFE000  }
0x19a: {  	[spmem:s2] =	stream.indirect.scatter.add.bf16 [tilespmem:s29], [sflag:$0x5], $0x40, s30, s28, $0xb8;
	[tilespmem:$0x11FA0] =	vst v63  }
0x19b: {  	_ =	swait.ge [sflag:s25], $0x2000  }
0x19c: {  	[sflag:s25] =	ssyncset.done $0x0  }
0x19d: {  	[sflag:s25] =	ssyncadd.s32 $0xFFFFE000  }
0x19e: {  	[spmem:s3] =	stream.indirect.scatter.add.f32 [tilespmem:s24], [sflag:$0x3], $0x10, s30, s28, $0xb8;
	[tilespmem:$0x11FA0] =	vst v63  }
0x19f: {  	s14 =	simm.s32 $0x800  }
0x1a0: {  	[tilespmem:s29], [sflag:$0x1] =	stream.indirect.gather [hbm4b:s5+s28], $0x40, s14, s28, $0xb8;
	[tilespmem:$0x11FA0] =	vst v63  }
0x1a1: {  	_ =	swait.ge [sflag:s6], $0x2000  }
0x1a2: {  	[sflag:s6] =	ssyncset.done $0x0  }
0x1a3: {  	[sflag:s6] =	ssyncadd.s32 $0xFFFFE000  }
0x1a4: {  	[spmem:s2] =	stream.indirect.scatter.add.bf16 [tilespmem:s31], [sflag:$0x5], $0x40, s26, s28, $0xb8;
	[tilespmem:$0x11FA0] =	vst v63  }
0x1a5: {  	_ =	swait.ge [sflag:s25], $0x2000  }
0x1a6: {  	[sflag:s25] =	ssyncset.done $0x0  }
0x1a7: {  	[sflag:s25] =	ssyncadd.s32 $0xFFFFE000  }
0x1a8: {  	[spmem:s3] =	stream.indirect.scatter.add.f32 [tilespmem:s24], [sflag:$0x3], $0x10, s26, s28, $0xb8;
	[tilespmem:$0x11FA0] =	vst v63  }
0x1a9: {  	s14 =	simm.s32 $0x880  }
0x1aa: {  	[tilespmem:s31], [sflag:$0x2] =	stream.indirect.gather [hbm4b:s5+s28], $0x40, s14, s28, $0xb8;
	[tilespmem:$0x11FA0] =	vst v63  }
0x1ab: {  	_ =	swait.ge [sflag:s0], $0x2000  }
0x1ac: {  	[sflag:s0] =	ssyncset.done $0x0  }
0x1ad: {  	[sflag:s0] =	ssyncadd.s32 $0xFFFFE000  }
0x1ae: {  	[spmem:s2] =	stream.indirect.scatter.add.bf16 [tilespmem:s29], [sflag:$0x5], $0x40, s20, s28, $0xb8;
	[tilespmem:$0x11FA0] =	vst v63  }
0x1af: {  	_ =	swait.ge [sflag:s25], $0x2000  }
0x1b0: {  	[sflag:s25] =	ssyncset.done $0x0  }
0x1b1: {  	[sflag:s25] =	ssyncadd.s32 $0xFFFFE000  }
0x1b2: {  	[spmem:s3] =	stream.indirect.scatter.add.f32 [tilespmem:s24], [sflag:$0x3], $0x10, s20, s28, $0xb8;
	[tilespmem:$0x11FA0] =	vst v63  }
0x1b3: {  	s14 =	simm.s32 $0x900  }
0x1b4: {  	[tilespmem:s29], [sflag:$0x1] =	stream.indirect.gather [hbm4b:s5+s28], $0x40, s14, s28, $0xb8;
	[tilespmem:$0x11FA0] =	vst v63  }
0x1b5: {  	_ =	swait.ge [sflag:s6], $0x2000  }
0x1b6: {  	[sflag:s6] =	ssyncset.done $0x0  }
0x1b7: {  	[sflag:s6] =	ssyncadd.s32 $0xFFFFE000  }
0x1b8: {  	[spmem:s2] =	stream.indirect.scatter.add.bf16 [tilespmem:s31], [sflag:$0x5], $0x40, s12, s28, $0xb8;
	[tilespmem:$0x11FA0] =	vst v63  }
0x1b9: {  	_ =	swait.ge [sflag:s25], $0x2000  }
0x1ba: {  	[sflag:s25] =	ssyncset.done $0x0  }
0x1bb: {  	[sflag:s25] =	ssyncadd.s32 $0xFFFFE000  }
0x1bc: {  	[spmem:s3] =	stream.indirect.scatter.add.f32 [tilespmem:s24], [sflag:$0x3], $0x10, s12, s28, $0xb8;
	[tilespmem:$0x11FA0] =	vst v63  }
0x1bd: {  	s14 =	simm.s32 $0x980  }
0x1be: {  	[tilespmem:s31], [sflag:$0x2] =	stream.indirect.gather [hbm4b:s5+s28], $0x40, s14, s28, $0xb8;
	[tilespmem:$0x11FA0] =	vst v63  }
0x1bf: {  	_ =	swait.ge [sflag:s0], $0x2000  }
0x1c0: {  	[sflag:s0] =	ssyncset.done $0x0  }
0x1c1: {  	[sflag:s0] =	ssyncadd.s32 $0xFFFFE000  }
0x1c2: {  	[spmem:s2] =	stream.indirect.scatter.add.bf16 [tilespmem:s29], [sflag:$0x5], $0x40, s8, s28, $0xb8;
	[tilespmem:$0x11FA0] =	vst v63  }
0x1c3: {  	_ =	swait.ge [sflag:s25], $0x2000  }
0x1c4: {  	[sflag:s25] =	ssyncset.done $0x0  }
0x1c5: {  	[sflag:s25] =	ssyncadd.s32 $0xFFFFE000  }
0x1c6: {  	[spmem:s3] =	stream.indirect.scatter.add.f32 [tilespmem:s24], [sflag:$0x3], $0x10, s8, s28, $0xb8;
	[tilespmem:$0x11FA0] =	vst v63  }
0x1c7: {  	_ =	swait.ge [sflag:s6], $0x2000  }
0x1c8: {  	[sflag:s6] =	ssyncset.done $0x0  }
0x1c9: {  	[sflag:s6] =	ssyncadd.s32 $0xFFFFE000  }
0x1ca: {  	[spmem:s2] =	stream.indirect.scatter.add.bf16 [tilespmem:s31], [sflag:$0x5], $0x40, s9, s28, $0xb8;
	[tilespmem:$0x11FA0] =	vst v63  }
0x1cb: {  	_ =	swait.ge [sflag:s25], $0x2000  }
0x1cc: {  	[sflag:s25] =	ssyncset.done $0x0  }
0x1cd: {  	[sflag:s25] =	ssyncadd.s32 $0xFFFFE000  }
0x1ce: {  	[spmem:s3] =	stream.indirect.scatter.add.f32 [tilespmem:s24], [sflag:$0x3], $0x10, s9, s28, $0xb8;
	[tilespmem:$0x11FA0] =	vst v63  }
0x1cf: {  	s8 =	rddreg [dreg:$0xe]  }
0x1d0: {  	[tilespmem:s1], [sflag:$0x5] =	stream.linear.gather [hbm4b:s8+s1], $0xA00, $0x38;
	[tilespmem:$0x11FA0] =	vst v63  }
0x1d1: {  	_ =	swait.ge [sflag:s25], $0xA00  }
0x1d2: {  	[sflag:s25] =	ssyncset.done $0x0  }
0x1d3: {  	s9 =	rddreg [dreg:$0xf];
	[sflag:s25] =	ssyncadd.s32 $0xFFFFF600  }
0x1d4: {  	[tilespmem:s4], [sflag:$0x5] =	stream.linear.gather [hbm4b:s9+s1], $0xA00, $0x38;
	[tilespmem:$0x11FA0] =	vst v63  }
0x1d5: {  	_ =	swait.ge [sflag:s25], $0xA00  }
0x1d6: {  	[sflag:s25] =	ssyncset.done $0x0  }
0x1d7: {  	[sflag:s25] =	ssyncadd.s32 $0xFFFFF600  }
0x1d8: {  	[tilespmem:s29], [sflag:$0x1] =	stream.indirect.gather [hbm4b:s5+s28], $0x40, s1, s28, $0xb8;
	[tilespmem:$0x11FA0] =	vst v63  }
0x1d9: {  	_ = 	snop  }
0x1da: {  	[tilespmem:s31], [sflag:$0x2] =	stream.indirect.gather [hbm4b:s5+s28], $0x40, s28, s28, $0xb8;
	[tilespmem:$0x11FA0] =	vst v63  }
0x1db: {  	_ =	swait.ge [sflag:s0], $0x2000  }
0x1dc: {  	[sflag:s0] =	ssyncset.done $0x0  }
0x1dd: {  	[sflag:s0] =	ssyncadd.s32 $0xFFFFE000  }
0x1de: {  	[spmem:s2] =	stream.indirect.scatter.add.bf16 [tilespmem:s29], [sflag:$0x5], $0x40, s4, s28, $0xb8;
	[tilespmem:$0x11FA0] =	vst v63  }
0x1df: {  	_ =	swait.ge [sflag:s25], $0x2000  }
0x1e0: {  	[sflag:s25] =	ssyncset.done $0x0  }
0x1e1: {  	[sflag:s25] =	ssyncadd.s32 $0xFFFFE000  }
0x1e2: {  	[spmem:s3] =	stream.indirect.scatter.add.f32 [tilespmem:s24], [sflag:$0x3], $0x10, s4, s28, $0xb8;
	[tilespmem:$0x11FA0] =	vst v63  }
0x1e3: {  	s12 =	simm.s32 $0x100  }
0x1e4: {  	[tilespmem:s29], [sflag:$0x1] =	stream.indirect.gather [hbm4b:s5+s28], $0x40, s12, s28, $0xb8;
	[tilespmem:$0x11FA0] =	vst v63  }
0x1e5: {  	_ =	swait.ge [sflag:s6], $0x2000  }
0x1e6: {  	[sflag:s6] =	ssyncset.done $0x0  }
0x1e7: {  	[sflag:s6] =	ssyncadd.s32 $0xFFFFE000  }
0x1e8: {  	[spmem:s2] =	stream.indirect.scatter.add.bf16 [tilespmem:s31], [sflag:$0x5], $0x40, s18, s28, $0xb8;
	[tilespmem:$0x11FA0] =	vst v63  }
0x1e9: {  	_ =	swait.ge [sflag:s25], $0x2000  }
0x1ea: {  	[sflag:s25] =	ssyncset.done $0x0  }
0x1eb: {  	[sflag:s25] =	ssyncadd.s32 $0xFFFFE000  }
0x1ec: {  	[spmem:s3] =	stream.indirect.scatter.add.f32 [tilespmem:s24], [sflag:$0x3], $0x10, s18, s28, $0xb8;
	[tilespmem:$0x11FA0] =	vst v63  }
0x1ed: {  	s14 =	simm.s32 $0x180  }
0x1ee: {  	[tilespmem:s31], [sflag:$0x2] =	stream.indirect.gather [hbm4b:s5+s28], $0x40, s14, s28, $0xb8;
	[tilespmem:$0x11FA0] =	vst v63  }
0x1ef: {  	_ =	swait.ge [sflag:s0], $0x2000  }
0x1f0: {  	[sflag:s0] =	ssyncset.done $0x0  }
0x1f1: {  	s9 =	simm.s32 $0xB00;
	[sflag:s0] =	ssyncadd.s32 $0xFFFFE000  }
0x1f2: {  	[spmem:s2] =	stream.indirect.scatter.add.bf16 [tilespmem:s29], [sflag:$0x5], $0x40, s9, s28, $0xb8;
	[tilespmem:$0x11FA0] =	vst v63  }
0x1f3: {  	_ =	swait.ge [sflag:s25], $0x2000  }
0x1f4: {  	[sflag:s25] =	ssyncset.done $0x0  }
0x1f5: {  	[sflag:s25] =	ssyncadd.s32 $0xFFFFE000  }
0x1f6: {  	[spmem:s3] =	stream.indirect.scatter.add.f32 [tilespmem:s24], [sflag:$0x3], $0x10, s9, s28, $0xb8;
	[tilespmem:$0x11FA0] =	vst v63  }
0x1f7: {  	s12 =	simm.s32 $0x200  }
0x1f8: {  	[tilespmem:s29], [sflag:$0x1] =	stream.indirect.gather [hbm4b:s5+s28], $0x40, s12, s28, $0xb8;
	[tilespmem:$0x11FA0] =	vst v63  }
0x1f9: {  	_ =	swait.ge [sflag:s6], $0x2000  }
0x1fa: {  	[sflag:s6] =	ssyncset.done $0x0  }
0x1fb: {  	s14 =	simm.s32 $0xB80;
	[sflag:s6] =	ssyncadd.s32 $0xFFFFE000  }
0x1fc: {  	[spmem:s2] =	stream.indirect.scatter.add.bf16 [tilespmem:s31], [sflag:$0x5], $0x40, s14, s28, $0xb8;
	[tilespmem:$0x11FA0] =	vst v63  }
0x1fd: {  	_ =	swait.ge [sflag:s25], $0x2000  }
0x1fe: {  	[sflag:s25] =	ssyncset.done $0x0  }
0x1ff: {  	[sflag:s25] =	ssyncadd.s32 $0xFFFFE000  }
0x200: {  	[spmem:s3] =	stream.indirect.scatter.add.f32 [tilespmem:s24], [sflag:$0x3], $0x10, s14, s28, $0xb8;
	[tilespmem:$0x11FA0] =	vst v63  }
0x201: {  	s9 =	simm.s32 $0x280  }
0x202: {  	[tilespmem:s31], [sflag:$0x2] =	stream.indirect.gather [hbm4b:s5+s28], $0x40, s9, s28, $0xb8;
	[tilespmem:$0x11FA0] =	vst v63  }
0x203: {  	_ =	swait.ge [sflag:s0], $0x2000  }
0x204: {  	[sflag:s0] =	ssyncset.done $0x0  }
0x205: {  	[sflag:s0] =	ssyncadd.s32 $0xFFFFE000  }
0x206: {  	[spmem:s2] =	stream.indirect.scatter.add.bf16 [tilespmem:s29], [sflag:$0x5], $0x40, s23, s28, $0xb8;
	[tilespmem:$0x11FA0] =	vst v63  }
0x207: {  	_ =	swait.ge [sflag:s25], $0x2000  }
0x208: {  	[sflag:s25] =	ssyncset.done $0x0  }
0x209: {  	[sflag:s25] =	ssyncadd.s32 $0xFFFFE000  }
0x20a: {  	[spmem:s3] =	stream.indirect.scatter.add.f32 [tilespmem:s24], [sflag:$0x3], $0x10, s23, s28, $0xb8;
	[tilespmem:$0x11FA0] =	vst v63  }
0x20b: {  	s12 =	simm.s32 $0x300  }
0x20c: {  	[tilespmem:s29], [sflag:$0x1] =	stream.indirect.gather [hbm4b:s5+s28], $0x40, s12, s28, $0xb8;
	[tilespmem:$0x11FA0] =	vst v63  }
0x20d: {  	_ =	swait.ge [sflag:s6], $0x2000  }
0x20e: {  	[sflag:s6] =	ssyncset.done $0x0  }
0x20f: {  	s14 =	simm.s32 $0xC80;
	[sflag:s6] =	ssyncadd.s32 $0xFFFFE000  }
0x210: {  	[spmem:s2] =	stream.indirect.scatter.add.bf16 [tilespmem:s31], [sflag:$0x5], $0x40, s14, s28, $0xb8;
	[tilespmem:$0x11FA0] =	vst v63  }
0x211: {  	_ =	swait.ge [sflag:s25], $0x2000  }
0x212: {  	[sflag:s25] =	ssyncset.done $0x0  }
0x213: {  	[sflag:s25] =	ssyncadd.s32 $0xFFFFE000  }
0x214: {  	[spmem:s3] =	stream.indirect.scatter.add.f32 [tilespmem:s24], [sflag:$0x3], $0x10, s14, s28, $0xb8;
	[tilespmem:$0x11FA0] =	vst v63  }
0x215: {  	s9 =	simm.s32 $0x380  }
0x216: {  	[tilespmem:s31], [sflag:$0x2] =	stream.indirect.gather [hbm4b:s5+s28], $0x40, s9, s28, $0xb8;
	[tilespmem:$0x11FA0] =	vst v63  }
0x217: {  	_ =	swait.ge [sflag:s0], $0x2000  }
0x218: {  	[sflag:s0] =	ssyncset.done $0x0  }
0x219: {  	[sflag:s0] =	ssyncadd.s32 $0xFFFFE000  }
0x21a: {  	[spmem:s2] =	stream.indirect.scatter.add.bf16 [tilespmem:s29], [sflag:$0x5], $0x40, s15, s28, $0xb8;
	[tilespmem:$0x11FA0] =	vst v63  }
0x21b: {  	_ =	swait.ge [sflag:s25], $0x2000  }
0x21c: {  	[sflag:s25] =	ssyncset.done $0x0  }
0x21d: {  	[sflag:s25] =	ssyncadd.s32 $0xFFFFE000  }
0x21e: {  	[spmem:s3] =	stream.indirect.scatter.add.f32 [tilespmem:s24], [sflag:$0x3], $0x10, s15, s28, $0xb8;
	[tilespmem:$0x11FA0] =	vst v63  }
0x21f: {  	s12 =	simm.s32 $0x400  }
0x220: {  	[tilespmem:s29], [sflag:$0x1] =	stream.indirect.gather [hbm4b:s5+s28], $0x40, s12, s28, $0xb8;
	[tilespmem:$0x11FA0] =	vst v63  }
0x221: {  	_ =	swait.ge [sflag:s6], $0x2000  }
0x222: {  	[sflag:s6] =	ssyncset.done $0x0  }
0x223: {  	[sflag:s6] =	ssyncadd.s32 $0xFFFFE000  }
0x224: {  	[spmem:s2] =	stream.indirect.scatter.add.bf16 [tilespmem:s31], [sflag:$0x5], $0x40, s19, s28, $0xb8;
	[tilespmem:$0x11FA0] =	vst v63  }
0x225: {  	_ =	swait.ge [sflag:s25], $0x2000  }
0x226: {  	[sflag:s25] =	ssyncset.done $0x0  }
0x227: {  	[sflag:s25] =	ssyncadd.s32 $0xFFFFE000  }
0x228: {  	[spmem:s3] =	stream.indirect.scatter.add.f32 [tilespmem:s24], [sflag:$0x3], $0x10, s19, s28, $0xb8;
	[tilespmem:$0x11FA0] =	vst v63  }
0x229: {  	s14 =	simm.s32 $0x480  }
0x22a: {  	[tilespmem:s31], [sflag:$0x2] =	stream.indirect.gather [hbm4b:s5+s28], $0x40, s14, s28, $0xb8;
	[tilespmem:$0x11FA0] =	vst v63  }
0x22b: {  	_ =	swait.ge [sflag:s0], $0x2000  }
0x22c: {  	[sflag:s0] =	ssyncset.done $0x0  }
0x22d: {  	[sflag:s0] =	ssyncadd.s32 $0xFFFFE000  }
0x22e: {  	[spmem:s2] =	stream.indirect.scatter.add.bf16 [tilespmem:s29], [sflag:$0x5], $0x40, s11, s28, $0xb8;
	[tilespmem:$0x11FA0] =	vst v63  }
0x22f: {  	_ =	swait.ge [sflag:s25], $0x2000  }
0x230: {  	[sflag:s25] =	ssyncset.done $0x0  }
0x231: {  	[sflag:s25] =	ssyncadd.s32 $0xFFFFE000  }
0x232: {  	[spmem:s3] =	stream.indirect.scatter.add.f32 [tilespmem:s24], [sflag:$0x3], $0x10, s11, s28, $0xb8;
	[tilespmem:$0x11FA0] =	vst v63  }
0x233: {  	s9 =	simm.s32 $0x500  }
0x234: {  	[tilespmem:s29], [sflag:$0x1] =	stream.indirect.gather [hbm4b:s5+s28], $0x40, s9, s28, $0xb8;
	[tilespmem:$0x11FA0] =	vst v63  }
0x235: {  	_ =	swait.ge [sflag:s6], $0x2000  }
0x236: {  	[sflag:s6] =	ssyncset.done $0x0  }
0x237: {  	[sflag:s6] =	ssyncadd.s32 $0xFFFFE000  }
0x238: {  	[spmem:s2] =	stream.indirect.scatter.add.bf16 [tilespmem:s31], [sflag:$0x5], $0x40, s16, s28, $0xb8;
	[tilespmem:$0x11FA0] =	vst v63  }
0x239: {  	_ =	swait.ge [sflag:s25], $0x2000  }
0x23a: {  	[sflag:s25] =	ssyncset.done $0x0  }
0x23b: {  	[sflag:s25] =	ssyncadd.s32 $0xFFFFE000  }
0x23c: {  	[spmem:s3] =	stream.indirect.scatter.add.f32 [tilespmem:s24], [sflag:$0x3], $0x10, s16, s28, $0xb8;
	[tilespmem:$0x11FA0] =	vst v63  }
0x23d: {  	s12 =	simm.s32 $0x580  }
0x23e: {  	[tilespmem:s31], [sflag:$0x2] =	stream.indirect.gather [hbm4b:s5+s28], $0x40, s12, s28, $0xb8;
	[tilespmem:$0x11FA0] =	vst v63  }
0x23f: {  	_ =	swait.ge [sflag:s0], $0x2000  }
0x240: {  	[sflag:s0] =	ssyncset.done $0x0  }
0x241: {  	[sflag:s0] =	ssyncadd.s32 $0xFFFFE000  }
0x242: {  	[spmem:s2] =	stream.indirect.scatter.add.bf16 [tilespmem:s29], [sflag:$0x5], $0x40, s17, s28, $0xb8;
	[tilespmem:$0x11FA0] =	vst v63  }
0x243: {  	_ =	swait.ge [sflag:s25], $0x2000  }
0x244: {  	[sflag:s25] =	ssyncset.done $0x0  }
0x245: {  	[sflag:s25] =	ssyncadd.s32 $0xFFFFE000  }
0x246: {  	[spmem:s3] =	stream.indirect.scatter.add.f32 [tilespmem:s24], [sflag:$0x3], $0x10, s17, s28, $0xb8;
	[tilespmem:$0x11FA0] =	vst v63  }
0x247: {  	s14 =	simm.s32 $0x600  }
0x248: {  	[tilespmem:s29], [sflag:$0x1] =	stream.indirect.gather [hbm4b:s5+s28], $0x40, s14, s28, $0xb8;
	[tilespmem:$0x11FA0] =	vst v63  }
0x249: {  	_ =	swait.ge [sflag:s6], $0x2000  }
0x24a: {  	[sflag:s6] =	ssyncset.done $0x0  }
0x24b: {  	[sflag:s6] =	ssyncadd.s32 $0xFFFFE000  }
0x24c: {  	[spmem:s2] =	stream.indirect.scatter.add.bf16 [tilespmem:s31], [sflag:$0x5], $0x40, s22, s28, $0xb8;
	[tilespmem:$0x11FA0] =	vst v63  }
0x24d: {  	_ =	swait.ge [sflag:s25], $0x2000  }
0x24e: {  	[sflag:s25] =	ssyncset.done $0x0  }
0x24f: {  	[sflag:s25] =	ssyncadd.s32 $0xFFFFE000  }
0x250: {  	[spmem:s3] =	stream.indirect.scatter.add.f32 [tilespmem:s24], [sflag:$0x3], $0x10, s22, s28, $0xb8;
	[tilespmem:$0x11FA0] =	vst v63  }
0x251: {  	s9 =	simm.s32 $0x680  }
0x252: {  	[tilespmem:s31], [sflag:$0x2] =	stream.indirect.gather [hbm4b:s5+s28], $0x40, s9, s28, $0xb8;
	[tilespmem:$0x11FA0] =	vst v63  }
0x253: {  	_ =	swait.ge [sflag:s0], $0x2000  }
0x254: {  	[sflag:s0] =	ssyncset.done $0x0  }
0x255: {  	[sflag:s0] =	ssyncadd.s32 $0xFFFFE000  }
0x256: {  	[spmem:s2] =	stream.indirect.scatter.add.bf16 [tilespmem:s29], [sflag:$0x5], $0x40, s21, s28, $0xb8;
	[tilespmem:$0x11FA0] =	vst v63  }
0x257: {  	_ =	swait.ge [sflag:s25], $0x2000  }
0x258: {  	[sflag:s25] =	ssyncset.done $0x0  }
0x259: {  	[sflag:s25] =	ssyncadd.s32 $0xFFFFE000  }
0x25a: {  	[spmem:s3] =	stream.indirect.scatter.add.f32 [tilespmem:s24], [sflag:$0x3], $0x10, s21, s28, $0xb8;
	[tilespmem:$0x11FA0] =	vst v63  }
0x25b: {  	s12 =	simm.s32 $0x700  }
0x25c: {  	[tilespmem:s29], [sflag:$0x1] =	stream.indirect.gather [hbm4b:s5+s28], $0x40, s12, s28, $0xb8;
	[tilespmem:$0x11FA0] =	vst v63  }
0x25d: {  	_ =	swait.ge [sflag:s6], $0x2000  }
0x25e: {  	[sflag:s6] =	ssyncset.done $0x0  }
0x25f: {  	[sflag:s6] =	ssyncadd.s32 $0xFFFFE000  }
0x260: {  	[spmem:s2] =	stream.indirect.scatter.add.bf16 [tilespmem:s31], [sflag:$0x5], $0x40, s13, s28, $0xb8;
	[tilespmem:$0x11FA0] =	vst v63  }
0x261: {  	_ =	swait.ge [sflag:s25], $0x2000  }
0x262: {  	[sflag:s25] =	ssyncset.done $0x0  }
0x263: {  	[sflag:s25] =	ssyncadd.s32 $0xFFFFE000  }
0x264: {  	[spmem:s3] =	stream.indirect.scatter.add.f32 [tilespmem:s24], [sflag:$0x3], $0x10, s13, s28, $0xb8;
	[tilespmem:$0x11FA0] =	vst v63  }
0x265: {  	s14 =	simm.s32 $0x780  }
0x266: {  	[tilespmem:s31], [sflag:$0x2] =	stream.indirect.gather [hbm4b:s5+s28], $0x40, s14, s28, $0xb8;
	[tilespmem:$0x11FA0] =	vst v63  }
0x267: {  	_ =	swait.ge [sflag:s0], $0x2000  }
0x268: {  	[sflag:s0] =	ssyncset.done $0x0  }
0x269: {  	[sflag:s0] =	ssyncadd.s32 $0xFFFFE000  }
0x26a: {  	[spmem:s2] =	stream.indirect.scatter.add.bf16 [tilespmem:s29], [sflag:$0x5], $0x40, s30, s28, $0xb8;
	[tilespmem:$0x11FA0] =	vst v63  }
0x26b: {  	_ =	swait.ge [sflag:s25], $0x2000  }
0x26c: {  	[sflag:s25] =	ssyncset.done $0x0  }
0x26d: {  	[sflag:s25] =	ssyncadd.s32 $0xFFFFE000  }
0x26e: {  	[spmem:s3] =	stream.indirect.scatter.add.f32 [tilespmem:s24], [sflag:$0x3], $0x10, s30, s28, $0xb8;
	[tilespmem:$0x11FA0] =	vst v63  }
0x26f: {  	s9 =	simm.s32 $0x800  }
0x270: {  	[tilespmem:s29], [sflag:$0x1] =	stream.indirect.gather [hbm4b:s5+s28], $0x40, s9, s28, $0xb8;
	[tilespmem:$0x11FA0] =	vst v63  }
0x271: {  	_ =	swait.ge [sflag:s6], $0x2000  }
0x272: {  	[sflag:s6] =	ssyncset.done $0x0  }
0x273: {  	[sflag:s6] =	ssyncadd.s32 $0xFFFFE000  }
0x274: {  	[spmem:s2] =	stream.indirect.scatter.add.bf16 [tilespmem:s31], [sflag:$0x5], $0x40, s26, s28, $0xb8;
	[tilespmem:$0x11FA0] =	vst v63  }
0x275: {  	_ =	swait.ge [sflag:s25], $0x2000  }
0x276: {  	[sflag:s25] =	ssyncset.done $0x0  }
0x277: {  	[sflag:s25] =	ssyncadd.s32 $0xFFFFE000  }
0x278: {  	[spmem:s3] =	stream.indirect.scatter.add.f32 [tilespmem:s24], [sflag:$0x3], $0x10, s26, s28, $0xb8;
	[tilespmem:$0x11FA0] =	vst v63  }
0x279: {  	s12 =	simm.s32 $0x880  }
0x27a: {  	[tilespmem:s31], [sflag:$0x2] =	stream.indirect.gather [hbm4b:s5+s28], $0x40, s12, s28, $0xb8;
	[tilespmem:$0x11FA0] =	vst v63  }
0x27b: {  	_ =	swait.ge [sflag:s0], $0x2000  }
0x27c: {  	[sflag:s0] =	ssyncset.done $0x0  }
0x27d: {  	[sflag:s0] =	ssyncadd.s32 $0xFFFFE000  }
0x27e: {  	[spmem:s2] =	stream.indirect.scatter.add.bf16 [tilespmem:s29], [sflag:$0x5], $0x40, s20, s28, $0xb8;
	[tilespmem:$0x11FA0] =	vst v63  }
0x27f: {  	_ =	swait.ge [sflag:s25], $0x2000  }
0x280: {  	[sflag:s25] =	ssyncset.done $0x0  }
0x281: {  	[sflag:s25] =	ssyncadd.s32 $0xFFFFE000  }
0x282: {  	[spmem:s3] =	stream.indirect.scatter.add.f32 [tilespmem:s24], [sflag:$0x3], $0x10, s20, s28, $0xb8;
	[tilespmem:$0x11FA0] =	vst v63  }
0x283: {  	s14 =	simm.s32 $0x900  }
0x284: {  	[tilespmem:s29], [sflag:$0x1] =	stream.indirect.gather [hbm4b:s5+s28], $0x40, s14, s28, $0xb8;
	[tilespmem:$0x11FA0] =	vst v63  }
0x285: {  	_ =	swait.ge [sflag:s6], $0x2000  }
0x286: {  	[sflag:s6] =	ssyncset.done $0x0  }
0x287: {  	s9 =	simm.s32 $0x1280;
	[sflag:s6] =	ssyncadd.s32 $0xFFFFE000  }
0x288: {  	[spmem:s2] =	stream.indirect.scatter.add.bf16 [tilespmem:s31], [sflag:$0x5], $0x40, s9, s28, $0xb8;
	[tilespmem:$0x11FA0] =	vst v63  }
0x289: {  	_ =	swait.ge [sflag:s25], $0x2000  }
0x28a: {  	[sflag:s25] =	ssyncset.done $0x0  }
0x28b: {  	[sflag:s25] =	ssyncadd.s32 $0xFFFFE000  }
0x28c: {  	[spmem:s3] =	stream.indirect.scatter.add.f32 [tilespmem:s24], [sflag:$0x3], $0x10, s9, s28, $0xb8;
	[tilespmem:$0x11FA0] =	vst v63  }
0x28d: {  	s14 =	simm.s32 $0x980  }
0x28e: {  	[tilespmem:s31], [sflag:$0x2] =	stream.indirect.gather [hbm4b:s5+s28], $0x40, s14, s28, $0xb8;
	[tilespmem:$0x11FA0] =	vst v63  }
0x28f: {  	_ =	swait.ge [sflag:s0], $0x2000  }
0x290: {  	[sflag:s0] =	ssyncset.done $0x0  }
0x291: {  	s9 =	simm.s32 $0x1300;
	[sflag:s0] =	ssyncadd.s32 $0xFFFFE000  }
0x292: {  	[spmem:s2] =	stream.indirect.scatter.add.bf16 [tilespmem:s29], [sflag:$0x5], $0x40, s9, s28, $0xb8;
	[tilespmem:$0x11FA0] =	vst v63  }
0x293: {  	_ =	swait.ge [sflag:s25], $0x2000  }
0x294: {  	[sflag:s25] =	ssyncset.done $0x0  }
0x295: {  	[sflag:s25] =	ssyncadd.s32 $0xFFFFE000  }
0x296: {  	[spmem:s3] =	stream.indirect.scatter.add.f32 [tilespmem:s24], [sflag:$0x3], $0x10, s9, s28, $0xb8;
	[tilespmem:$0x11FA0] =	vst v63  }
0x297: {  	_ =	swait.ge [sflag:s6], $0x2000  }
0x298: {  	[sflag:s6] =	ssyncset.done $0x0  }
0x299: {  	s14 =	simm.s32 $0x1380;
	[sflag:s6] =	ssyncadd.s32 $0xFFFFE000  }
0x29a: {  	[spmem:s2] =	stream.indirect.scatter.add.bf16 [tilespmem:s31], [sflag:$0x5], $0x40, s14, s28, $0xb8;
	[tilespmem:$0x11FA0] =	vst v63  }
0x29b: {  	_ =	swait.ge [sflag:s25], $0x2000  }
0x29c: {  	[sflag:s25] =	ssyncset.done $0x0  }
0x29d: {  	[sflag:s25] =	ssyncadd.s32 $0xFFFFE000  }
0x29e: {  	[spmem:s3] =	stream.indirect.scatter.add.f32 [tilespmem:s24], [sflag:$0x3], $0x10, s14, s28, $0xb8;
	[tilespmem:$0x11FA0] =	vst v63  }
0x29f: {  	s14 =	rddreg [dreg:$0x10]  }
0x2a0: {  	[tilespmem:s1], [sflag:$0x5] =	stream.linear.gather [hbm4b:s14+s1], $0xA00, $0x38;
	[tilespmem:$0x11FA0] =	vst v63  }
0x2a1: {  	_ =	swait.ge [sflag:s25], $0xA00  }
0x2a2: {  	[sflag:s25] =	ssyncset.done $0x0  }
0x2a3: {  	s14 =	rddreg [dreg:$0x11];
	[sflag:s25] =	ssyncadd.s32 $0xFFFFF600  }
0x2a4: {  	[tilespmem:s4], [sflag:$0x5] =	stream.linear.gather [hbm4b:s14+s1], $0xA00, $0x38;
	[tilespmem:$0x11FA0] =	vst v63  }
0x2a5: {  	_ =	swait.ge [sflag:s25], $0xA00  }
0x2a6: {  	[sflag:s25] =	ssyncset.done $0x0  }
0x2a7: {  	[sflag:s25] =	ssyncadd.s32 $0xFFFFF600  }
0x2a8: {  	[tilespmem:s29], [sflag:$0x1] =	stream.indirect.gather [hbm4b:s5+s28], $0x40, s1, s28, $0xb8;
	[tilespmem:$0x11FA0] =	vst v63  }
0x2a9: {  	_ = 	snop  }
0x2aa: {  	[tilespmem:s31], [sflag:$0x2] =	stream.indirect.gather [hbm4b:s5+s28], $0x40, s28, s28, $0xb8;
	[tilespmem:$0x11FA0] =	vst v63  }
0x2ab: {  	_ =	swait.ge [sflag:s0], $0x2000  }
0x2ac: {  	[sflag:s0] =	ssyncset.done $0x0  }
0x2ad: {  	[sflag:s0] =	ssyncadd.s32 $0xFFFFE000  }
0x2ae: {  	[spmem:s2] =	stream.indirect.scatter.add.bf16 [tilespmem:s29], [sflag:$0x5], $0x40, s4, s28, $0xb8;
	[tilespmem:$0x11FA0] =	vst v63  }
0x2af: {  	_ =	swait.ge [sflag:s25], $0x2000  }
0x2b0: {  	[sflag:s25] =	ssyncset.done $0x0  }
0x2b1: {  	[sflag:s25] =	ssyncadd.s32 $0xFFFFE000  }
0x2b2: {  	[spmem:s3] =	stream.indirect.scatter.add.f32 [tilespmem:s24], [sflag:$0x3], $0x10, s4, s28, $0xb8;
	[tilespmem:$0x11FA0] =	vst v63  }
0x2b3: {  	s14 =	simm.s32 $0x100  }
0x2b4: {  	[tilespmem:s29], [sflag:$0x1] =	stream.indirect.gather [hbm4b:s5+s28], $0x40, s14, s28, $0xb8;
	[tilespmem:$0x11FA0] =	vst v63  }
0x2b5: {  	_ =	swait.ge [sflag:s6], $0x2000  }
0x2b6: {  	[sflag:s6] =	ssyncset.done $0x0  }
0x2b7: {  	[sflag:s6] =	ssyncadd.s32 $0xFFFFE000  }
0x2b8: {  	[spmem:s2] =	stream.indirect.scatter.add.bf16 [tilespmem:s31], [sflag:$0x5], $0x40, s18, s28, $0xb8;
	[tilespmem:$0x11FA0] =	vst v63  }
0x2b9: {  	_ =	swait.ge [sflag:s25], $0x2000  }
0x2ba: {  	[sflag:s25] =	ssyncset.done $0x0  }
0x2bb: {  	[sflag:s25] =	ssyncadd.s32 $0xFFFFE000  }
0x2bc: {  	[spmem:s3] =	stream.indirect.scatter.add.f32 [tilespmem:s24], [sflag:$0x3], $0x10, s18, s28, $0xb8;
	[tilespmem:$0x11FA0] =	vst v63  }
0x2bd: {  	s18 =	simm.s32 $0x180  }
0x2be: {  	[tilespmem:s31], [sflag:$0x2] =	stream.indirect.gather [hbm4b:s5+s28], $0x40, s18, s28, $0xb8;
	[tilespmem:$0x11FA0] =	vst v63  }
0x2bf: {  	_ =	swait.ge [sflag:s0], $0x2000  }
0x2c0: {  	[sflag:s0] =	ssyncset.done $0x0  }
0x2c1: {  	s14 =	simm.s32 $0xB00;
	[sflag:s0] =	ssyncadd.s32 $0xFFFFE000  }
0x2c2: {  	[spmem:s2] =	stream.indirect.scatter.add.bf16 [tilespmem:s29], [sflag:$0x5], $0x40, s14, s28, $0xb8;
	[tilespmem:$0x11FA0] =	vst v63  }
0x2c3: {  	_ =	swait.ge [sflag:s25], $0x2000  }
0x2c4: {  	[sflag:s25] =	ssyncset.done $0x0  }
0x2c5: {  	[sflag:s25] =	ssyncadd.s32 $0xFFFFE000  }
0x2c6: {  	[spmem:s3] =	stream.indirect.scatter.add.f32 [tilespmem:s24], [sflag:$0x3], $0x10, s14, s28, $0xb8;
	[tilespmem:$0x11FA0] =	vst v63  }
0x2c7: {  	s18 =	simm.s32 $0x200  }
0x2c8: {  	[tilespmem:s29], [sflag:$0x1] =	stream.indirect.gather [hbm4b:s5+s28], $0x40, s18, s28, $0xb8;
	[tilespmem:$0x11FA0] =	vst v63  }
0x2c9: {  	_ =	swait.ge [sflag:s6], $0x2000  }
0x2ca: {  	[sflag:s6] =	ssyncset.done $0x0  }
0x2cb: {  	s14 =	simm.s32 $0xB80;
	[sflag:s6] =	ssyncadd.s32 $0xFFFFE000  }
0x2cc: {  	[spmem:s2] =	stream.indirect.scatter.add.bf16 [tilespmem:s31], [sflag:$0x5], $0x40, s14, s28, $0xb8;
	[tilespmem:$0x11FA0] =	vst v63  }
0x2cd: {  	_ =	swait.ge [sflag:s25], $0x2000  }
0x2ce: {  	[sflag:s25] =	ssyncset.done $0x0  }
0x2cf: {  	[sflag:s25] =	ssyncadd.s32 $0xFFFFE000  }
0x2d0: {  	[spmem:s3] =	stream.indirect.scatter.add.f32 [tilespmem:s24], [sflag:$0x3], $0x10, s14, s28, $0xb8;
	[tilespmem:$0x11FA0] =	vst v63  }
0x2d1: {  	s18 =	simm.s32 $0x280  }
0x2d2: {  	[tilespmem:s31], [sflag:$0x2] =	stream.indirect.gather [hbm4b:s5+s28], $0x40, s18, s28, $0xb8;
	[tilespmem:$0x11FA0] =	vst v63  }
0x2d3: {  	_ =	swait.ge [sflag:s0], $0x2000  }
0x2d4: {  	[sflag:s0] =	ssyncset.done $0x0  }
0x2d5: {  	[sflag:s0] =	ssyncadd.s32 $0xFFFFE000  }
0x2d6: {  	[spmem:s2] =	stream.indirect.scatter.add.bf16 [tilespmem:s29], [sflag:$0x5], $0x40, s23, s28, $0xb8;
	[tilespmem:$0x11FA0] =	vst v63  }
0x2d7: {  	_ =	swait.ge [sflag:s25], $0x2000  }
0x2d8: {  	[sflag:s25] =	ssyncset.done $0x0  }
0x2d9: {  	[sflag:s25] =	ssyncadd.s32 $0xFFFFE000  }
0x2da: {  	[spmem:s3] =	stream.indirect.scatter.add.f32 [tilespmem:s24], [sflag:$0x3], $0x10, s23, s28, $0xb8;
	[tilespmem:$0x11FA0] =	vst v63  }
0x2db: {  	s14 =	simm.s32 $0x300  }
0x2dc: {  	[tilespmem:s29], [sflag:$0x1] =	stream.indirect.gather [hbm4b:s5+s28], $0x40, s14, s28, $0xb8;
	[tilespmem:$0x11FA0] =	vst v63  }
0x2dd: {  	_ =	swait.ge [sflag:s6], $0x2000  }
0x2de: {  	[sflag:s6] =	ssyncset.done $0x0  }
0x2df: {  	s18 =	simm.s32 $0xC80;
	[sflag:s6] =	ssyncadd.s32 $0xFFFFE000  }
0x2e0: {  	[spmem:s2] =	stream.indirect.scatter.add.bf16 [tilespmem:s31], [sflag:$0x5], $0x40, s18, s28, $0xb8;
	[tilespmem:$0x11FA0] =	vst v63  }
0x2e1: {  	_ =	swait.ge [sflag:s25], $0x2000  }
0x2e2: {  	[sflag:s25] =	ssyncset.done $0x0  }
0x2e3: {  	[sflag:s25] =	ssyncadd.s32 $0xFFFFE000  }
0x2e4: {  	[spmem:s3] =	stream.indirect.scatter.add.f32 [tilespmem:s24], [sflag:$0x3], $0x10, s18, s28, $0xb8;
	[tilespmem:$0x11FA0] =	vst v63  }
0x2e5: {  	s14 =	simm.s32 $0x380  }
0x2e6: {  	[tilespmem:s31], [sflag:$0x2] =	stream.indirect.gather [hbm4b:s5+s28], $0x40, s14, s28, $0xb8;
	[tilespmem:$0x11FA0] =	vst v63  }
0x2e7: {  	_ =	swait.ge [sflag:s0], $0x2000  }
0x2e8: {  	[sflag:s0] =	ssyncset.done $0x0  }
0x2e9: {  	[sflag:s0] =	ssyncadd.s32 $0xFFFFE000  }
0x2ea: {  	[spmem:s2] =	stream.indirect.scatter.add.bf16 [tilespmem:s29], [sflag:$0x5], $0x40, s15, s28, $0xb8;
	[tilespmem:$0x11FA0] =	vst v63  }
0x2eb: {  	_ =	swait.ge [sflag:s25], $0x2000  }
0x2ec: {  	[sflag:s25] =	ssyncset.done $0x0  }
0x2ed: {  	[sflag:s25] =	ssyncadd.s32 $0xFFFFE000  }
0x2ee: {  	[spmem:s3] =	stream.indirect.scatter.add.f32 [tilespmem:s24], [sflag:$0x3], $0x10, s15, s28, $0xb8;
	[tilespmem:$0x11FA0] =	vst v63  }
0x2ef: {  	s18 =	simm.s32 $0x400  }
0x2f0: {  	[tilespmem:s29], [sflag:$0x1] =	stream.indirect.gather [hbm4b:s5+s28], $0x40, s18, s28, $0xb8;
	[tilespmem:$0x11FA0] =	vst v63  }
0x2f1: {  	_ =	swait.ge [sflag:s6], $0x2000  }
0x2f2: {  	[sflag:s6] =	ssyncset.done $0x0  }
0x2f3: {  	[sflag:s6] =	ssyncadd.s32 $0xFFFFE000  }
0x2f4: {  	[spmem:s2] =	stream.indirect.scatter.add.bf16 [tilespmem:s31], [sflag:$0x5], $0x40, s19, s28, $0xb8;
	[tilespmem:$0x11FA0] =	vst v63  }
0x2f5: {  	_ =	swait.ge [sflag:s25], $0x2000  }
0x2f6: {  	[sflag:s25] =	ssyncset.done $0x0  }
0x2f7: {  	[sflag:s25] =	ssyncadd.s32 $0xFFFFE000  }
0x2f8: {  	[spmem:s3] =	stream.indirect.scatter.add.f32 [tilespmem:s24], [sflag:$0x3], $0x10, s19, s28, $0xb8;
	[tilespmem:$0x11FA0] =	vst v63  }
0x2f9: {  	s14 =	simm.s32 $0x480  }
0x2fa: {  	[tilespmem:s31], [sflag:$0x2] =	stream.indirect.gather [hbm4b:s5+s28], $0x40, s14, s28, $0xb8;
	[tilespmem:$0x11FA0] =	vst v63  }
0x2fb: {  	_ =	swait.ge [sflag:s0], $0x2000  }
0x2fc: {  	[sflag:s0] =	ssyncset.done $0x0  }
0x2fd: {  	[sflag:s0] =	ssyncadd.s32 $0xFFFFE000  }
0x2fe: {  	[spmem:s2] =	stream.indirect.scatter.add.bf16 [tilespmem:s29], [sflag:$0x5], $0x40, s11, s28, $0xb8;
	[tilespmem:$0x11FA0] =	vst v63  }
0x2ff: {  	_ =	swait.ge [sflag:s25], $0x2000  }
0x300: {  	[sflag:s25] =	ssyncset.done $0x0  }
0x301: {  	[sflag:s25] =	ssyncadd.s32 $0xFFFFE000  }
0x302: {  	[spmem:s3] =	stream.indirect.scatter.add.f32 [tilespmem:s24], [sflag:$0x3], $0x10, s11, s28, $0xb8;
	[tilespmem:$0x11FA0] =	vst v63  }
0x303: {  	s18 =	simm.s32 $0x500  }
0x304: {  	[tilespmem:s29], [sflag:$0x1] =	stream.indirect.gather [hbm4b:s5+s28], $0x40, s18, s28, $0xb8;
	[tilespmem:$0x11FA0] =	vst v63  }
0x305: {  	_ =	swait.ge [sflag:s6], $0x2000  }
0x306: {  	[sflag:s6] =	ssyncset.done $0x0  }
0x307: {  	[sflag:s6] =	ssyncadd.s32 $0xFFFFE000  }
0x308: {  	[spmem:s2] =	stream.indirect.scatter.add.bf16 [tilespmem:s31], [sflag:$0x5], $0x40, s16, s28, $0xb8;
	[tilespmem:$0x11FA0] =	vst v63  }
0x309: {  	_ =	swait.ge [sflag:s25], $0x2000  }
0x30a: {  	[sflag:s25] =	ssyncset.done $0x0  }
0x30b: {  	[sflag:s25] =	ssyncadd.s32 $0xFFFFE000  }
0x30c: {  	[spmem:s3] =	stream.indirect.scatter.add.f32 [tilespmem:s24], [sflag:$0x3], $0x10, s16, s28, $0xb8;
	[tilespmem:$0x11FA0] =	vst v63  }
0x30d: {  	s11 =	simm.s32 $0x580  }
0x30e: {  	[tilespmem:s31], [sflag:$0x2] =	stream.indirect.gather [hbm4b:s5+s28], $0x40, s11, s28, $0xb8;
	[tilespmem:$0x11FA0] =	vst v63  }
0x30f: {  	_ =	swait.ge [sflag:s0], $0x2000  }
0x310: {  	[sflag:s0] =	ssyncset.done $0x0  }
0x311: {  	[sflag:s0] =	ssyncadd.s32 $0xFFFFE000  }
0x312: {  	[spmem:s2] =	stream.indirect.scatter.add.bf16 [tilespmem:s29], [sflag:$0x5], $0x40, s17, s28, $0xb8;
	[tilespmem:$0x11FA0] =	vst v63  }
0x313: {  	_ =	swait.ge [sflag:s25], $0x2000  }
0x314: {  	[sflag:s25] =	ssyncset.done $0x0  }
0x315: {  	[sflag:s25] =	ssyncadd.s32 $0xFFFFE000  }
0x316: {  	[spmem:s3] =	stream.indirect.scatter.add.f32 [tilespmem:s24], [sflag:$0x3], $0x10, s17, s28, $0xb8;
	[tilespmem:$0x11FA0] =	vst v63  }
0x317: {  	s14 =	simm.s32 $0x600  }
0x318: {  	[tilespmem:s29], [sflag:$0x1] =	stream.indirect.gather [hbm4b:s5+s28], $0x40, s14, s28, $0xb8;
	[tilespmem:$0x11FA0] =	vst v63  }
0x319: {  	_ =	swait.ge [sflag:s6], $0x2000  }
0x31a: {  	[sflag:s6] =	ssyncset.done $0x0  }
0x31b: {  	[sflag:s6] =	ssyncadd.s32 $0xFFFFE000  }
0x31c: {  	[spmem:s2] =	stream.indirect.scatter.add.bf16 [tilespmem:s31], [sflag:$0x5], $0x40, s22, s28, $0xb8;
	[tilespmem:$0x11FA0] =	vst v63  }
0x31d: {  	_ =	swait.ge [sflag:s25], $0x2000  }
0x31e: {  	[sflag:s25] =	ssyncset.done $0x0  }
0x31f: {  	[sflag:s25] =	ssyncadd.s32 $0xFFFFE000  }
0x320: {  	[spmem:s3] =	stream.indirect.scatter.add.f32 [tilespmem:s24], [sflag:$0x3], $0x10, s22, s28, $0xb8;
	[tilespmem:$0x11FA0] =	vst v63  }
0x321: {  	s16 =	simm.s32 $0x680  }
0x322: {  	[tilespmem:s31], [sflag:$0x2] =	stream.indirect.gather [hbm4b:s5+s28], $0x40, s16, s28, $0xb8;
	[tilespmem:$0x11FA0] =	vst v63  }
0x323: {  	_ =	swait.ge [sflag:s0], $0x2000  }
0x324: {  	[sflag:s0] =	ssyncset.done $0x0  }
0x325: {  	[sflag:s0] =	ssyncadd.s32 $0xFFFFE000  }
0x326: {  	[spmem:s2] =	stream.indirect.scatter.add.bf16 [tilespmem:s29], [sflag:$0x5], $0x40, s21, s28, $0xb8;
	[tilespmem:$0x11FA0] =	vst v63  }
0x327: {  	_ =	swait.ge [sflag:s25], $0x2000  }
0x328: {  	[sflag:s25] =	ssyncset.done $0x0  }
0x329: {  	[sflag:s25] =	ssyncadd.s32 $0xFFFFE000  }
0x32a: {  	[spmem:s3] =	stream.indirect.scatter.add.f32 [tilespmem:s24], [sflag:$0x3], $0x10, s21, s28, $0xb8;
	[tilespmem:$0x11FA0] =	vst v63  }
0x32b: {  	s18 =	simm.s32 $0x700  }
0x32c: {  	[tilespmem:s29], [sflag:$0x1] =	stream.indirect.gather [hbm4b:s5+s28], $0x40, s18, s28, $0xb8;
	[tilespmem:$0x11FA0] =	vst v63  }
0x32d: {  	_ =	swait.ge [sflag:s6], $0x2000  }
0x32e: {  	[sflag:s6] =	ssyncset.done $0x0  }
0x32f: {  	[sflag:s6] =	ssyncadd.s32 $0xFFFFE000  }
0x330: {  	[spmem:s2] =	stream.indirect.scatter.add.bf16 [tilespmem:s31], [sflag:$0x5], $0x40, s13, s28, $0xb8;
	[tilespmem:$0x11FA0] =	vst v63  }
0x331: {  	_ =	swait.ge [sflag:s25], $0x2000  }
0x332: {  	[sflag:s25] =	ssyncset.done $0x0  }
0x333: {  	[sflag:s25] =	ssyncadd.s32 $0xFFFFE000  }
0x334: {  	[spmem:s3] =	stream.indirect.scatter.add.f32 [tilespmem:s24], [sflag:$0x3], $0x10, s13, s28, $0xb8;
	[tilespmem:$0x11FA0] =	vst v63  }
0x335: {  	s11 =	simm.s32 $0x780  }
0x336: {  	[tilespmem:s31], [sflag:$0x2] =	stream.indirect.gather [hbm4b:s5+s28], $0x40, s11, s28, $0xb8;
	[tilespmem:$0x11FA0] =	vst v63  }
0x337: {  	_ =	swait.ge [sflag:s0], $0x2000  }
0x338: {  	[sflag:s0] =	ssyncset.done $0x0  }
0x339: {  	[sflag:s0] =	ssyncadd.s32 $0xFFFFE000  }
0x33a: {  	[spmem:s2] =	stream.indirect.scatter.add.bf16 [tilespmem:s29], [sflag:$0x5], $0x40, s30, s28, $0xb8;
	[tilespmem:$0x11FA0] =	vst v63  }
0x33b: {  	_ =	swait.ge [sflag:s25], $0x2000  }
0x33c: {  	[sflag:s25] =	ssyncset.done $0x0  }
0x33d: {  	[sflag:s25] =	ssyncadd.s32 $0xFFFFE000  }
0x33e: {  	[spmem:s3] =	stream.indirect.scatter.add.f32 [tilespmem:s24], [sflag:$0x3], $0x10, s30, s28, $0xb8;
	[tilespmem:$0x11FA0] =	vst v63  }
0x33f: {  	s14 =	simm.s32 $0x800  }
0x340: {  	[tilespmem:s29], [sflag:$0x1] =	stream.indirect.gather [hbm4b:s5+s28], $0x40, s14, s28, $0xb8;
	[tilespmem:$0x11FA0] =	vst v63  }
0x341: {  	_ =	swait.ge [sflag:s6], $0x2000  }
0x342: {  	[sflag:s6] =	ssyncset.done $0x0  }
0x343: {  	[sflag:s6] =	ssyncadd.s32 $0xFFFFE000  }
0x344: {  	[spmem:s2] =	stream.indirect.scatter.add.bf16 [tilespmem:s31], [sflag:$0x5], $0x40, s26, s28, $0xb8;
	[tilespmem:$0x11FA0] =	vst v63  }
0x345: {  	_ =	swait.ge [sflag:s25], $0x2000  }
0x346: {  	[sflag:s25] =	ssyncset.done $0x0  }
0x347: {  	[sflag:s25] =	ssyncadd.s32 $0xFFFFE000  }
0x348: {  	[spmem:s3] =	stream.indirect.scatter.add.f32 [tilespmem:s24], [sflag:$0x3], $0x10, s26, s28, $0xb8;
	[tilespmem:$0x11FA0] =	vst v63  }
0x349: {  	s16 =	simm.s32 $0x880  }
0x34a: {  	[tilespmem:s31], [sflag:$0x2] =	stream.indirect.gather [hbm4b:s5+s28], $0x40, s16, s28, $0xb8;
	[tilespmem:$0x11FA0] =	vst v63  }
0x34b: {  	_ =	swait.ge [sflag:s0], $0x2000  }
0x34c: {  	[sflag:s0] =	ssyncset.done $0x0  }
0x34d: {  	[sflag:s0] =	ssyncadd.s32 $0xFFFFE000  }
0x34e: {  	[spmem:s2] =	stream.indirect.scatter.add.bf16 [tilespmem:s29], [sflag:$0x5], $0x40, s20, s28, $0xb8;
	[tilespmem:$0x11FA0] =	vst v63  }
0x34f: {  	_ =	swait.ge [sflag:s25], $0x2000  }
0x350: {  	[sflag:s25] =	ssyncset.done $0x0  }
0x351: {  	[sflag:s25] =	ssyncadd.s32 $0xFFFFE000  }
0x352: {  	[spmem:s3] =	stream.indirect.scatter.add.f32 [tilespmem:s24], [sflag:$0x3], $0x10, s20, s28, $0xb8;
	[tilespmem:$0x11FA0] =	vst v63  }
0x353: {  	s18 =	simm.s32 $0x900  }
0x354: {  	[tilespmem:s29], [sflag:$0x1] =	stream.indirect.gather [hbm4b:s5+s28], $0x40, s18, s28, $0xb8;
	[tilespmem:$0x11FA0] =	vst v63  }
0x355: {  	_ =	swait.ge [sflag:s6], $0x2000  }
0x356: {  	[sflag:s6] =	ssyncset.done $0x0  }
0x357: {  	s12 =	simm.s32 $0x1280;
	[sflag:s6] =	ssyncadd.s32 $0xFFFFE000  }
0x358: {  	[spmem:s2] =	stream.indirect.scatter.add.bf16 [tilespmem:s31], [sflag:$0x5], $0x40, s12, s28, $0xb8;
	[tilespmem:$0x11FA0] =	vst v63  }
0x359: {  	_ =	swait.ge [sflag:s25], $0x2000  }
0x35a: {  	[sflag:s25] =	ssyncset.done $0x0  }
0x35b: {  	[sflag:s25] =	ssyncadd.s32 $0xFFFFE000  }
0x35c: {  	[spmem:s3] =	stream.indirect.scatter.add.f32 [tilespmem:s24], [sflag:$0x3], $0x10, s12, s28, $0xb8;
	[tilespmem:$0x11FA0] =	vst v63  }
0x35d: {  	s20 =	simm.s32 $0x980  }
0x35e: {  	[tilespmem:s31], [sflag:$0x2] =	stream.indirect.gather [hbm4b:s5+s28], $0x40, s20, s28, $0xb8;
	[tilespmem:$0x11FA0] =	vst v63  }
0x35f: {  	_ =	swait.ge [sflag:s0], $0x2000  }
0x360: {  	[sflag:s0] =	ssyncset.done $0x0  }
0x361: {  	s8 =	simm.s32 $0x1300;
	[sflag:s0] =	ssyncadd.s32 $0xFFFFE000  }
0x362: {  	[spmem:s2] =	stream.indirect.scatter.add.bf16 [tilespmem:s29], [sflag:$0x5], $0x40, s8, s28, $0xb8;
	[tilespmem:$0x11FA0] =	vst v63  }
0x363: {  	_ =	swait.ge [sflag:s25], $0x2000  }
0x364: {  	[sflag:s25] =	ssyncset.done $0x0  }
0x365: {  	[sflag:s25] =	ssyncadd.s32 $0xFFFFE000  }
0x366: {  	[spmem:s3] =	stream.indirect.scatter.add.f32 [tilespmem:s24], [sflag:$0x3], $0x10, s8, s28, $0xb8;
	[tilespmem:$0x11FA0] =	vst v63  }
0x367: {  	_ =	swait.ge [sflag:s6], $0x2000  }
0x368: {  	[sflag:s6] =	ssyncset.done $0x0  }
0x369: {  	s9 =	simm.s32 $0x1380;
	[sflag:s6] =	ssyncadd.s32 $0xFFFFE000  }
0x36a: {  	[spmem:s2] =	stream.indirect.scatter.add.bf16 [tilespmem:s31], [sflag:$0x5], $0x40, s9, s28, $0xb8;
	[tilespmem:$0x11FA0] =	vst v63  }
0x36b: {  	_ =	swait.ge [sflag:s25], $0x2000  }
0x36c: {  	[sflag:s25] =	ssyncset.done $0x0  }
0x36d: {  	[sflag:s25] =	ssyncadd.s32 $0xFFFFE000  }
0x36e: {  	[spmem:s3] =	stream.indirect.scatter.add.f32 [tilespmem:s24], [sflag:$0x3], $0x10, s9, s28, $0xb8;
	[tilespmem:$0x11FA0] =	vst v63  }
0x36f: {  	_ =	swait.ge [sflag:s7], $0x800  }
0x370: {  	s14 =	simm.s32 $0x4F;
	[sflag:s7] =	ssyncset.done $0x0  }
.LBB2_2:
0x371: {  	p0 =	sne.s32 s14, $0x1;
	s14 =	sadd.s32 $0xFFFFFFFF, s14;
	[sflag:s7] =	ssyncadd.s32 $0xFFFFF800  }
.Ltmp0:
0x372: {  	(pc) =	sbr.rel @p0 .LBB2_2-.Ltmp0, $3  }
0x373: {  	_ =	sdelay $0x1  }
0x374: {  	_ =	swait.ge [sflag:s7], $0x800  }
0x375: {  	[sflag:s7] =	ssyncset.done $0x0  }
0x376: {  	[sflag:s7] =	ssyncadd.s32 $0xFFFFF800  }
0x377: {  	[bflag:$0x0] =	sbarrier.arrive $0xFFFF  }
0x378: {  	s14 =	rddreg [dreg:$0x8]  }
0x379: {  	s16 =	rddreg [dreg:$0x12]  }
0x37a: {  	s18 =	rddreg [dreg:$0x15];
	s14 =	sor.u32 $0x1C05, s14  }
0x37b: {  	[hbm:s16], [sflag:s14] =	dma.local [spmem:s18], $0x1390  }
0x37c: {  	_ =	swait.ge [sflag:s25], $0x1390  }
0x37d: {  	[sflag:s25] =	ssyncset.done $0x0;
	s12 =	rddreg [dreg:$0x13]  }
0x37e: {  	s20 =	rddreg [dreg:$0x16];
	[sflag:s25] =	ssyncadd.s32 $0xFFFFEC70  }
0x37f: {  	[hbm:s12], [sflag:s14] =	dma.local [spmem:s20], $0x4E4  }
0x380: {  	_ =	swait.ge [sflag:s25], $0x4E4  }
0x381: {  	s10 =	sadd.s32 $0x1, s10;
	s16 =	rddreg [dreg:$0x14]  }
0x382: {  	p0 =	sne.s32 s10, s16  }
.Ltmp1:
0x383: {  	_ = 	snop;
	(pc) =	sbr.rel @p0 .LBB2_1-.Ltmp1, $3  }
0x384: {  	_ =	sdelay $0x1  }
0x385: {  	[sflag:s25] =	ssyncset.done $0x0  }
0x386: {  	[sflag:s25] =	ssyncadd.s32 $0xFFFFFB1C  }
0x387: {  	_ =	sfence.sel $0x180000  }
0x388: {  	[bflag:$0x0] =	sbarrier.arrive $0xFFFF  }
0x389: {  	_ =	strace $0x90000047  }
0x38a: {  	s0 =	stileid.u32;
	[bflag:$0x2] =	sbarrier.arrive $0xFFFF  }
0x38b: {  	p0 =	sne.s32 s0, $0x0;
	s0 =	rddreg [dreg:$0x4]  }
0x38c: {  	s0 =	sadd.s32 @!p0 $0x100000, s0  }
0x38d: {  	[sflag:s0] =	ssyncadd.tile.s32 @!p0 $0x1;
	_ =	shalt  }
.Lfunc_end2:
_tile_overlayer_lowered:
.L_overlay_start_2:
0x38e: {  	(tag) =	ssettag $0x2  }
0x38f: {  	s0 =	rddreg [dreg:$0x0];
	s2 =	stileid.u32  }
0x390: {  	s1 =	rddreg [dreg:$0x1];
	p0 =	sne.s32 s2, $0x0  }
0x391: {  	s3 =	rddreg [dreg:$0x2];
	[bflag:$0x3] =	sbarrier.arrive $0xFFFF;
	s2 =	simm.s32 @!p0 $0x1C05  }
0x392: {  	[timem:s3], [sflag:s2] =	dma.local @!p0 [hbm:s0], s1  }
0x393: {  	s0 =	simm.s32 @!p0 $0x5  }
0x394: {  	_ =	swait.ge @!p0 [sflag:s0], s1  }
0x395: {  	s1 =	ssub.s32 @!p0 $0x0, s1;
	[sflag:s0] =	ssyncset.done @!p0 $0x0  }
0x396: {  	[sflag:s0] =	ssyncadd.s32 @!p0 s1  }
0x397: {  	[bflag:$0x3] =	sbarrier.arrive $0xFFFF  }
0x398: {  	_ =	shalt  }

</sc_bundles>
